<compile_context>
chip_gen: v7x
topology: tpu7x:2x2x1
jax: 0.10.2.dev20260603
libtpu: 0.0.44.dev20260713+nightly
codegen_flags: <defaults>
</compile_context>

<pallas_src>
import functools
import math

import jax
import jax.numpy as jnp
from jax import lax
from jax.experimental import pallas as pl
from jax.experimental.pallas import tpu as pltpu
from jax.experimental.pallas import tpu_sc as plsc

D_DIM = 512
VOCAB = 256
SCALE = math.sqrt(float(D_DIM))
REPL = 8


def _make_sc_kernel(B: int):
    info = plsc.get_sparse_core_info()
    NC, NS, L = info.num_cores, info.num_subcores, info.num_lanes
    NW = NC * NS
    assert B % NW == 0
    b_per_w = B // NW
    CH = 32
    assert b_per_w % CH == 0
    n_ch = b_per_w // CH
    NBUF = 6
    rows_per_sub = VOCAB // NS

    mesh = plsc.VectorSubcoreMesh(core_axis_name="c", subcore_axis_name="s")

    @functools.partial(
        pl.kernel,
        mesh=mesh,
        out_type=jax.ShapeDtypeStruct((B, D_DIM), jnp.float32),
        scratch_types=[
            pltpu.VMEM((b_per_w,), jnp.int32),
            pltpu.VMEM((rows_per_sub, D_DIM), jnp.float32),
            pltpu.HBM((NC * REPL * VOCAB, D_DIM), jnp.float32),
            [pltpu.VMEM((CH, D_DIM), jnp.float32)] * NBUF,
            [pltpu.SemaphoreType.DMA] * NBUF,
            [pltpu.SemaphoreType.DMA] * NBUF,
            [pltpu.SemaphoreType.DMA] * REPL,
        ],
    )
    def emb_kernel(x_hbm, table_hbm, out_hbm, idx_v, tslice, stable, bufs,
                   gsems, wsems, psems):
        cid = lax.axis_index("c")
        sid = lax.axis_index("s")
        wid = sid * NC + cid
        base = wid * b_per_w

        row0 = sid * rows_per_sub
        pltpu.sync_copy(table_hbm.at[pl.ds(row0, rows_per_sub)], tslice)
        for r in range(rows_per_sub):
            def scale_body(j, carry, r=r):
                tslice[r, pl.ds(j * L, L)] = tslice[r, pl.ds(j * L, L)] * SCALE
                return carry
            lax.fori_loop(0, D_DIM // L, scale_body, 0)
        rdescs = [
            pltpu.async_copy(
                tslice,
                stable.at[pl.ds((cid * REPL + k) * VOCAB + row0, rows_per_sub)],
                psems[k],
            )
            for k in range(REPL)
        ]

        for d in rdescs:
            d.wait()
        plsc.subcore_barrier()

        pltpu.sync_copy(x_hbm.at[pl.ds(base, b_per_w)], idx_v)
        voff = (cid * REPL + sid % REPL) * VOCAB

        def bias_body(j, carry):
            idx_v[pl.ds(j * L, L)] = idx_v[pl.ds(j * L, L)] + voff
            return carry

        lax.fori_loop(0, b_per_w // L, bias_body, 0)

        def gather_start(c, b):
            return pltpu.async_copy(
                stable.at[idx_v.at[pl.ds(c * CH, CH)]], bufs[b], gsems[b]
            )

        gd = [None] * NBUF
        wd = [None] * NBUF
        pending_writes = {}
        for p in range(min(NBUF - 1, n_ch)):
            gd[p] = gather_start(p, p)
        for c in range(n_ch):
            b = c % NBUF
            gd[b].wait()
            wd[b] = pltpu.async_copy(
                bufs[b], out_hbm.at[pl.ds(base + c * CH, CH)], wsems[b]
            )
            pending_writes[b] = wd[b]
            nxt = c + NBUF - 1
            if nxt < n_ch:
                bb = nxt % NBUF
                if wd[bb] is not None:
                    wd[bb].wait()
                    pending_writes.pop(bb, None)
                gd[bb] = gather_start(nxt, bb)
        for d in pending_writes.values():
            d.wait()

    return emb_kernel


def kernel(x, table):
    B = x.shape[0] * x.shape[1]
    xf = x.reshape(B)
    out = _make_sc_kernel(B)(xf, table)
    return out.reshape(x.shape + (D_DIM,))

# --- scband reference (transcript-rebuilt; emitter-appended) ---
"""Pipeline reference for scband-learned-embedding-19997367730306 (READ-ONLY COPY).

The authoritative reference and input builder live on the scoring server;
editing this copy changes nothing except your own understanding.
"""

import jax, jax.numpy as jnp
import numpy as np
import math

D_DIM = 512
BYTE_RANGE = 256
PAD_IDX = 0

def setup_inputs(seed: int = 0) -> dict:
    key = jax.random.key(seed)
    k1, k2 = jax.random.split(key)
    x = jax.random.randint(k1, (4, 8192), 0, BYTE_RANGE, dtype=jnp.int32)
    table = jax.random.normal(k2, (BYTE_RANGE, D_DIM), dtype=jnp.float32)
    # padding_idx row is initialized to zeros in torch nn.Embedding
    table = table.at[PAD_IDX].set(0.0)
    return {"x": x, "table": table}

def reference(x, table):
    # LearnedEmbedding.forward: self.lut(x) * sqrt(d_dim)
    emb = jnp.take(table, x, axis=0)
    return emb * math.sqrt(D_DIM)

if __name__ == "__main__":
    import jax
    _d = setup_inputs()
    print(jax.jit(kernel)(*tuple(_d.values())))

</pallas_src>

<mosaic_0001>
#map = affine_map<(d0, d1) -> (0)>
#map1 = affine_map<(d0, d1) -> (0, 0)>
module attributes {stable_mosaic.version = 14 : i64} {
  func.func @emb_kernel(%arg0: i32, %arg1: i32, %arg2: memref<32768xi32, #tpu.memory_space<hbm>>, %arg3: memref<256x512xf32, #tpu.memory_space<hbm>>, %arg4: memref<32768x512xf32, #tpu.memory_space<hbm>>, %arg5: memref<1024xi32, #tpu.memory_space<vmem>>, %arg6: memref<16x512xf32, #tpu.memory_space<vmem>>, %arg7: memref<4096x512xf32, #tpu.memory_space<hbm>>, %arg8: memref<32x512xf32, #tpu.memory_space<vmem>>, %arg9: memref<32x512xf32, #tpu.memory_space<vmem>>, %arg10: memref<32x512xf32, #tpu.memory_space<vmem>>, %arg11: memref<32x512xf32, #tpu.memory_space<vmem>>, %arg12: memref<32x512xf32, #tpu.memory_space<vmem>>, %arg13: memref<32x512xf32, #tpu.memory_space<vmem>>, %arg14: memref<!tpu.dma_semaphore, #tpu.memory_space<semaphore_mem>>, %arg15: memref<!tpu.dma_semaphore, #tpu.memory_space<semaphore_mem>>, %arg16: memref<!tpu.dma_semaphore, #tpu.memory_space<semaphore_mem>>, %arg17: memref<!tpu.dma_semaphore, #tpu.memory_space<semaphore_mem>>, %arg18: memref<!tpu.dma_semaphore, #tpu.memory_space<semaphore_mem>>, %arg19: memref<!tpu.dma_semaphore, #tpu.memory_space<semaphore_mem>>, %arg20: memref<!tpu.dma_semaphore, #tpu.memory_space<semaphore_mem>>, %arg21: memref<!tpu.dma_semaphore, #tpu.memory_space<semaphore_mem>>, %arg22: memref<!tpu.dma_semaphore, #tpu.memory_space<semaphore_mem>>, %arg23: memref<!tpu.dma_semaphore, #tpu.memory_space<semaphore_mem>>, %arg24: memref<!tpu.dma_semaphore, #tpu.memory_space<semaphore_mem>>, %arg25: memref<!tpu.dma_semaphore, #tpu.memory_space<semaphore_mem>>, %arg26: memref<!tpu.dma_semaphore, #tpu.memory_space<semaphore_mem>>, %arg27: memref<!tpu.dma_semaphore, #tpu.memory_space<semaphore_mem>>, %arg28: memref<!tpu.dma_semaphore, #tpu.memory_space<semaphore_mem>>, %arg29: memref<!tpu.dma_semaphore, #tpu.memory_space<semaphore_mem>>, %arg30: memref<!tpu.dma_semaphore, #tpu.memory_space<semaphore_mem>>, %arg31: memref<!tpu.dma_semaphore, #tpu.memory_space<semaphore_mem>>, %arg32: memref<!tpu.dma_semaphore, #tpu.memory_space<semaphore_mem>>, %arg33: memref<!tpu.dma_semaphore, #tpu.memory_space<semaphore_mem>>) attributes {dimension_semantics = [#tpu.dimension_semantics<core_parallel>, #tpu.dimension_semantics<subcore_parallel>], iteration_bounds = array<i64: 2, 16>, scalar_prefetch = 0 : i64, scratch_operands = 29 : i64, tpu.core_type = #tpu.core_type<sc_vector_subcore>, window_params = [{transform_indices = #map}, {transform_indices = #map1}, {transform_indices = #map1}]} {
    %mul3A = arith.constant 2 : i32
    %mul3A_0 = arith.muli %arg1, %mul3A : i32
    %add3A = arith.addi %mul3A_0, %arg0 : i32
    %mul3A_1 = arith.constant 1024 : i32
    %mul3A_2 = arith.muli %add3A, %mul3A_1 : i32
    %mul3A_3 = arith.constant 16 : i32
    %mul3A_4 = arith.muli %arg1, %mul3A_3 : i32
    "tpu.region"() ({
      %run_scoped3A = tpu.sem_alloc : memref<!tpu.dma_semaphore, #tpu.memory_space<semaphore_mem>>
      %dma_start3A_878 = arith.constant 0 : i32
      %dma_start3A_879 = tpu.memref_slice %arg3[%mul3A_4, %dma_start3A_878] : memref<256x512xf32, #tpu.memory_space<hbm>> -> memref<16x512xf32, #tpu.memory_space<hbm>>
      %dma_start3A_880 = arith.constant 0 : i32
      %dma_start3A_881 = tpu.memref_slice %arg3[%mul3A_4, %dma_start3A_880] : memref<256x512xf32, #tpu.memory_space<hbm>> -> memref<16x512xf32, #tpu.memory_space<hbm>>
      tpu.enqueue_dma source(%dma_start3A_881 : memref<16x512xf32, #tpu.memory_space<hbm>>) target(%arg6 : memref<16x512xf32, #tpu.memory_space<vmem>>) target_semaphore(%run_scoped3A : memref<!tpu.dma_semaphore, #tpu.memory_space<semaphore_mem>>)
      %dma_wait3A_882 = arith.constant 0 : i32
      %dma_wait3A_883 = tpu.memref_slice %arg3[%mul3A_4, %dma_wait3A_882] : memref<256x512xf32, #tpu.memory_space<hbm>> -> memref<16x512xf32, #tpu.memory_space<hbm>>
      %dma_wait3A_884 = arith.constant 0 : i32
      %dma_wait3A_885 = tpu.memref_slice %arg3[%mul3A_4, %dma_wait3A_884] : memref<256x512xf32, #tpu.memory_space<hbm>> -> memref<16x512xf32, #tpu.memory_space<hbm>>
      tpu.wait_dma2 semaphore(%run_scoped3A : memref<!tpu.dma_semaphore, #tpu.memory_space<semaphore_mem>>) src(%dma_wait3A_885 : memref<16x512xf32, #tpu.memory_space<hbm>>) dst(%arg6 : memref<16x512xf32, #tpu.memory_space<vmem>>)
      tpu.yield
    }) : () -> ()
    %scan3A = arith.constant 0 : i32
    %scan3A_5 = arith.constant 0 : i32
    %scan3A_6 = arith.constant 32 : i32
    %scan3A_7 = arith.addi %scan3A_5, %scan3A_6 : i32
    %scan3A_8 = arith.constant 1 : i32
    scf.for %scan3A_878 = %scan3A_5 to %scan3A_7 step %scan3A_8  : i32 {
      %mul3A_879 = arith.constant 16 : i32
      %mul3A_880 = arith.muli %scan3A_878, %mul3A_879 : i32
      %get3A = arith.constant 0 : i32
      %get3A_881 = arith.index_cast %get3A : i32 to index
      %get3A_882 = arith.index_cast %mul3A_880 : i32 to index
      %get3A_883 = tpu.vector_load %arg6[%get3A_881, %get3A_882] {strides = array<i32>} : memref<16x512xf32, #tpu.memory_space<vmem>>, vector<1x16xf32>,
      %get3A_884 = vector.shape_cast %get3A_883 : vector<1x16xf32> to vector<16xf32>
      %mul3A_885 = arith.constant 22.6274166 : f32
      %mul3A_886 = vector.broadcast %mul3A_885 : f32 to vector<16xf32>
      %mul3A_887 = arith.mulf %get3A_884, %mul3A_886 : vector<16xf32>
      %mul3A_888 = arith.constant 16 : i32
      %mul3A_889 = arith.muli %scan3A_878, %mul3A_888 : i32
      %swap3A = arith.constant 0 : i32
      %swap3A_890 = arith.index_cast %swap3A : i32 to index
      %swap3A_891 = arith.index_cast %mul3A_889 : i32 to index
      %swap3A_892 = tpu.vector_load %arg6[%swap3A_890, %swap3A_891] {strides = array<i32>} : memref<16x512xf32, #tpu.memory_space<vmem>>, vector<1x16xf32>,
      %swap3A_893 = vector.shape_cast %swap3A_892 : vector<1x16xf32> to vector<16xf32>
      %swap3A_894 = vector.shape_cast %mul3A_887 : vector<16xf32> to vector<1x16xf32>
      tpu.vector_store %arg6[%swap3A_890, %swap3A_891], %swap3A_894 {strides = array<i32>} : memref<16x512xf32, #tpu.memory_space<vmem>>, vector<1x16xf32>,
    }
    %scan3A_9 = arith.constant 32 : i32
    %scan3A_10 = arith.constant 0 : i32
    %scan3A_11 = arith.constant 0 : i32
    %scan3A_12 = arith.constant 32 : i32
    %scan3A_13 = arith.addi %scan3A_11, %scan3A_12 : i32
    %scan3A_14 = arith.constant 1 : i32
    scf.for %scan3A_878 = %scan3A_11 to %scan3A_13 step %scan3A_14  : i32 {
      %mul3A_879 = arith.constant 16 : i32
      %mul3A_880 = arith.muli %scan3A_878, %mul3A_879 : i32
      %get3A = arith.constant 1 : i32
      %get3A_881 = arith.index_cast %get3A : i32 to index
      %get3A_882 = arith.index_cast %mul3A_880 : i32 to index
      %get3A_883 = tpu.vector_load %arg6[%get3A_881, %get3A_882] {strides = array<i32>} : memref<16x512xf32, #tpu.memory_space<vmem>>, vector<1x16xf32>,
      %get3A_884 = vector.shape_cast %get3A_883 : vector<1x16xf32> to vector<16xf32>
      %mul3A_885 = arith.constant 22.6274166 : f32
      %mul3A_886 = vector.broadcast %mul3A_885 : f32 to vector<16xf32>
      %mul3A_887 = arith.mulf %get3A_884, %mul3A_886 : vector<16xf32>
      %mul3A_888 = arith.constant 16 : i32
      %mul3A_889 = arith.muli %scan3A_878, %mul3A_888 : i32
      %swap3A = arith.constant 1 : i32
      %swap3A_890 = arith.index_cast %swap3A : i32 to index
      %swap3A_891 = arith.index_cast %mul3A_889 : i32 to index
      %swap3A_892 = tpu.vector_load %arg6[%swap3A_890, %swap3A_891] {strides = array<i32>} : memref<16x512xf32, #tpu.memory_space<vmem>>, vector<1x16xf32>,
      %swap3A_893 = vector.shape_cast %swap3A_892 : vector<1x16xf32> to vector<16xf32>
      %swap3A_894 = vector.shape_cast %mul3A_887 : vector<16xf32> to vector<1x16xf32>
      tpu.vector_store %arg6[%swap3A_890, %swap3A_891], %swap3A_894 {strides = array<i32>} : memref<16x512xf32, #tpu.memory_space<vmem>>, vector<1x16xf32>,
    }
    %scan3A_15 = arith.constant 32 : i32
    %scan3A_16 = arith.constant 0 : i32
    %scan3A_17 = arith.constant 0 : i32
    %scan3A_18 = arith.constant 32 : i32
    %scan3A_19 = arith.addi %scan3A_17, %scan3A_18 : i32
    %scan3A_20 = arith.constant 1 : i32
    scf.for %scan3A_878 = %scan3A_17 to %scan3A_19 step %scan3A_20  : i32 {
      %mul3A_879 = arith.constant 16 : i32
      %mul3A_880 = arith.muli %scan3A_878, %mul3A_879 : i32
      %get3A = arith.constant 2 : i32
      %get3A_881 = arith.index_cast %get3A : i32 to index
      %get3A_882 = arith.index_cast %mul3A_880 : i32 to index
      %get3A_883 = tpu.vector_load %arg6[%get3A_881, %get3A_882] {strides = array<i32>} : memref<16x512xf32, #tpu.memory_space<vmem>>, vector<1x16xf32>,
      %get3A_884 = vector.shape_cast %get3A_883 : vector<1x16xf32> to vector<16xf32>
      %mul3A_885 = arith.constant 22.6274166 : f32
      %mul3A_886 = vector.broadcast %mul3A_885 : f32 to vector<16xf32>
      %mul3A_887 = arith.mulf %get3A_884, %mul3A_886 : vector<16xf32>
      %mul3A_888 = arith.constant 16 : i32
      %mul3A_889 = arith.muli %scan3A_878, %mul3A_888 : i32
      %swap3A = arith.constant 2 : i32
      %swap3A_890 = arith.index_cast %swap3A : i32 to index
      %swap3A_891 = arith.index_cast %mul3A_889 : i32 to index
      %swap3A_892 = tpu.vector_load %arg6[%swap3A_890, %swap3A_891] {strides = array<i32>} : memref<16x512xf32, #tpu.memory_space<vmem>>, vector<1x16xf32>,
      %swap3A_893 = vector.shape_cast %swap3A_892 : vector<1x16xf32> to vector<16xf32>
      %swap3A_894 = vector.shape_cast %mul3A_887 : vector<16xf32> to vector<1x16xf32>
      tpu.vector_store %arg6[%swap3A_890, %swap3A_891], %swap3A_894 {strides = array<i32>} : memref<16x512xf32, #tpu.memory_space<vmem>>, vector<1x16xf32>,
    }
    %scan3A_21 = arith.constant 32 : i32
    %scan3A_22 = arith.constant 0 : i32
    %scan3A_23 = arith.constant 0 : i32
    %scan3A_24 = arith.constant 32 : i32
    %scan3A_25 = arith.addi %scan3A_23, %scan3A_24 : i32
    %scan3A_26 = arith.constant 1 : i32
    scf.for %scan3A_878 = %scan3A_23 to %scan3A_25 step %scan3A_26  : i32 {
      %mul3A_879 = arith.constant 16 : i32
      %mul3A_880 = arith.muli %scan3A_878, %mul3A_879 : i32
      %get3A = arith.constant 3 : i32
      %get3A_881 = arith.index_cast %get3A : i32 to index
      %get3A_882 = arith.index_cast %mul3A_880 : i32 to index
      %get3A_883 = tpu.vector_load %arg6[%get3A_881, %get3A_882] {strides = array<i32>} : memref<16x512xf32, #tpu.memory_space<vmem>>, vector<1x16xf32>,
      %get3A_884 = vector.shape_cast %get3A_883 : vector<1x16xf32> to vector<16xf32>
      %mul3A_885 = arith.constant 22.6274166 : f32
      %mul3A_886 = vector.broadcast %mul3A_885 : f32 to vector<16xf32>
      %mul3A_887 = arith.mulf %get3A_884, %mul3A_886 : vector<16xf32>
      %mul3A_888 = arith.constant 16 : i32
      %mul3A_889 = arith.muli %scan3A_878, %mul3A_888 : i32
      %swap3A = arith.constant 3 : i32
      %swap3A_890 = arith.index_cast %swap3A : i32 to index
      %swap3A_891 = arith.index_cast %mul3A_889 : i32 to index
      %swap3A_892 = tpu.vector_load %arg6[%swap3A_890, %swap3A_891] {strides = array<i32>} : memref<16x512xf32, #tpu.memory_space<vmem>>, vector<1x16xf32>,
      %swap3A_893 = vector.shape_cast %swap3A_892 : vector<1x16xf32> to vector<16xf32>
      %swap3A_894 = vector.shape_cast %mul3A_887 : vector<16xf32> to vector<1x16xf32>
      tpu.vector_store %arg6[%swap3A_890, %swap3A_891], %swap3A_894 {strides = array<i32>} : memref<16x512xf32, #tpu.memory_space<vmem>>, vector<1x16xf32>,
    }
    %scan3A_27 = arith.constant 32 : i32
    %scan3A_28 = arith.constant 0 : i32
    %scan3A_29 = arith.constant 0 : i32
    %scan3A_30 = arith.constant 32 : i32
    %scan3A_31 = arith.addi %scan3A_29, %scan3A_30 : i32
    %scan3A_32 = arith.constant 1 : i32
    scf.for %scan3A_878 = %scan3A_29 to %scan3A_31 step %scan3A_32  : i32 {
      %mul3A_879 = arith.constant 16 : i32
      %mul3A_880 = arith.muli %scan3A_878, %mul3A_879 : i32
      %get3A = arith.constant 4 : i32
      %get3A_881 = arith.index_cast %get3A : i32 to index
      %get3A_882 = arith.index_cast %mul3A_880 : i32 to index
      %get3A_883 = tpu.vector_load %arg6[%get3A_881, %get3A_882] {strides = array<i32>} : memref<16x512xf32, #tpu.memory_space<vmem>>, vector<1x16xf32>,
      %get3A_884 = vector.shape_cast %get3A_883 : vector<1x16xf32> to vector<16xf32>
      %mul3A_885 = arith.constant 22.6274166 : f32
      %mul3A_886 = vector.broadcast %mul3A_885 : f32 to vector<16xf32>
      %mul3A_887 = arith.mulf %get3A_884, %mul3A_886 : vector<16xf32>
      %mul3A_888 = arith.constant 16 : i32
      %mul3A_889 = arith.muli %scan3A_878, %mul3A_888 : i32
      %swap3A = arith.constant 4 : i32
      %swap3A_890 = arith.index_cast %swap3A : i32 to index
      %swap3A_891 = arith.index_cast %mul3A_889 : i32 to index
      %swap3A_892 = tpu.vector_load %arg6[%swap3A_890, %swap3A_891] {strides = array<i32>} : memref<16x512xf32, #tpu.memory_space<vmem>>, vector<1x16xf32>,
      %swap3A_893 = vector.shape_cast %swap3A_892 : vector<1x16xf32> to vector<16xf32>
      %swap3A_894 = vector.shape_cast %mul3A_887 : vector<16xf32> to vector<1x16xf32>
      tpu.vector_store %arg6[%swap3A_890, %swap3A_891], %swap3A_894 {strides = array<i32>} : memref<16x512xf32, #tpu.memory_space<vmem>>, vector<1x16xf32>,
    }
    %scan3A_33 = arith.constant 32 : i32
    %scan3A_34 = arith.constant 0 : i32
    %scan3A_35 = arith.constant 0 : i32
    %scan3A_36 = arith.constant 32 : i32
    %scan3A_37 = arith.addi %scan3A_35, %scan3A_36 : i32
    %scan3A_38 = arith.constant 1 : i32
    scf.for %scan3A_878 = %scan3A_35 to %scan3A_37 step %scan3A_38  : i32 {
      %mul3A_879 = arith.constant 16 : i32
      %mul3A_880 = arith.muli %scan3A_878, %mul3A_879 : i32
      %get3A = arith.constant 5 : i32
      %get3A_881 = arith.index_cast %get3A : i32 to index
      %get3A_882 = arith.index_cast %mul3A_880 : i32 to index
      %get3A_883 = tpu.vector_load %arg6[%get3A_881, %get3A_882] {strides = array<i32>} : memref<16x512xf32, #tpu.memory_space<vmem>>, vector<1x16xf32>,
      %get3A_884 = vector.shape_cast %get3A_883 : vector<1x16xf32> to vector<16xf32>
      %mul3A_885 = arith.constant 22.6274166 : f32
      %mul3A_886 = vector.broadcast %mul3A_885 : f32 to vector<16xf32>
      %mul3A_887 = arith.mulf %get3A_884, %mul3A_886 : vector<16xf32>
      %mul3A_888 = arith.constant 16 : i32
      %mul3A_889 = arith.muli %scan3A_878, %mul3A_888 : i32
      %swap3A = arith.constant 5 : i32
      %swap3A_890 = arith.index_cast %swap3A : i32 to index
      %swap3A_891 = arith.index_cast %mul3A_889 : i32 to index
      %swap3A_892 = tpu.vector_load %arg6[%swap3A_890, %swap3A_891] {strides = array<i32>} : memref<16x512xf32, #tpu.memory_space<vmem>>, vector<1x16xf32>,
      %swap3A_893 = vector.shape_cast %swap3A_892 : vector<1x16xf32> to vector<16xf32>
      %swap3A_894 = vector.shape_cast %mul3A_887 : vector<16xf32> to vector<1x16xf32>
      tpu.vector_store %arg6[%swap3A_890, %swap3A_891], %swap3A_894 {strides = array<i32>} : memref<16x512xf32, #tpu.memory_space<vmem>>, vector<1x16xf32>,
    }
    %scan3A_39 = arith.constant 32 : i32
    %scan3A_40 = arith.constant 0 : i32
    %scan3A_41 = arith.constant 0 : i32
    %scan3A_42 = arith.constant 32 : i32
    %scan3A_43 = arith.addi %scan3A_41, %scan3A_42 : i32
    %scan3A_44 = arith.constant 1 : i32
    scf.for %scan3A_878 = %scan3A_41 to %scan3A_43 step %scan3A_44  : i32 {
      %mul3A_879 = arith.constant 16 : i32
      %mul3A_880 = arith.muli %scan3A_878, %mul3A_879 : i32
      %get3A = arith.constant 6 : i32
      %get3A_881 = arith.index_cast %get3A : i32 to index
      %get3A_882 = arith.index_cast %mul3A_880 : i32 to index
      %get3A_883 = tpu.vector_load %arg6[%get3A_881, %get3A_882] {strides = array<i32>} : memref<16x512xf32, #tpu.memory_space<vmem>>, vector<1x16xf32>,
      %get3A_884 = vector.shape_cast %get3A_883 : vector<1x16xf32> to vector<16xf32>
      %mul3A_885 = arith.constant 22.6274166 : f32
      %mul3A_886 = vector.broadcast %mul3A_885 : f32 to vector<16xf32>
      %mul3A_887 = arith.mulf %get3A_884, %mul3A_886 : vector<16xf32>
      %mul3A_888 = arith.constant 16 : i32
      %mul3A_889 = arith.muli %scan3A_878, %mul3A_888 : i32
      %swap3A = arith.constant 6 : i32
      %swap3A_890 = arith.index_cast %swap3A : i32 to index
      %swap3A_891 = arith.index_cast %mul3A_889 : i32 to index
      %swap3A_892 = tpu.vector_load %arg6[%swap3A_890, %swap3A_891] {strides = array<i32>} : memref<16x512xf32, #tpu.memory_space<vmem>>, vector<1x16xf32>,
      %swap3A_893 = vector.shape_cast %swap3A_892 : vector<1x16xf32> to vector<16xf32>
      %swap3A_894 = vector.shape_cast %mul3A_887 : vector<16xf32> to vector<1x16xf32>
      tpu.vector_store %arg6[%swap3A_890, %swap3A_891], %swap3A_894 {strides = array<i32>} : memref<16x512xf32, #tpu.memory_space<vmem>>, vector<1x16xf32>,
    }
    %scan3A_45 = arith.constant 32 : i32
    %scan3A_46 = arith.constant 0 : i32
    %scan3A_47 = arith.constant 0 : i32
    %scan3A_48 = arith.constant 32 : i32
    %scan3A_49 = arith.addi %scan3A_47, %scan3A_48 : i32
    %scan3A_50 = arith.constant 1 : i32
    scf.for %scan3A_878 = %scan3A_47 to %scan3A_49 step %scan3A_50  : i32 {
      %mul3A_879 = arith.constant 16 : i32
      %mul3A_880 = arith.muli %scan3A_878, %mul3A_879 : i32
      %get3A = arith.constant 7 : i32
      %get3A_881 = arith.index_cast %get3A : i32 to index
      %get3A_882 = arith.index_cast %mul3A_880 : i32 to index
      %get3A_883 = tpu.vector_load %arg6[%get3A_881, %get3A_882] {strides = array<i32>} : memref<16x512xf32, #tpu.memory_space<vmem>>, vector<1x16xf32>,
      %get3A_884 = vector.shape_cast %get3A_883 : vector<1x16xf32> to vector<16xf32>
      %mul3A_885 = arith.constant 22.6274166 : f32
      %mul3A_886 = vector.broadcast %mul3A_885 : f32 to vector<16xf32>
      %mul3A_887 = arith.mulf %get3A_884, %mul3A_886 : vector<16xf32>
      %mul3A_888 = arith.constant 16 : i32
      %mul3A_889 = arith.muli %scan3A_878, %mul3A_888 : i32
      %swap3A = arith.constant 7 : i32
      %swap3A_890 = arith.index_cast %swap3A : i32 to index
      %swap3A_891 = arith.index_cast %mul3A_889 : i32 to index
      %swap3A_892 = tpu.vector_load %arg6[%swap3A_890, %swap3A_891] {strides = array<i32>} : memref<16x512xf32, #tpu.memory_space<vmem>>, vector<1x16xf32>,
      %swap3A_893 = vector.shape_cast %swap3A_892 : vector<1x16xf32> to vector<16xf32>
      %swap3A_894 = vector.shape_cast %mul3A_887 : vector<16xf32> to vector<1x16xf32>
      tpu.vector_store %arg6[%swap3A_890, %swap3A_891], %swap3A_894 {strides = array<i32>} : memref<16x512xf32, #tpu.memory_space<vmem>>, vector<1x16xf32>,
    }
    %scan3A_51 = arith.constant 32 : i32
    %scan3A_52 = arith.constant 0 : i32
    %scan3A_53 = arith.constant 0 : i32
    %scan3A_54 = arith.constant 32 : i32
    %scan3A_55 = arith.addi %scan3A_53, %scan3A_54 : i32
    %scan3A_56 = arith.constant 1 : i32
    scf.for %scan3A_878 = %scan3A_53 to %scan3A_55 step %scan3A_56  : i32 {
      %mul3A_879 = arith.constant 16 : i32
      %mul3A_880 = arith.muli %scan3A_878, %mul3A_879 : i32
      %get3A = arith.constant 8 : i32
      %get3A_881 = arith.index_cast %get3A : i32 to index
      %get3A_882 = arith.index_cast %mul3A_880 : i32 to index
      %get3A_883 = tpu.vector_load %arg6[%get3A_881, %get3A_882] {strides = array<i32>} : memref<16x512xf32, #tpu.memory_space<vmem>>, vector<1x16xf32>,
      %get3A_884 = vector.shape_cast %get3A_883 : vector<1x16xf32> to vector<16xf32>
      %mul3A_885 = arith.constant 22.6274166 : f32
      %mul3A_886 = vector.broadcast %mul3A_885 : f32 to vector<16xf32>
      %mul3A_887 = arith.mulf %get3A_884, %mul3A_886 : vector<16xf32>
      %mul3A_888 = arith.constant 16 : i32
      %mul3A_889 = arith.muli %scan3A_878, %mul3A_888 : i32
      %swap3A = arith.constant 8 : i32
      %swap3A_890 = arith.index_cast %swap3A : i32 to index
      %swap3A_891 = arith.index_cast %mul3A_889 : i32 to index
      %swap3A_892 = tpu.vector_load %arg6[%swap3A_890, %swap3A_891] {strides = array<i32>} : memref<16x512xf32, #tpu.memory_space<vmem>>, vector<1x16xf32>,
      %swap3A_893 = vector.shape_cast %swap3A_892 : vector<1x16xf32> to vector<16xf32>
      %swap3A_894 = vector.shape_cast %mul3A_887 : vector<16xf32> to vector<1x16xf32>
      tpu.vector_store %arg6[%swap3A_890, %swap3A_891], %swap3A_894 {strides = array<i32>} : memref<16x512xf32, #tpu.memory_space<vmem>>, vector<1x16xf32>,
    }
    %scan3A_57 = arith.constant 32 : i32
    %scan3A_58 = arith.constant 0 : i32
    %scan3A_59 = arith.constant 0 : i32
    %scan3A_60 = arith.constant 32 : i32
    %scan3A_61 = arith.addi %scan3A_59, %scan3A_60 : i32
    %scan3A_62 = arith.constant 1 : i32
    scf.for %scan3A_878 = %scan3A_59 to %scan3A_61 step %scan3A_62  : i32 {
      %mul3A_879 = arith.constant 16 : i32
      %mul3A_880 = arith.muli %scan3A_878, %mul3A_879 : i32
      %get3A = arith.constant 9 : i32
      %get3A_881 = arith.index_cast %get3A : i32 to index
      %get3A_882 = arith.index_cast %mul3A_880 : i32 to index
      %get3A_883 = tpu.vector_load %arg6[%get3A_881, %get3A_882] {strides = array<i32>} : memref<16x512xf32, #tpu.memory_space<vmem>>, vector<1x16xf32>,
      %get3A_884 = vector.shape_cast %get3A_883 : vector<1x16xf32> to vector<16xf32>
      %mul3A_885 = arith.constant 22.6274166 : f32
      %mul3A_886 = vector.broadcast %mul3A_885 : f32 to vector<16xf32>
      %mul3A_887 = arith.mulf %get3A_884, %mul3A_886 : vector<16xf32>
      %mul3A_888 = arith.constant 16 : i32
      %mul3A_889 = arith.muli %scan3A_878, %mul3A_888 : i32
      %swap3A = arith.constant 9 : i32
      %swap3A_890 = arith.index_cast %swap3A : i32 to index
      %swap3A_891 = arith.index_cast %mul3A_889 : i32 to index
      %swap3A_892 = tpu.vector_load %arg6[%swap3A_890, %swap3A_891] {strides = array<i32>} : memref<16x512xf32, #tpu.memory_space<vmem>>, vector<1x16xf32>,
      %swap3A_893 = vector.shape_cast %swap3A_892 : vector<1x16xf32> to vector<16xf32>
      %swap3A_894 = vector.shape_cast %mul3A_887 : vector<16xf32> to vector<1x16xf32>
      tpu.vector_store %arg6[%swap3A_890, %swap3A_891], %swap3A_894 {strides = array<i32>} : memref<16x512xf32, #tpu.memory_space<vmem>>, vector<1x16xf32>,
    }
    %scan3A_63 = arith.constant 32 : i32
    %scan3A_64 = arith.constant 0 : i32
    %scan3A_65 = arith.constant 0 : i32
    %scan3A_66 = arith.constant 32 : i32
    %scan3A_67 = arith.addi %scan3A_65, %scan3A_66 : i32
    %scan3A_68 = arith.constant 1 : i32
    scf.for %scan3A_878 = %scan3A_65 to %scan3A_67 step %scan3A_68  : i32 {
      %mul3A_879 = arith.constant 16 : i32
      %mul3A_880 = arith.muli %scan3A_878, %mul3A_879 : i32
      %get3A = arith.constant 10 : i32
      %get3A_881 = arith.index_cast %get3A : i32 to index
      %get3A_882 = arith.index_cast %mul3A_880 : i32 to index
      %get3A_883 = tpu.vector_load %arg6[%get3A_881, %get3A_882] {strides = array<i32>} : memref<16x512xf32, #tpu.memory_space<vmem>>, vector<1x16xf32>,
      %get3A_884 = vector.shape_cast %get3A_883 : vector<1x16xf32> to vector<16xf32>
      %mul3A_885 = arith.constant 22.6274166 : f32
      %mul3A_886 = vector.broadcast %mul3A_885 : f32 to vector<16xf32>
      %mul3A_887 = arith.mulf %get3A_884, %mul3A_886 : vector<16xf32>
      %mul3A_888 = arith.constant 16 : i32
      %mul3A_889 = arith.muli %scan3A_878, %mul3A_888 : i32
      %swap3A = arith.constant 10 : i32
      %swap3A_890 = arith.index_cast %swap3A : i32 to index
      %swap3A_891 = arith.index_cast %mul3A_889 : i32 to index
      %swap3A_892 = tpu.vector_load %arg6[%swap3A_890, %swap3A_891] {strides = array<i32>} : memref<16x512xf32, #tpu.memory_space<vmem>>, vector<1x16xf32>,
      %swap3A_893 = vector.shape_cast %swap3A_892 : vector<1x16xf32> to vector<16xf32>
      %swap3A_894 = vector.shape_cast %mul3A_887 : vector<16xf32> to vector<1x16xf32>
      tpu.vector_store %arg6[%swap3A_890, %swap3A_891], %swap3A_894 {strides = array<i32>} : memref<16x512xf32, #tpu.memory_space<vmem>>, vector<1x16xf32>,
    }
    %scan3A_69 = arith.constant 32 : i32
    %scan3A_70 = arith.constant 0 : i32
    %scan3A_71 = arith.constant 0 : i32
    %scan3A_72 = arith.constant 32 : i32
    %scan3A_73 = arith.addi %scan3A_71, %scan3A_72 : i32
    %scan3A_74 = arith.constant 1 : i32
    scf.for %scan3A_878 = %scan3A_71 to %scan3A_73 step %scan3A_74  : i32 {
      %mul3A_879 = arith.constant 16 : i32
      %mul3A_880 = arith.muli %scan3A_878, %mul3A_879 : i32
      %get3A = arith.constant 11 : i32
      %get3A_881 = arith.index_cast %get3A : i32 to index
      %get3A_882 = arith.index_cast %mul3A_880 : i32 to index
      %get3A_883 = tpu.vector_load %arg6[%get3A_881, %get3A_882] {strides = array<i32>} : memref<16x512xf32, #tpu.memory_space<vmem>>, vector<1x16xf32>,
      %get3A_884 = vector.shape_cast %get3A_883 : vector<1x16xf32> to vector<16xf32>
      %mul3A_885 = arith.constant 22.6274166 : f32
      %mul3A_886 = vector.broadcast %mul3A_885 : f32 to vector<16xf32>
      %mul3A_887 = arith.mulf %get3A_884, %mul3A_886 : vector<16xf32>
      %mul3A_888 = arith.constant 16 : i32
      %mul3A_889 = arith.muli %scan3A_878, %mul3A_888 : i32
      %swap3A = arith.constant 11 : i32
      %swap3A_890 = arith.index_cast %swap3A : i32 to index
      %swap3A_891 = arith.index_cast %mul3A_889 : i32 to index
      %swap3A_892 = tpu.vector_load %arg6[%swap3A_890, %swap3A_891] {strides = array<i32>} : memref<16x512xf32, #tpu.memory_space<vmem>>, vector<1x16xf32>,
      %swap3A_893 = vector.shape_cast %swap3A_892 : vector<1x16xf32> to vector<16xf32>
      %swap3A_894 = vector.shape_cast %mul3A_887 : vector<16xf32> to vector<1x16xf32>
      tpu.vector_store %arg6[%swap3A_890, %swap3A_891], %swap3A_894 {strides = array<i32>} : memref<16x512xf32, #tpu.memory_space<vmem>>, vector<1x16xf32>,
    }
    %scan3A_75 = arith.constant 32 : i32
    %scan3A_76 = arith.constant 0 : i32
    %scan3A_77 = arith.constant 0 : i32
    %scan3A_78 = arith.constant 32 : i32
    %scan3A_79 = arith.addi %scan3A_77, %scan3A_78 : i32
    %scan3A_80 = arith.constant 1 : i32
    scf.for %scan3A_878 = %scan3A_77 to %scan3A_79 step %scan3A_80  : i32 {
      %mul3A_879 = arith.constant 16 : i32
      %mul3A_880 = arith.muli %scan3A_878, %mul3A_879 : i32
      %get3A = arith.constant 12 : i32
      %get3A_881 = arith.index_cast %get3A : i32 to index
      %get3A_882 = arith.index_cast %mul3A_880 : i32 to index
      %get3A_883 = tpu.vector_load %arg6[%get3A_881, %get3A_882] {strides = array<i32>} : memref<16x512xf32, #tpu.memory_space<vmem>>, vector<1x16xf32>,
      %get3A_884 = vector.shape_cast %get3A_883 : vector<1x16xf32> to vector<16xf32>
      %mul3A_885 = arith.constant 22.6274166 : f32
      %mul3A_886 = vector.broadcast %mul3A_885 : f32 to vector<16xf32>
      %mul3A_887 = arith.mulf %get3A_884, %mul3A_886 : vector<16xf32>
      %mul3A_888 = arith.constant 16 : i32
      %mul3A_889 = arith.muli %scan3A_878, %mul3A_888 : i32
      %swap3A = arith.constant 12 : i32
      %swap3A_890 = arith.index_cast %swap3A : i32 to index
      %swap3A_891 = arith.index_cast %mul3A_889 : i32 to index
      %swap3A_892 = tpu.vector_load %arg6[%swap3A_890, %swap3A_891] {strides = array<i32>} : memref<16x512xf32, #tpu.memory_space<vmem>>, vector<1x16xf32>,
      %swap3A_893 = vector.shape_cast %swap3A_892 : vector<1x16xf32> to vector<16xf32>
      %swap3A_894 = vector.shape_cast %mul3A_887 : vector<16xf32> to vector<1x16xf32>
      tpu.vector_store %arg6[%swap3A_890, %swap3A_891], %swap3A_894 {strides = array<i32>} : memref<16x512xf32, #tpu.memory_space<vmem>>, vector<1x16xf32>,
    }
    %scan3A_81 = arith.constant 32 : i32
    %scan3A_82 = arith.constant 0 : i32
    %scan3A_83 = arith.constant 0 : i32
    %scan3A_84 = arith.constant 32 : i32
    %scan3A_85 = arith.addi %scan3A_83, %scan3A_84 : i32
    %scan3A_86 = arith.constant 1 : i32
    scf.for %scan3A_878 = %scan3A_83 to %scan3A_85 step %scan3A_86  : i32 {
      %mul3A_879 = arith.constant 16 : i32
      %mul3A_880 = arith.muli %scan3A_878, %mul3A_879 : i32
      %get3A = arith.constant 13 : i32
      %get3A_881 = arith.index_cast %get3A : i32 to index
      %get3A_882 = arith.index_cast %mul3A_880 : i32 to index
      %get3A_883 = tpu.vector_load %arg6[%get3A_881, %get3A_882] {strides = array<i32>} : memref<16x512xf32, #tpu.memory_space<vmem>>, vector<1x16xf32>,
      %get3A_884 = vector.shape_cast %get3A_883 : vector<1x16xf32> to vector<16xf32>
      %mul3A_885 = arith.constant 22.6274166 : f32
      %mul3A_886 = vector.broadcast %mul3A_885 : f32 to vector<16xf32>
      %mul3A_887 = arith.mulf %get3A_884, %mul3A_886 : vector<16xf32>
      %mul3A_888 = arith.constant 16 : i32
      %mul3A_889 = arith.muli %scan3A_878, %mul3A_888 : i32
      %swap3A = arith.constant 13 : i32
      %swap3A_890 = arith.index_cast %swap3A : i32 to index
      %swap3A_891 = arith.index_cast %mul3A_889 : i32 to index
      %swap3A_892 = tpu.vector_load %arg6[%swap3A_890, %swap3A_891] {strides = array<i32>} : memref<16x512xf32, #tpu.memory_space<vmem>>, vector<1x16xf32>,
      %swap3A_893 = vector.shape_cast %swap3A_892 : vector<1x16xf32> to vector<16xf32>
      %swap3A_894 = vector.shape_cast %mul3A_887 : vector<16xf32> to vector<1x16xf32>
      tpu.vector_store %arg6[%swap3A_890, %swap3A_891], %swap3A_894 {strides = array<i32>} : memref<16x512xf32, #tpu.memory_space<vmem>>, vector<1x16xf32>,
    }
    %scan3A_87 = arith.constant 32 : i32
    %scan3A_88 = arith.constant 0 : i32
    %scan3A_89 = arith.constant 0 : i32
    %scan3A_90 = arith.constant 32 : i32
    %scan3A_91 = arith.addi %scan3A_89, %scan3A_90 : i32
    %scan3A_92 = arith.constant 1 : i32
    scf.for %scan3A_878 = %scan3A_89 to %scan3A_91 step %scan3A_92  : i32 {
      %mul3A_879 = arith.constant 16 : i32
      %mul3A_880 = arith.muli %scan3A_878, %mul3A_879 : i32
      %get3A = arith.constant 14 : i32
      %get3A_881 = arith.index_cast %get3A : i32 to index
      %get3A_882 = arith.index_cast %mul3A_880 : i32 to index
      %get3A_883 = tpu.vector_load %arg6[%get3A_881, %get3A_882] {strides = array<i32>} : memref<16x512xf32, #tpu.memory_space<vmem>>, vector<1x16xf32>,
      %get3A_884 = vector.shape_cast %get3A_883 : vector<1x16xf32> to vector<16xf32>
      %mul3A_885 = arith.constant 22.6274166 : f32
      %mul3A_886 = vector.broadcast %mul3A_885 : f32 to vector<16xf32>
      %mul3A_887 = arith.mulf %get3A_884, %mul3A_886 : vector<16xf32>
      %mul3A_888 = arith.constant 16 : i32
      %mul3A_889 = arith.muli %scan3A_878, %mul3A_888 : i32
      %swap3A = arith.constant 14 : i32
      %swap3A_890 = arith.index_cast %swap3A : i32 to index
      %swap3A_891 = arith.index_cast %mul3A_889 : i32 to index
      %swap3A_892 = tpu.vector_load %arg6[%swap3A_890, %swap3A_891] {strides = array<i32>} : memref<16x512xf32, #tpu.memory_space<vmem>>, vector<1x16xf32>,
      %swap3A_893 = vector.shape_cast %swap3A_892 : vector<1x16xf32> to vector<16xf32>
      %swap3A_894 = vector.shape_cast %mul3A_887 : vector<16xf32> to vector<1x16xf32>
      tpu.vector_store %arg6[%swap3A_890, %swap3A_891], %swap3A_894 {strides = array<i32>} : memref<16x512xf32, #tpu.memory_space<vmem>>, vector<1x16xf32>,
    }
    %scan3A_93 = arith.constant 32 : i32
    %scan3A_94 = arith.constant 0 : i32
    %scan3A_95 = arith.constant 0 : i32
    %scan3A_96 = arith.constant 32 : i32
    %scan3A_97 = arith.addi %scan3A_95, %scan3A_96 : i32
    %scan3A_98 = arith.constant 1 : i32
    scf.for %scan3A_878 = %scan3A_95 to %scan3A_97 step %scan3A_98  : i32 {
      %mul3A_879 = arith.constant 16 : i32
      %mul3A_880 = arith.muli %scan3A_878, %mul3A_879 : i32
      %get3A = arith.constant 15 : i32
      %get3A_881 = arith.index_cast %get3A : i32 to index
      %get3A_882 = arith.index_cast %mul3A_880 : i32 to index
      %get3A_883 = tpu.vector_load %arg6[%get3A_881, %get3A_882] {strides = array<i32>} : memref<16x512xf32, #tpu.memory_space<vmem>>, vector<1x16xf32>,
      %get3A_884 = vector.shape_cast %get3A_883 : vector<1x16xf32> to vector<16xf32>
      %mul3A_885 = arith.constant 22.6274166 : f32
      %mul3A_886 = vector.broadcast %mul3A_885 : f32 to vector<16xf32>
      %mul3A_887 = arith.mulf %get3A_884, %mul3A_886 : vector<16xf32>
      %mul3A_888 = arith.constant 16 : i32
      %mul3A_889 = arith.muli %scan3A_878, %mul3A_888 : i32
      %swap3A = arith.constant 15 : i32
      %swap3A_890 = arith.index_cast %swap3A : i32 to index
      %swap3A_891 = arith.index_cast %mul3A_889 : i32 to index
      %swap3A_892 = tpu.vector_load %arg6[%swap3A_890, %swap3A_891] {strides = array<i32>} : memref<16x512xf32, #tpu.memory_space<vmem>>, vector<1x16xf32>,
      %swap3A_893 = vector.shape_cast %swap3A_892 : vector<1x16xf32> to vector<16xf32>
      %swap3A_894 = vector.shape_cast %mul3A_887 : vector<16xf32> to vector<1x16xf32>
      tpu.vector_store %arg6[%swap3A_890, %swap3A_891], %swap3A_894 {strides = array<i32>} : memref<16x512xf32, #tpu.memory_space<vmem>>, vector<1x16xf32>,
    }
    %scan3A_99 = arith.constant 32 : i32
    %mul3A_100 = arith.constant 8 : i32
    %mul3A_101 = arith.muli %arg0, %mul3A_100 : i32
    %add3A_102 = arith.constant 0 : i32
    %add3A_103 = arith.addi %mul3A_101, %add3A_102 : i32
    %mul3A_104 = arith.constant 256 : i32
    %mul3A_105 = arith.muli %add3A_103, %mul3A_104 : i32
    %add3A_106 = arith.addi %mul3A_105, %mul3A_4 : i32
    %dma_start3A = arith.constant 0 : i32
    %dma_start3A_107 = tpu.memref_slice %arg7[%add3A_106, %dma_start3A] : memref<4096x512xf32, #tpu.memory_space<hbm>> -> memref<16x512xf32, #tpu.memory_space<hbm>>
    %dma_start3A_108 = arith.constant 0 : i32
    %dma_start3A_109 = tpu.memref_slice %arg7[%add3A_106, %dma_start3A_108] : memref<4096x512xf32, #tpu.memory_space<hbm>> -> memref<16x512xf32, #tpu.memory_space<hbm>>
    tpu.enqueue_dma source(%arg6 : memref<16x512xf32, #tpu.memory_space<vmem>>) target(%dma_start3A_109 : memref<16x512xf32, #tpu.memory_space<hbm>>) target_semaphore(%arg26 : memref<!tpu.dma_semaphore, #tpu.memory_space<semaphore_mem>>)
    %mul3A_110 = arith.constant 8 : i32
    %mul3A_111 = arith.muli %arg0, %mul3A_110 : i32
    %add3A_112 = arith.constant 1 : i32
    %add3A_113 = arith.addi %mul3A_111, %add3A_112 : i32
    %mul3A_114 = arith.constant 256 : i32
    %mul3A_115 = arith.muli %add3A_113, %mul3A_114 : i32
    %add3A_116 = arith.addi %mul3A_115, %mul3A_4 : i32
    %dma_start3A_117 = arith.constant 0 : i32
    %dma_start3A_118 = tpu.memref_slice %arg7[%add3A_116, %dma_start3A_117] : memref<4096x512xf32, #tpu.memory_space<hbm>> -> memref<16x512xf32, #tpu.memory_space<hbm>>
    %dma_start3A_119 = arith.constant 0 : i32
    %dma_start3A_120 = tpu.memref_slice %arg7[%add3A_116, %dma_start3A_119] : memref<4096x512xf32, #tpu.memory_space<hbm>> -> memref<16x512xf32, #tpu.memory_space<hbm>>
    tpu.enqueue_dma source(%arg6 : memref<16x512xf32, #tpu.memory_space<vmem>>) target(%dma_start3A_120 : memref<16x512xf32, #tpu.memory_space<hbm>>) target_semaphore(%arg27 : memref<!tpu.dma_semaphore, #tpu.memory_space<semaphore_mem>>)
    %mul3A_121 = arith.constant 8 : i32
    %mul3A_122 = arith.muli %arg0, %mul3A_121 : i32
    %add3A_123 = arith.constant 2 : i32
    %add3A_124 = arith.addi %mul3A_122, %add3A_123 : i32
    %mul3A_125 = arith.constant 256 : i32
    %mul3A_126 = arith.muli %add3A_124, %mul3A_125 : i32
    %add3A_127 = arith.addi %mul3A_126, %mul3A_4 : i32
    %dma_start3A_128 = arith.constant 0 : i32
    %dma_start3A_129 = tpu.memref_slice %arg7[%add3A_127, %dma_start3A_128] : memref<4096x512xf32, #tpu.memory_space<hbm>> -> memref<16x512xf32, #tpu.memory_space<hbm>>
    %dma_start3A_130 = arith.constant 0 : i32
    %dma_start3A_131 = tpu.memref_slice %arg7[%add3A_127, %dma_start3A_130] : memref<4096x512xf32, #tpu.memory_space<hbm>> -> memref<16x512xf32, #tpu.memory_space<hbm>>
    tpu.enqueue_dma source(%arg6 : memref<16x512xf32, #tpu.memory_space<vmem>>) target(%dma_start3A_131 : memref<16x512xf32, #tpu.memory_space<hbm>>) target_semaphore(%arg28 : memref<!tpu.dma_semaphore, #tpu.memory_space<semaphore_mem>>)
    %mul3A_132 = arith.constant 8 : i32
    %mul3A_133 = arith.muli %arg0, %mul3A_132 : i32
    %add3A_134 = arith.constant 3 : i32
    %add3A_135 = arith.addi %mul3A_133, %add3A_134 : i32
    %mul3A_136 = arith.constant 256 : i32
    %mul3A_137 = arith.muli %add3A_135, %mul3A_136 : i32
    %add3A_138 = arith.addi %mul3A_137, %mul3A_4 : i32
    %dma_start3A_139 = arith.constant 0 : i32
    %dma_start3A_140 = tpu.memref_slice %arg7[%add3A_138, %dma_start3A_139] : memref<4096x512xf32, #tpu.memory_space<hbm>> -> memref<16x512xf32, #tpu.memory_space<hbm>>
    %dma_start3A_141 = arith.constant 0 : i32
    %dma_start3A_142 = tpu.memref_slice %arg7[%add3A_138, %dma_start3A_141] : memref<4096x512xf32, #tpu.memory_space<hbm>> -> memref<16x512xf32, #tpu.memory_space<hbm>>
    tpu.enqueue_dma source(%arg6 : memref<16x512xf32, #tpu.memory_space<vmem>>) target(%dma_start3A_142 : memref<16x512xf32, #tpu.memory_space<hbm>>) target_semaphore(%arg29 : memref<!tpu.dma_semaphore, #tpu.memory_space<semaphore_mem>>)
    %mul3A_143 = arith.constant 8 : i32
    %mul3A_144 = arith.muli %arg0, %mul3A_143 : i32
    %add3A_145 = arith.constant 4 : i32
    %add3A_146 = arith.addi %mul3A_144, %add3A_145 : i32
    %mul3A_147 = arith.constant 256 : i32
    %mul3A_148 = arith.muli %add3A_146, %mul3A_147 : i32
    %add3A_149 = arith.addi %mul3A_148, %mul3A_4 : i32
    %dma_start3A_150 = arith.constant 0 : i32
    %dma_start3A_151 = tpu.memref_slice %arg7[%add3A_149, %dma_start3A_150] : memref<4096x512xf32, #tpu.memory_space<hbm>> -> memref<16x512xf32, #tpu.memory_space<hbm>>
    %dma_start3A_152 = arith.constant 0 : i32
    %dma_start3A_153 = tpu.memref_slice %arg7[%add3A_149, %dma_start3A_152] : memref<4096x512xf32, #tpu.memory_space<hbm>> -> memref<16x512xf32, #tpu.memory_space<hbm>>
    tpu.enqueue_dma source(%arg6 : memref<16x512xf32, #tpu.memory_space<vmem>>) target(%dma_start3A_153 : memref<16x512xf32, #tpu.memory_space<hbm>>) target_semaphore(%arg30 : memref<!tpu.dma_semaphore, #tpu.memory_space<semaphore_mem>>)
    %mul3A_154 = arith.constant 8 : i32
    %mul3A_155 = arith.muli %arg0, %mul3A_154 : i32
    %add3A_156 = arith.constant 5 : i32
    %add3A_157 = arith.addi %mul3A_155, %add3A_156 : i32
    %mul3A_158 = arith.constant 256 : i32
    %mul3A_159 = arith.muli %add3A_157, %mul3A_158 : i32
    %add3A_160 = arith.addi %mul3A_159, %mul3A_4 : i32
    %dma_start3A_161 = arith.constant 0 : i32
    %dma_start3A_162 = tpu.memref_slice %arg7[%add3A_160, %dma_start3A_161] : memref<4096x512xf32, #tpu.memory_space<hbm>> -> memref<16x512xf32, #tpu.memory_space<hbm>>
    %dma_start3A_163 = arith.constant 0 : i32
    %dma_start3A_164 = tpu.memref_slice %arg7[%add3A_160, %dma_start3A_163] : memref<4096x512xf32, #tpu.memory_space<hbm>> -> memref<16x512xf32, #tpu.memory_space<hbm>>
    tpu.enqueue_dma source(%arg6 : memref<16x512xf32, #tpu.memory_space<vmem>>) target(%dma_start3A_164 : memref<16x512xf32, #tpu.memory_space<hbm>>) target_semaphore(%arg31 : memref<!tpu.dma_semaphore, #tpu.memory_space<semaphore_mem>>)
    %mul3A_165 = arith.constant 8 : i32
    %mul3A_166 = arith.muli %arg0, %mul3A_165 : i32
    %add3A_167 = arith.constant 6 : i32
    %add3A_168 = arith.addi %mul3A_166, %add3A_167 : i32
    %mul3A_169 = arith.constant 256 : i32
    %mul3A_170 = arith.muli %add3A_168, %mul3A_169 : i32
    %add3A_171 = arith.addi %mul3A_170, %mul3A_4 : i32
    %dma_start3A_172 = arith.constant 0 : i32
    %dma_start3A_173 = tpu.memref_slice %arg7[%add3A_171, %dma_start3A_172] : memref<4096x512xf32, #tpu.memory_space<hbm>> -> memref<16x512xf32, #tpu.memory_space<hbm>>
    %dma_start3A_174 = arith.constant 0 : i32
    %dma_start3A_175 = tpu.memref_slice %arg7[%add3A_171, %dma_start3A_174] : memref<4096x512xf32, #tpu.memory_space<hbm>> -> memref<16x512xf32, #tpu.memory_space<hbm>>
    tpu.enqueue_dma source(%arg6 : memref<16x512xf32, #tpu.memory_space<vmem>>) target(%dma_start3A_175 : memref<16x512xf32, #tpu.memory_space<hbm>>) target_semaphore(%arg32 : memref<!tpu.dma_semaphore, #tpu.memory_space<semaphore_mem>>)
    %mul3A_176 = arith.constant 8 : i32
    %mul3A_177 = arith.muli %arg0, %mul3A_176 : i32
    %add3A_178 = arith.constant 7 : i32
    %add3A_179 = arith.addi %mul3A_177, %add3A_178 : i32
    %mul3A_180 = arith.constant 256 : i32
    %mul3A_181 = arith.muli %add3A_179, %mul3A_180 : i32
    %add3A_182 = arith.addi %mul3A_181, %mul3A_4 : i32
    %dma_start3A_183 = arith.constant 0 : i32
    %dma_start3A_184 = tpu.memref_slice %arg7[%add3A_182, %dma_start3A_183] : memref<4096x512xf32, #tpu.memory_space<hbm>> -> memref<16x512xf32, #tpu.memory_space<hbm>>
    %dma_start3A_185 = arith.constant 0 : i32
    %dma_start3A_186 = tpu.memref_slice %arg7[%add3A_182, %dma_start3A_185] : memref<4096x512xf32, #tpu.memory_space<hbm>> -> memref<16x512xf32, #tpu.memory_space<hbm>>
    tpu.enqueue_dma source(%arg6 : memref<16x512xf32, #tpu.memory_space<vmem>>) target(%dma_start3A_186 : memref<16x512xf32, #tpu.memory_space<hbm>>) target_semaphore(%arg33 : memref<!tpu.dma_semaphore, #tpu.memory_space<semaphore_mem>>)
    %dma_wait3A = arith.constant 0 : i32
    %dma_wait3A_187 = tpu.memref_slice %arg7[%add3A_106, %dma_wait3A] : memref<4096x512xf32, #tpu.memory_space<hbm>> -> memref<16x512xf32, #tpu.memory_space<hbm>>
    %dma_wait3A_188 = arith.constant 0 : i32
    %dma_wait3A_189 = tpu.memref_slice %arg7[%add3A_106, %dma_wait3A_188] : memref<4096x512xf32, #tpu.memory_space<hbm>> -> memref<16x512xf32, #tpu.memory_space<hbm>>
    tpu.wait_dma2 semaphore(%arg26 : memref<!tpu.dma_semaphore, #tpu.memory_space<semaphore_mem>>) src(%arg6 : memref<16x512xf32, #tpu.memory_space<vmem>>) dst(%dma_wait3A_189 : memref<16x512xf32, #tpu.memory_space<hbm>>)
    %dma_wait3A_190 = arith.constant 0 : i32
    %dma_wait3A_191 = tpu.memref_slice %arg7[%add3A_116, %dma_wait3A_190] : memref<4096x512xf32, #tpu.memory_space<hbm>> -> memref<16x512xf32, #tpu.memory_space<hbm>>
    %dma_wait3A_192 = arith.constant 0 : i32
    %dma_wait3A_193 = tpu.memref_slice %arg7[%add3A_116, %dma_wait3A_192] : memref<4096x512xf32, #tpu.memory_space<hbm>> -> memref<16x512xf32, #tpu.memory_space<hbm>>
    tpu.wait_dma2 semaphore(%arg27 : memref<!tpu.dma_semaphore, #tpu.memory_space<semaphore_mem>>) src(%arg6 : memref<16x512xf32, #tpu.memory_space<vmem>>) dst(%dma_wait3A_193 : memref<16x512xf32, #tpu.memory_space<hbm>>)
    %dma_wait3A_194 = arith.constant 0 : i32
    %dma_wait3A_195 = tpu.memref_slice %arg7[%add3A_127, %dma_wait3A_194] : memref<4096x512xf32, #tpu.memory_space<hbm>> -> memref<16x512xf32, #tpu.memory_space<hbm>>
    %dma_wait3A_196 = arith.constant 0 : i32
    %dma_wait3A_197 = tpu.memref_slice %arg7[%add3A_127, %dma_wait3A_196] : memref<4096x512xf32, #tpu.memory_space<hbm>> -> memref<16x512xf32, #tpu.memory_space<hbm>>
    tpu.wait_dma2 semaphore(%arg28 : memref<!tpu.dma_semaphore, #tpu.memory_space<semaphore_mem>>) src(%arg6 : memref<16x512xf32, #tpu.memory_space<vmem>>) dst(%dma_wait3A_197 : memref<16x512xf32, #tpu.memory_space<hbm>>)
    %dma_wait3A_198 = arith.constant 0 : i32
    %dma_wait3A_199 = tpu.memref_slice %arg7[%add3A_138, %dma_wait3A_198] : memref<4096x512xf32, #tpu.memory_space<hbm>> -> memref<16x512xf32, #tpu.memory_space<hbm>>
    %dma_wait3A_200 = arith.constant 0 : i32
    %dma_wait3A_201 = tpu.memref_slice %arg7[%add3A_138, %dma_wait3A_200] : memref<4096x512xf32, #tpu.memory_space<hbm>> -> memref<16x512xf32, #tpu.memory_space<hbm>>
    tpu.wait_dma2 semaphore(%arg29 : memref<!tpu.dma_semaphore, #tpu.memory_space<semaphore_mem>>) src(%arg6 : memref<16x512xf32, #tpu.memory_space<vmem>>) dst(%dma_wait3A_201 : memref<16x512xf32, #tpu.memory_space<hbm>>)
    %dma_wait3A_202 = arith.constant 0 : i32
    %dma_wait3A_203 = tpu.memref_slice %arg7[%add3A_149, %dma_wait3A_202] : memref<4096x512xf32, #tpu.memory_space<hbm>> -> memref<16x512xf32, #tpu.memory_space<hbm>>
    %dma_wait3A_204 = arith.constant 0 : i32
    %dma_wait3A_205 = tpu.memref_slice %arg7[%add3A_149, %dma_wait3A_204] : memref<4096x512xf32, #tpu.memory_space<hbm>> -> memref<16x512xf32, #tpu.memory_space<hbm>>
    tpu.wait_dma2 semaphore(%arg30 : memref<!tpu.dma_semaphore, #tpu.memory_space<semaphore_mem>>) src(%arg6 : memref<16x512xf32, #tpu.memory_space<vmem>>) dst(%dma_wait3A_205 : memref<16x512xf32, #tpu.memory_space<hbm>>)
    %dma_wait3A_206 = arith.constant 0 : i32
    %dma_wait3A_207 = tpu.memref_slice %arg7[%add3A_160, %dma_wait3A_206] : memref<4096x512xf32, #tpu.memory_space<hbm>> -> memref<16x512xf32, #tpu.memory_space<hbm>>
    %dma_wait3A_208 = arith.constant 0 : i32
    %dma_wait3A_209 = tpu.memref_slice %arg7[%add3A_160, %dma_wait3A_208] : memref<4096x512xf32, #tpu.memory_space<hbm>> -> memref<16x512xf32, #tpu.memory_space<hbm>>
    tpu.wait_dma2 semaphore(%arg31 : memref<!tpu.dma_semaphore, #tpu.memory_space<semaphore_mem>>) src(%arg6 : memref<16x512xf32, #tpu.memory_space<vmem>>) dst(%dma_wait3A_209 : memref<16x512xf32, #tpu.memory_space<hbm>>)
    %dma_wait3A_210 = arith.constant 0 : i32
    %dma_wait3A_211 = tpu.memref_slice %arg7[%add3A_171, %dma_wait3A_210] : memref<4096x512xf32, #tpu.memory_space<hbm>> -> memref<16x512xf32, #tpu.memory_space<hbm>>
    %dma_wait3A_212 = arith.constant 0 : i32
    %dma_wait3A_213 = tpu.memref_slice %arg7[%add3A_171, %dma_wait3A_212] : memref<4096x512xf32, #tpu.memory_space<hbm>> -> memref<16x512xf32, #tpu.memory_space<hbm>>
    tpu.wait_dma2 semaphore(%arg32 : memref<!tpu.dma_semaphore, #tpu.memory_space<semaphore_mem>>) src(%arg6 : memref<16x512xf32, #tpu.memory_space<vmem>>) dst(%dma_wait3A_213 : memref<16x512xf32, #tpu.memory_space<hbm>>)
    %dma_wait3A_214 = arith.constant 0 : i32
    %dma_wait3A_215 = tpu.memref_slice %arg7[%add3A_182, %dma_wait3A_214] : memref<4096x512xf32, #tpu.memory_space<hbm>> -> memref<16x512xf32, #tpu.memory_space<hbm>>
    %dma_wait3A_216 = arith.constant 0 : i32
    %dma_wait3A_217 = tpu.memref_slice %arg7[%add3A_182, %dma_wait3A_216] : memref<4096x512xf32, #tpu.memory_space<hbm>> -> memref<16x512xf32, #tpu.memory_space<hbm>>
    tpu.wait_dma2 semaphore(%arg33 : memref<!tpu.dma_semaphore, #tpu.memory_space<semaphore_mem>>) src(%arg6 : memref<16x512xf32, #tpu.memory_space<vmem>>) dst(%dma_wait3A_217 : memref<16x512xf32, #tpu.memory_space<hbm>>)
    %barrier3A = arith.constant 0 : index
    tpu.barrier barrier_id(%barrier3A)
    "tpu.region"() ({
      %run_scoped3A = tpu.sem_alloc : memref<!tpu.dma_semaphore, #tpu.memory_space<semaphore_mem>>
      %dma_start3A_878 = tpu.memref_slice %arg2[%mul3A_2] : memref<32768xi32, #tpu.memory_space<hbm>> -> memref<1024xi32, #tpu.memory_space<hbm>>
      %dma_start3A_879 = tpu.memref_slice %arg2[%mul3A_2] : memref<32768xi32, #tpu.memory_space<hbm>> -> memref<1024xi32, #tpu.memory_space<hbm>>
      tpu.enqueue_dma source(%dma_start3A_879 : memref<1024xi32, #tpu.memory_space<hbm>>) target(%arg5 : memref<1024xi32, #tpu.memory_space<vmem>>) target_semaphore(%run_scoped3A : memref<!tpu.dma_semaphore, #tpu.memory_space<semaphore_mem>>)
      %dma_wait3A_880 = tpu.memref_slice %arg2[%mul3A_2] : memref<32768xi32, #tpu.memory_space<hbm>> -> memref<1024xi32, #tpu.memory_space<hbm>>
      %dma_wait3A_881 = tpu.memref_slice %arg2[%mul3A_2] : memref<32768xi32, #tpu.memory_space<hbm>> -> memref<1024xi32, #tpu.memory_space<hbm>>
      tpu.wait_dma2 semaphore(%run_scoped3A : memref<!tpu.dma_semaphore, #tpu.memory_space<semaphore_mem>>) src(%dma_wait3A_881 : memref<1024xi32, #tpu.memory_space<hbm>>) dst(%arg5 : memref<1024xi32, #tpu.memory_space<vmem>>)
      tpu.yield
    }) : () -> ()
    %mul3A_218 = arith.constant 8 : i32
    %mul3A_219 = arith.muli %arg0, %mul3A_218 : i32
    %jit3A = arith.constant 8 : i32
    %eq3A = arith.constant 0 : i32
    %eq3A_220 = arith.cmpi eq, %jit3A, %eq3A : i32
    %jit3A_221 = arith.constant 1 : i32
    %select_n3A = arith.select %eq3A_220, %jit3A_221, %jit3A : i32
    %rem3A = arith.remsi %arg1, %select_n3A : i32
    %ne3A = arith.constant 0 : i32
    %ne3A_222 = arith.cmpi ne, %rem3A, %ne3A : i32
    %lt3A = arith.constant 0 : i32
    %lt3A_223 = arith.cmpi slt, %rem3A, %lt3A : i32
    %lt3A_224 = arith.constant 0 : i32
    %lt3A_225 = arith.cmpi slt, %select_n3A, %lt3A_224 : i32
    %ne3A_226 = arith.xori %lt3A_223, %lt3A_225 : i1
    %and3A = arith.andi %ne3A_226, %ne3A_222 : i1
    %add3A_227 = arith.addi %rem3A, %select_n3A : i32
    %select_n3A_228 = arith.select %and3A, %add3A_227, %rem3A : i32
    %add3A_229 = arith.addi %mul3A_219, %select_n3A_228 : i32
    %mul3A_230 = arith.constant 256 : i32
    %mul3A_231 = arith.muli %add3A_229, %mul3A_230 : i32
    %scan3A_232 = arith.constant 0 : i32
    %scan3A_233 = arith.constant 0 : i32
    %scan3A_234 = arith.constant 64 : i32
    %scan3A_235 = arith.addi %scan3A_233, %scan3A_234 : i32
    %scan3A_236 = arith.constant 1 : i32
    scf.for %scan3A_878 = %scan3A_233 to %scan3A_235 step %scan3A_236  : i32 {
      %mul3A_879 = arith.constant 16 : i32
      %mul3A_880 = arith.muli %scan3A_878, %mul3A_879 : i32
      %get3A = arith.index_cast %mul3A_880 : i32 to index
      %get3A_881 = tpu.vector_load %arg5[%get3A] {strides = array<i32>} : memref<1024xi32, #tpu.memory_space<vmem>>, vector<16xi32>,
      %get3A_882 = vector.shape_cast %get3A_881 : vector<16xi32> to vector<16xi32>
      %add3A_883 = vector.broadcast %mul3A_231 : i32 to vector<16xi32>
      %add3A_884 = arith.addi %get3A_882, %add3A_883 : vector<16xi32>
      %mul3A_885 = arith.constant 16 : i32
      %mul3A_886 = arith.muli %scan3A_878, %mul3A_885 : i32
      %swap3A = arith.index_cast %mul3A_886 : i32 to index
      %swap3A_887 = tpu.vector_load %arg5[%swap3A] {strides = array<i32>} : memref<1024xi32, #tpu.memory_space<vmem>>, vector<16xi32>,
      %swap3A_888 = vector.shape_cast %swap3A_887 : vector<16xi32> to vector<16xi32>
      %swap3A_889 = vector.shape_cast %add3A_884 : vector<16xi32> to vector<16xi32>
      tpu.vector_store %arg5[%swap3A], %swap3A_889 {strides = array<i32>} : memref<1024xi32, #tpu.memory_space<vmem>>, vector<16xi32>,
    }
    %scan3A_237 = arith.constant 64 : i32
    %dma_start3A_238 = arith.constant 0 : i32
    %dma_start3A_239 = tpu.memref_slice %arg5[%dma_start3A_238] : memref<1024xi32, #tpu.memory_space<vmem>> -> memref<32xi32, #tpu.memory_space<vmem>>
    %dma_start3A_240 = arith.constant 0 : i32
    %dma_start3A_241 = arith.constant 0 : i32
    %dma_start3A_242 = tpu.memref_slice %arg7[%dma_start3A_240, %dma_start3A_241] : memref<4096x512xf32, #tpu.memory_space<hbm>> -> memref<4096x512xf32, #tpu.memory_space<hbm>>
    tpu.enqueue_indirect_dma source(%dma_start3A_242 : memref<4096x512xf32, #tpu.memory_space<hbm>>) target(%arg8 : memref<32x512xf32, #tpu.memory_space<vmem>>) offsets(%dma_start3A_239 : memref<32xi32, #tpu.memory_space<vmem>>) semaphore(%arg14 : memref<!tpu.dma_semaphore, #tpu.memory_space<semaphore_mem>>)
    %dma_start3A_243 = arith.constant 32 : i32
    %dma_start3A_244 = tpu.memref_slice %arg5[%dma_start3A_243] : memref<1024xi32, #tpu.memory_space<vmem>> -> memref<32xi32, #tpu.memory_space<vmem>>
    %dma_start3A_245 = arith.constant 0 : i32
    %dma_start3A_246 = arith.constant 0 : i32
    %dma_start3A_247 = tpu.memref_slice %arg7[%dma_start3A_245, %dma_start3A_246] : memref<4096x512xf32, #tpu.memory_space<hbm>> -> memref<4096x512xf32, #tpu.memory_space<hbm>>
    tpu.enqueue_indirect_dma source(%dma_start3A_247 : memref<4096x512xf32, #tpu.memory_space<hbm>>) target(%arg9 : memref<32x512xf32, #tpu.memory_space<vmem>>) offsets(%dma_start3A_244 : memref<32xi32, #tpu.memory_space<vmem>>) semaphore(%arg15 : memref<!tpu.dma_semaphore, #tpu.memory_space<semaphore_mem>>)
    %dma_start3A_248 = arith.constant 64 : i32
    %dma_start3A_249 = tpu.memref_slice %arg5[%dma_start3A_248] : memref<1024xi32, #tpu.memory_space<vmem>> -> memref<32xi32, #tpu.memory_space<vmem>>
    %dma_start3A_250 = arith.constant 0 : i32
    %dma_start3A_251 = arith.constant 0 : i32
    %dma_start3A_252 = tpu.memref_slice %arg7[%dma_start3A_250, %dma_start3A_251] : memref<4096x512xf32, #tpu.memory_space<hbm>> -> memref<4096x512xf32, #tpu.memory_space<hbm>>
    tpu.enqueue_indirect_dma source(%dma_start3A_252 : memref<4096x512xf32, #tpu.memory_space<hbm>>) target(%arg10 : memref<32x512xf32, #tpu.memory_space<vmem>>) offsets(%dma_start3A_249 : memref<32xi32, #tpu.memory_space<vmem>>) semaphore(%arg16 : memref<!tpu.dma_semaphore, #tpu.memory_space<semaphore_mem>>)
    %dma_start3A_253 = arith.constant 96 : i32
    %dma_start3A_254 = tpu.memref_slice %arg5[%dma_start3A_253] : memref<1024xi32, #tpu.memory_space<vmem>> -> memref<32xi32, #tpu.memory_space<vmem>>
    %dma_start3A_255 = arith.constant 0 : i32
    %dma_start3A_256 = arith.constant 0 : i32
    %dma_start3A_257 = tpu.memref_slice %arg7[%dma_start3A_255, %dma_start3A_256] : memref<4096x512xf32, #tpu.memory_space<hbm>> -> memref<4096x512xf32, #tpu.memory_space<hbm>>
    tpu.enqueue_indirect_dma source(%dma_start3A_257 : memref<4096x512xf32, #tpu.memory_space<hbm>>) target(%arg11 : memref<32x512xf32, #tpu.memory_space<vmem>>) offsets(%dma_start3A_254 : memref<32xi32, #tpu.memory_space<vmem>>) semaphore(%arg17 : memref<!tpu.dma_semaphore, #tpu.memory_space<semaphore_mem>>)
    %dma_start3A_258 = arith.constant 128 : i32
    %dma_start3A_259 = tpu.memref_slice %arg5[%dma_start3A_258] : memref<1024xi32, #tpu.memory_space<vmem>> -> memref<32xi32, #tpu.memory_space<vmem>>
    %dma_start3A_260 = arith.constant 0 : i32
    %dma_start3A_261 = arith.constant 0 : i32
    %dma_start3A_262 = tpu.memref_slice %arg7[%dma_start3A_260, %dma_start3A_261] : memref<4096x512xf32, #tpu.memory_space<hbm>> -> memref<4096x512xf32, #tpu.memory_space<hbm>>
    tpu.enqueue_indirect_dma source(%dma_start3A_262 : memref<4096x512xf32, #tpu.memory_space<hbm>>) target(%arg12 : memref<32x512xf32, #tpu.memory_space<vmem>>) offsets(%dma_start3A_259 : memref<32xi32, #tpu.memory_space<vmem>>) semaphore(%arg18 : memref<!tpu.dma_semaphore, #tpu.memory_space<semaphore_mem>>)
    %dma_wait3A_263 = arith.constant 0 : i32
    %dma_wait3A_264 = tpu.memref_slice %arg5[%dma_wait3A_263] : memref<1024xi32, #tpu.memory_space<vmem>> -> memref<32xi32, #tpu.memory_space<vmem>>
    %dma_wait3A_265 = arith.constant 0 : i32
    %dma_wait3A_266 = arith.constant 0 : i32
    %dma_wait3A_267 = tpu.memref_slice %arg7[%dma_wait3A_265, %dma_wait3A_266] : memref<4096x512xf32, #tpu.memory_space<hbm>> -> memref<4096x512xf32, #tpu.memory_space<hbm>>
    tpu.wait_indirect_dma semaphore(%arg14 : memref<!tpu.dma_semaphore, #tpu.memory_space<semaphore_mem>>) src(%dma_wait3A_267 : memref<4096x512xf32, #tpu.memory_space<hbm>>) dst(%arg8 : memref<32x512xf32, #tpu.memory_space<vmem>>)
    %add3A_268 = arith.constant 0 : i32
    %add3A_269 = arith.addi %mul3A_2, %add3A_268 : i32
    %dma_start3A_270 = arith.constant 0 : i32
    %dma_start3A_271 = tpu.memref_slice %arg4[%add3A_269, %dma_start3A_270] : memref<32768x512xf32, #tpu.memory_space<hbm>> -> memref<32x512xf32, #tpu.memory_space<hbm>>
    %dma_start3A_272 = arith.constant 0 : i32
    %dma_start3A_273 = tpu.memref_slice %arg4[%add3A_269, %dma_start3A_272] : memref<32768x512xf32, #tpu.memory_space<hbm>> -> memref<32x512xf32, #tpu.memory_space<hbm>>
    tpu.enqueue_dma source(%arg8 : memref<32x512xf32, #tpu.memory_space<vmem>>) target(%dma_start3A_273 : memref<32x512xf32, #tpu.memory_space<hbm>>) target_semaphore(%arg20 : memref<!tpu.dma_semaphore, #tpu.memory_space<semaphore_mem>>)
    %dma_start3A_274 = arith.constant 160 : i32
    %dma_start3A_275 = tpu.memref_slice %arg5[%dma_start3A_274] : memref<1024xi32, #tpu.memory_space<vmem>> -> memref<32xi32, #tpu.memory_space<vmem>>
    %dma_start3A_276 = arith.constant 0 : i32
    %dma_start3A_277 = arith.constant 0 : i32
    %dma_start3A_278 = tpu.memref_slice %arg7[%dma_start3A_276, %dma_start3A_277] : memref<4096x512xf32, #tpu.memory_space<hbm>> -> memref<4096x512xf32, #tpu.memory_space<hbm>>
    tpu.enqueue_indirect_dma source(%dma_start3A_278 : memref<4096x512xf32, #tpu.memory_space<hbm>>) target(%arg13 : memref<32x512xf32, #tpu.memory_space<vmem>>) offsets(%dma_start3A_275 : memref<32xi32, #tpu.memory_space<vmem>>) semaphore(%arg19 : memref<!tpu.dma_semaphore, #tpu.memory_space<semaphore_mem>>)
    %dma_wait3A_279 = arith.constant 32 : i32
    %dma_wait3A_280 = tpu.memref_slice %arg5[%dma_wait3A_279] : memref<1024xi32, #tpu.memory_space<vmem>> -> memref<32xi32, #tpu.memory_space<vmem>>
    %dma_wait3A_281 = arith.constant 0 : i32
    %dma_wait3A_282 = arith.constant 0 : i32
    %dma_wait3A_283 = tpu.memref_slice %arg7[%dma_wait3A_281, %dma_wait3A_282] : memref<4096x512xf32, #tpu.memory_space<hbm>> -> memref<4096x512xf32, #tpu.memory_space<hbm>>
    tpu.wait_indirect_dma semaphore(%arg15 : memref<!tpu.dma_semaphore, #tpu.memory_space<semaphore_mem>>) src(%dma_wait3A_283 : memref<4096x512xf32, #tpu.memory_space<hbm>>) dst(%arg9 : memref<32x512xf32, #tpu.memory_space<vmem>>)
    %add3A_284 = arith.constant 32 : i32
    %add3A_285 = arith.addi %mul3A_2, %add3A_284 : i32
    %dma_start3A_286 = arith.constant 0 : i32
    %dma_start3A_287 = tpu.memref_slice %arg4[%add3A_285, %dma_start3A_286] : memref<32768x512xf32, #tpu.memory_space<hbm>> -> memref<32x512xf32, #tpu.memory_space<hbm>>
    %dma_start3A_288 = arith.constant 0 : i32
    %dma_start3A_289 = tpu.memref_slice %arg4[%add3A_285, %dma_start3A_288] : memref<32768x512xf32, #tpu.memory_space<hbm>> -> memref<32x512xf32, #tpu.memory_space<hbm>>
    tpu.enqueue_dma source(%arg9 : memref<32x512xf32, #tpu.memory_space<vmem>>) target(%dma_start3A_289 : memref<32x512xf32, #tpu.memory_space<hbm>>) target_semaphore(%arg21 : memref<!tpu.dma_semaphore, #tpu.memory_space<semaphore_mem>>)
    %dma_wait3A_290 = arith.constant 0 : i32
    %dma_wait3A_291 = tpu.memref_slice %arg4[%add3A_269, %dma_wait3A_290] : memref<32768x512xf32, #tpu.memory_space<hbm>> -> memref<32x512xf32, #tpu.memory_space<hbm>>
    %dma_wait3A_292 = arith.constant 0 : i32
    %dma_wait3A_293 = tpu.memref_slice %arg4[%add3A_269, %dma_wait3A_292] : memref<32768x512xf32, #tpu.memory_space<hbm>> -> memref<32x512xf32, #tpu.memory_space<hbm>>
    tpu.wait_dma2 semaphore(%arg20 : memref<!tpu.dma_semaphore, #tpu.memory_space<semaphore_mem>>) src(%arg8 : memref<32x512xf32, #tpu.memory_space<vmem>>) dst(%dma_wait3A_293 : memref<32x512xf32, #tpu.memory_space<hbm>>)
    %dma_start3A_294 = arith.constant 192 : i32
    %dma_start3A_295 = tpu.memref_slice %arg5[%dma_start3A_294] : memref<1024xi32, #tpu.memory_space<vmem>> -> memref<32xi32, #tpu.memory_space<vmem>>
    %dma_start3A_296 = arith.constant 0 : i32
    %dma_start3A_297 = arith.constant 0 : i32
    %dma_start3A_298 = tpu.memref_slice %arg7[%dma_start3A_296, %dma_start3A_297] : memref<4096x512xf32, #tpu.memory_space<hbm>> -> memref<4096x512xf32, #tpu.memory_space<hbm>>
    tpu.enqueue_indirect_dma source(%dma_start3A_298 : memref<4096x512xf32, #tpu.memory_space<hbm>>) target(%arg8 : memref<32x512xf32, #tpu.memory_space<vmem>>) offsets(%dma_start3A_295 : memref<32xi32, #tpu.memory_space<vmem>>) semaphore(%arg14 : memref<!tpu.dma_semaphore, #tpu.memory_space<semaphore_mem>>)
    %dma_wait3A_299 = arith.constant 64 : i32
    %dma_wait3A_300 = tpu.memref_slice %arg5[%dma_wait3A_299] : memref<1024xi32, #tpu.memory_space<vmem>> -> memref<32xi32, #tpu.memory_space<vmem>>
    %dma_wait3A_301 = arith.constant 0 : i32
    %dma_wait3A_302 = arith.constant 0 : i32
    %dma_wait3A_303 = tpu.memref_slice %arg7[%dma_wait3A_301, %dma_wait3A_302] : memref<4096x512xf32, #tpu.memory_space<hbm>> -> memref<4096x512xf32, #tpu.memory_space<hbm>>
    tpu.wait_indirect_dma semaphore(%arg16 : memref<!tpu.dma_semaphore, #tpu.memory_space<semaphore_mem>>) src(%dma_wait3A_303 : memref<4096x512xf32, #tpu.memory_space<hbm>>) dst(%arg10 : memref<32x512xf32, #tpu.memory_space<vmem>>)
    %add3A_304 = arith.constant 64 : i32
    %add3A_305 = arith.addi %mul3A_2, %add3A_304 : i32
    %dma_start3A_306 = arith.constant 0 : i32
    %dma_start3A_307 = tpu.memref_slice %arg4[%add3A_305, %dma_start3A_306] : memref<32768x512xf32, #tpu.memory_space<hbm>> -> memref<32x512xf32, #tpu.memory_space<hbm>>
    %dma_start3A_308 = arith.constant 0 : i32
    %dma_start3A_309 = tpu.memref_slice %arg4[%add3A_305, %dma_start3A_308] : memref<32768x512xf32, #tpu.memory_space<hbm>> -> memref<32x512xf32, #tpu.memory_space<hbm>>
    tpu.enqueue_dma source(%arg10 : memref<32x512xf32, #tpu.memory_space<vmem>>) target(%dma_start3A_309 : memref<32x512xf32, #tpu.memory_space<hbm>>) target_semaphore(%arg22 : memref<!tpu.dma_semaphore, #tpu.memory_space<semaphore_mem>>)
    %dma_wait3A_310 = arith.constant 0 : i32
    %dma_wait3A_311 = tpu.memref_slice %arg4[%add3A_285, %dma_wait3A_310] : memref<32768x512xf32, #tpu.memory_space<hbm>> -> memref<32x512xf32, #tpu.memory_space<hbm>>
    %dma_wait3A_312 = arith.constant 0 : i32
    %dma_wait3A_313 = tpu.memref_slice %arg4[%add3A_285, %dma_wait3A_312] : memref<32768x512xf32, #tpu.memory_space<hbm>> -> memref<32x512xf32, #tpu.memory_space<hbm>>
    tpu.wait_dma2 semaphore(%arg21 : memref<!tpu.dma_semaphore, #tpu.memory_space<semaphore_mem>>) src(%arg9 : memref<32x512xf32, #tpu.memory_space<vmem>>) dst(%dma_wait3A_313 : memref<32x512xf32, #tpu.memory_space<hbm>>)
    %dma_start3A_314 = arith.constant 224 : i32
    %dma_start3A_315 = tpu.memref_slice %arg5[%dma_start3A_314] : memref<1024xi32, #tpu.memory_space<vmem>> -> memref<32xi32, #tpu.memory_space<vmem>>
    %dma_start3A_316 = arith.constant 0 : i32
    %dma_start3A_317 = arith.constant 0 : i32
    %dma_start3A_318 = tpu.memref_slice %arg7[%dma_start3A_316, %dma_start3A_317] : memref<4096x512xf32, #tpu.memory_space<hbm>> -> memref<4096x512xf32, #tpu.memory_space<hbm>>
    tpu.enqueue_indirect_dma source(%dma_start3A_318 : memref<4096x512xf32, #tpu.memory_space<hbm>>) target(%arg9 : memref<32x512xf32, #tpu.memory_space<vmem>>) offsets(%dma_start3A_315 : memref<32xi32, #tpu.memory_space<vmem>>) semaphore(%arg15 : memref<!tpu.dma_semaphore, #tpu.memory_space<semaphore_mem>>)
    %dma_wait3A_319 = arith.constant 96 : i32
    %dma_wait3A_320 = tpu.memref_slice %arg5[%dma_wait3A_319] : memref<1024xi32, #tpu.memory_space<vmem>> -> memref<32xi32, #tpu.memory_space<vmem>>
    %dma_wait3A_321 = arith.constant 0 : i32
    %dma_wait3A_322 = arith.constant 0 : i32
    %dma_wait3A_323 = tpu.memref_slice %arg7[%dma_wait3A_321, %dma_wait3A_322] : memref<4096x512xf32, #tpu.memory_space<hbm>> -> memref<4096x512xf32, #tpu.memory_space<hbm>>
    tpu.wait_indirect_dma semaphore(%arg17 : memref<!tpu.dma_semaphore, #tpu.memory_space<semaphore_mem>>) src(%dma_wait3A_323 : memref<4096x512xf32, #tpu.memory_space<hbm>>) dst(%arg11 : memref<32x512xf32, #tpu.memory_space<vmem>>)
    %add3A_324 = arith.constant 96 : i32
    %add3A_325 = arith.addi %mul3A_2, %add3A_324 : i32
    %dma_start3A_326 = arith.constant 0 : i32
    %dma_start3A_327 = tpu.memref_slice %arg4[%add3A_325, %dma_start3A_326] : memref<32768x512xf32, #tpu.memory_space<hbm>> -> memref<32x512xf32, #tpu.memory_space<hbm>>
    %dma_start3A_328 = arith.constant 0 : i32
    %dma_start3A_329 = tpu.memref_slice %arg4[%add3A_325, %dma_start3A_328] : memref<32768x512xf32, #tpu.memory_space<hbm>> -> memref<32x512xf32, #tpu.memory_space<hbm>>
    tpu.enqueue_dma source(%arg11 : memref<32x512xf32, #tpu.memory_space<vmem>>) target(%dma_start3A_329 : memref<32x512xf32, #tpu.memory_space<hbm>>) target_semaphore(%arg23 : memref<!tpu.dma_semaphore, #tpu.memory_space<semaphore_mem>>)
    %dma_wait3A_330 = arith.constant 0 : i32
    %dma_wait3A_331 = tpu.memref_slice %arg4[%add3A_305, %dma_wait3A_330] : memref<32768x512xf32, #tpu.memory_space<hbm>> -> memref<32x512xf32, #tpu.memory_space<hbm>>
    %dma_wait3A_332 = arith.constant 0 : i32
    %dma_wait3A_333 = tpu.memref_slice %arg4[%add3A_305, %dma_wait3A_332] : memref<32768x512xf32, #tpu.memory_space<hbm>> -> memref<32x512xf32, #tpu.memory_space<hbm>>
    tpu.wait_dma2 semaphore(%arg22 : memref<!tpu.dma_semaphore, #tpu.memory_space<semaphore_mem>>) src(%arg10 : memref<32x512xf32, #tpu.memory_space<vmem>>) dst(%dma_wait3A_333 : memref<32x512xf32, #tpu.memory_space<hbm>>)
    %dma_start3A_334 = arith.constant 256 : i32
    %dma_start3A_335 = tpu.memref_slice %arg5[%dma_start3A_334] : memref<1024xi32, #tpu.memory_space<vmem>> -> memref<32xi32, #tpu.memory_space<vmem>>
    %dma_start3A_336 = arith.constant 0 : i32
    %dma_start3A_337 = arith.constant 0 : i32
    %dma_start3A_338 = tpu.memref_slice %arg7[%dma_start3A_336, %dma_start3A_337] : memref<4096x512xf32, #tpu.memory_space<hbm>> -> memref<4096x512xf32, #tpu.memory_space<hbm>>
    tpu.enqueue_indirect_dma source(%dma_start3A_338 : memref<4096x512xf32, #tpu.memory_space<hbm>>) target(%arg10 : memref<32x512xf32, #tpu.memory_space<vmem>>) offsets(%dma_start3A_335 : memref<32xi32, #tpu.memory_space<vmem>>) semaphore(%arg16 : memref<!tpu.dma_semaphore, #tpu.memory_space<semaphore_mem>>)
    %dma_wait3A_339 = arith.constant 128 : i32
    %dma_wait3A_340 = tpu.memref_slice %arg5[%dma_wait3A_339] : memref<1024xi32, #tpu.memory_space<vmem>> -> memref<32xi32, #tpu.memory_space<vmem>>
    %dma_wait3A_341 = arith.constant 0 : i32
    %dma_wait3A_342 = arith.constant 0 : i32
    %dma_wait3A_343 = tpu.memref_slice %arg7[%dma_wait3A_341, %dma_wait3A_342] : memref<4096x512xf32, #tpu.memory_space<hbm>> -> memref<4096x512xf32, #tpu.memory_space<hbm>>
    tpu.wait_indirect_dma semaphore(%arg18 : memref<!tpu.dma_semaphore, #tpu.memory_space<semaphore_mem>>) src(%dma_wait3A_343 : memref<4096x512xf32, #tpu.memory_space<hbm>>) dst(%arg12 : memref<32x512xf32, #tpu.memory_space<vmem>>)
    %add3A_344 = arith.constant 128 : i32
    %add3A_345 = arith.addi %mul3A_2, %add3A_344 : i32
    %dma_start3A_346 = arith.constant 0 : i32
    %dma_start3A_347 = tpu.memref_slice %arg4[%add3A_345, %dma_start3A_346] : memref<32768x512xf32, #tpu.memory_space<hbm>> -> memref<32x512xf32, #tpu.memory_space<hbm>>
    %dma_start3A_348 = arith.constant 0 : i32
    %dma_start3A_349 = tpu.memref_slice %arg4[%add3A_345, %dma_start3A_348] : memref<32768x512xf32, #tpu.memory_space<hbm>> -> memref<32x512xf32, #tpu.memory_space<hbm>>
    tpu.enqueue_dma source(%arg12 : memref<32x512xf32, #tpu.memory_space<vmem>>) target(%dma_start3A_349 : memref<32x512xf32, #tpu.memory_space<hbm>>) target_semaphore(%arg24 : memref<!tpu.dma_semaphore, #tpu.memory_space<semaphore_mem>>)
    %dma_wait3A_350 = arith.constant 0 : i32
    %dma_wait3A_351 = tpu.memref_slice %arg4[%add3A_325, %dma_wait3A_350] : memref<32768x512xf32, #tpu.memory_space<hbm>> -> memref<32x512xf32, #tpu.memory_space<hbm>>
    %dma_wait3A_352 = arith.constant 0 : i32
    %dma_wait3A_353 = tpu.memref_slice %arg4[%add3A_325, %dma_wait3A_352] : memref<32768x512xf32, #tpu.memory_space<hbm>> -> memref<32x512xf32, #tpu.memory_space<hbm>>
    tpu.wait_dma2 semaphore(%arg23 : memref<!tpu.dma_semaphore, #tpu.memory_space<semaphore_mem>>) src(%arg11 : memref<32x512xf32, #tpu.memory_space<vmem>>) dst(%dma_wait3A_353 : memref<32x512xf32, #tpu.memory_space<hbm>>)
    %dma_start3A_354 = arith.constant 288 : i32
    %dma_start3A_355 = tpu.memref_slice %arg5[%dma_start3A_354] : memref<1024xi32, #tpu.memory_space<vmem>> -> memref<32xi32, #tpu.memory_space<vmem>>
    %dma_start3A_356 = arith.constant 0 : i32
    %dma_start3A_357 = arith.constant 0 : i32
    %dma_start3A_358 = tpu.memref_slice %arg7[%dma_start3A_356, %dma_start3A_357] : memref<4096x512xf32, #tpu.memory_space<hbm>> -> memref<4096x512xf32, #tpu.memory_space<hbm>>
    tpu.enqueue_indirect_dma source(%dma_start3A_358 : memref<4096x512xf32, #tpu.memory_space<hbm>>) target(%arg11 : memref<32x512xf32, #tpu.memory_space<vmem>>) offsets(%dma_start3A_355 : memref<32xi32, #tpu.memory_space<vmem>>) semaphore(%arg17 : memref<!tpu.dma_semaphore, #tpu.memory_space<semaphore_mem>>)
    %dma_wait3A_359 = arith.constant 160 : i32
    %dma_wait3A_360 = tpu.memref_slice %arg5[%dma_wait3A_359] : memref<1024xi32, #tpu.memory_space<vmem>> -> memref<32xi32, #tpu.memory_space<vmem>>
    %dma_wait3A_361 = arith.constant 0 : i32
    %dma_wait3A_362 = arith.constant 0 : i32
    %dma_wait3A_363 = tpu.memref_slice %arg7[%dma_wait3A_361, %dma_wait3A_362] : memref<4096x512xf32, #tpu.memory_space<hbm>> -> memref<4096x512xf32, #tpu.memory_space<hbm>>
    tpu.wait_indirect_dma semaphore(%arg19 : memref<!tpu.dma_semaphore, #tpu.memory_space<semaphore_mem>>) src(%dma_wait3A_363 : memref<4096x512xf32, #tpu.memory_space<hbm>>) dst(%arg13 : memref<32x512xf32, #tpu.memory_space<vmem>>)
    %add3A_364 = arith.constant 160 : i32
    %add3A_365 = arith.addi %mul3A_2, %add3A_364 : i32
    %dma_start3A_366 = arith.constant 0 : i32
    %dma_start3A_367 = tpu.memref_slice %arg4[%add3A_365, %dma_start3A_366] : memref<32768x512xf32, #tpu.memory_space<hbm>> -> memref<32x512xf32, #tpu.memory_space<hbm>>
    %dma_start3A_368 = arith.constant 0 : i32
    %dma_start3A_369 = tpu.memref_slice %arg4[%add3A_365, %dma_start3A_368] : memref<32768x512xf32, #tpu.memory_space<hbm>> -> memref<32x512xf32, #tpu.memory_space<hbm>>
    tpu.enqueue_dma source(%arg13 : memref<32x512xf32, #tpu.memory_space<vmem>>) target(%dma_start3A_369 : memref<32x512xf32, #tpu.memory_space<hbm>>) target_semaphore(%arg25 : memref<!tpu.dma_semaphore, #tpu.memory_space<semaphore_mem>>)
    %dma_wait3A_370 = arith.constant 0 : i32
    %dma_wait3A_371 = tpu.memref_slice %arg4[%add3A_345, %dma_wait3A_370] : memref<32768x512xf32, #tpu.memory_space<hbm>> -> memref<32x512xf32, #tpu.memory_space<hbm>>
    %dma_wait3A_372 = arith.constant 0 : i32
    %dma_wait3A_373 = tpu.memref_slice %arg4[%add3A_345, %dma_wait3A_372] : memref<32768x512xf32, #tpu.memory_space<hbm>> -> memref<32x512xf32, #tpu.memory_space<hbm>>
    tpu.wait_dma2 semaphore(%arg24 : memref<!tpu.dma_semaphore, #tpu.memory_space<semaphore_mem>>) src(%arg12 : memref<32x512xf32, #tpu.memory_space<vmem>>) dst(%dma_wait3A_373 : memref<32x512xf32, #tpu.memory_space<hbm>>)
    %dma_start3A_374 = arith.constant 320 : i32
    %dma_start3A_375 = tpu.memref_slice %arg5[%dma_start3A_374] : memref<1024xi32, #tpu.memory_space<vmem>> -> memref<32xi32, #tpu.memory_space<vmem>>
    %dma_start3A_376 = arith.constant 0 : i32
    %dma_start3A_377 = arith.constant 0 : i32
    %dma_start3A_378 = tpu.memref_slice %arg7[%dma_start3A_376, %dma_start3A_377] : memref<4096x512xf32, #tpu.memory_space<hbm>> -> memref<4096x512xf32, #tpu.memory_space<hbm>>
    tpu.enqueue_indirect_dma source(%dma_start3A_378 : memref<4096x512xf32, #tpu.memory_space<hbm>>) target(%arg12 : memref<32x512xf32, #tpu.memory_space<vmem>>) offsets(%dma_start3A_375 : memref<32xi32, #tpu.memory_space<vmem>>) semaphore(%arg18 : memref<!tpu.dma_semaphore, #tpu.memory_space<semaphore_mem>>)
    %dma_wait3A_379 = arith.constant 192 : i32
    %dma_wait3A_380 = tpu.memref_slice %arg5[%dma_wait3A_379] : memref<1024xi32, #tpu.memory_space<vmem>> -> memref<32xi32, #tpu.memory_space<vmem>>
    %dma_wait3A_381 = arith.constant 0 : i32
    %dma_wait3A_382 = arith.constant 0 : i32
    %dma_wait3A_383 = tpu.memref_slice %arg7[%dma_wait3A_381, %dma_wait3A_382] : memref<4096x512xf32, #tpu.memory_space<hbm>> -> memref<4096x512xf32, #tpu.memory_space<hbm>>
    tpu.wait_indirect_dma semaphore(%arg14 : memref<!tpu.dma_semaphore, #tpu.memory_space<semaphore_mem>>) src(%dma_wait3A_383 : memref<4096x512xf32, #tpu.memory_space<hbm>>) dst(%arg8 : memref<32x512xf32, #tpu.memory_space<vmem>>)
    %add3A_384 = arith.constant 192 : i32
    %add3A_385 = arith.addi %mul3A_2, %add3A_384 : i32
    %dma_start3A_386 = arith.constant 0 : i32
    %dma_start3A_387 = tpu.memref_slice %arg4[%add3A_385, %dma_start3A_386] : memref<32768x512xf32, #tpu.memory_space<hbm>> -> memref<32x512xf32, #tpu.memory_space<hbm>>
    %dma_start3A_388 = arith.constant 0 : i32
    %dma_start3A_389 = tpu.memref_slice %arg4[%add3A_385, %dma_start3A_388] : memref<32768x512xf32, #tpu.memory_space<hbm>> -> memref<32x512xf32, #tpu.memory_space<hbm>>
    tpu.enqueue_dma source(%arg8 : memref<32x512xf32, #tpu.memory_space<vmem>>) target(%dma_start3A_389 : memref<32x512xf32, #tpu.memory_space<hbm>>) target_semaphore(%arg20 : memref<!tpu.dma_semaphore, #tpu.memory_space<semaphore_mem>>)
    %dma_wait3A_390 = arith.constant 0 : i32
    %dma_wait3A_391 = tpu.memref_slice %arg4[%add3A_365, %dma_wait3A_390] : memref<32768x512xf32, #tpu.memory_space<hbm>> -> memref<32x512xf32, #tpu.memory_space<hbm>>
    %dma_wait3A_392 = arith.constant 0 : i32
    %dma_wait3A_393 = tpu.memref_slice %arg4[%add3A_365, %dma_wait3A_392] : memref<32768x512xf32, #tpu.memory_space<hbm>> -> memref<32x512xf32, #tpu.memory_space<hbm>>
    tpu.wait_dma2 semaphore(%arg25 : memref<!tpu.dma_semaphore, #tpu.memory_space<semaphore_mem>>) src(%arg13 : memref<32x512xf32, #tpu.memory_space<vmem>>) dst(%dma_wait3A_393 : memref<32x512xf32, #tpu.memory_space<hbm>>)
    %dma_start3A_394 = arith.constant 352 : i32
    %dma_start3A_395 = tpu.memref_slice %arg5[%dma_start3A_394] : memref<1024xi32, #tpu.memory_space<vmem>> -> memref<32xi32, #tpu.memory_space<vmem>>
    %dma_start3A_396 = arith.constant 0 : i32
    %dma_start3A_397 = arith.constant 0 : i32
    %dma_start3A_398 = tpu.memref_slice %arg7[%dma_start3A_396, %dma_start3A_397] : memref<4096x512xf32, #tpu.memory_space<hbm>> -> memref<4096x512xf32, #tpu.memory_space<hbm>>
    tpu.enqueue_indirect_dma source(%dma_start3A_398 : memref<4096x512xf32, #tpu.memory_space<hbm>>) target(%arg13 : memref<32x512xf32, #tpu.memory_space<vmem>>) offsets(%dma_start3A_395 : memref<32xi32, #tpu.memory_space<vmem>>) semaphore(%arg19 : memref<!tpu.dma_semaphore, #tpu.memory_space<semaphore_mem>>)
    %dma_wait3A_399 = arith.constant 224 : i32
    %dma_wait3A_400 = tpu.memref_slice %arg5[%dma_wait3A_399] : memref<1024xi32, #tpu.memory_space<vmem>> -> memref<32xi32, #tpu.memory_space<vmem>>
    %dma_wait3A_401 = arith.constant 0 : i32
    %dma_wait3A_402 = arith.constant 0 : i32
    %dma_wait3A_403 = tpu.memref_slice %arg7[%dma_wait3A_401, %dma_wait3A_402] : memref<4096x512xf32, #tpu.memory_space<hbm>> -> memref<4096x512xf32, #tpu.memory_space<hbm>>
    tpu.wait_indirect_dma semaphore(%arg15 : memref<!tpu.dma_semaphore, #tpu.memory_space<semaphore_mem>>) src(%dma_wait3A_403 : memref<4096x512xf32, #tpu.memory_space<hbm>>) dst(%arg9 : memref<32x512xf32, #tpu.memory_space<vmem>>)
    %add3A_404 = arith.constant 224 : i32
    %add3A_405 = arith.addi %mul3A_2, %add3A_404 : i32
    %dma_start3A_406 = arith.constant 0 : i32
    %dma_start3A_407 = tpu.memref_slice %arg4[%add3A_405, %dma_start3A_406] : memref<32768x512xf32, #tpu.memory_space<hbm>> -> memref<32x512xf32, #tpu.memory_space<hbm>>
    %dma_start3A_408 = arith.constant 0 : i32
    %dma_start3A_409 = tpu.memref_slice %arg4[%add3A_405, %dma_start3A_408] : memref<32768x512xf32, #tpu.memory_space<hbm>> -> memref<32x512xf32, #tpu.memory_space<hbm>>
    tpu.enqueue_dma source(%arg9 : memref<32x512xf32, #tpu.memory_space<vmem>>) target(%dma_start3A_409 : memref<32x512xf32, #tpu.memory_space<hbm>>) target_semaphore(%arg21 : memref<!tpu.dma_semaphore, #tpu.memory_space<semaphore_mem>>)
    %dma_wait3A_410 = arith.constant 0 : i32
    %dma_wait3A_411 = tpu.memref_slice %arg4[%add3A_385, %dma_wait3A_410] : memref<32768x512xf32, #tpu.memory_space<hbm>> -> memref<32x512xf32, #tpu.memory_space<hbm>>
    %dma_wait3A_412 = arith.constant 0 : i32
    %dma_wait3A_413 = tpu.memref_slice %arg4[%add3A_385, %dma_wait3A_412] : memref<32768x512xf32, #tpu.memory_space<hbm>> -> memref<32x512xf32, #tpu.memory_space<hbm>>
    tpu.wait_dma2 semaphore(%arg20 : memref<!tpu.dma_semaphore, #tpu.memory_space<semaphore_mem>>) src(%arg8 : memref<32x512xf32, #tpu.memory_space<vmem>>) dst(%dma_wait3A_413 : memref<32x512xf32, #tpu.memory_space<hbm>>)
    %dma_start3A_414 = arith.constant 384 : i32
    %dma_start3A_415 = tpu.memref_slice %arg5[%dma_start3A_414] : memref<1024xi32, #tpu.memory_space<vmem>> -> memref<32xi32, #tpu.memory_space<vmem>>
    %dma_start3A_416 = arith.constant 0 : i32
    %dma_start3A_417 = arith.constant 0 : i32
    %dma_start3A_418 = tpu.memref_slice %arg7[%dma_start3A_416, %dma_start3A_417] : memref<4096x512xf32, #tpu.memory_space<hbm>> -> memref<4096x512xf32, #tpu.memory_space<hbm>>
    tpu.enqueue_indirect_dma source(%dma_start3A_418 : memref<4096x512xf32, #tpu.memory_space<hbm>>) target(%arg8 : memref<32x512xf32, #tpu.memory_space<vmem>>) offsets(%dma_start3A_415 : memref<32xi32, #tpu.memory_space<vmem>>) semaphore(%arg14 : memref<!tpu.dma_semaphore, #tpu.memory_space<semaphore_mem>>)
    %dma_wait3A_419 = arith.constant 256 : i32
    %dma_wait3A_420 = tpu.memref_slice %arg5[%dma_wait3A_419] : memref<1024xi32, #tpu.memory_space<vmem>> -> memref<32xi32, #tpu.memory_space<vmem>>
    %dma_wait3A_421 = arith.constant 0 : i32
    %dma_wait3A_422 = arith.constant 0 : i32
    %dma_wait3A_423 = tpu.memref_slice %arg7[%dma_wait3A_421, %dma_wait3A_422] : memref<4096x512xf32, #tpu.memory_space<hbm>> -> memref<4096x512xf32, #tpu.memory_space<hbm>>
    tpu.wait_indirect_dma semaphore(%arg16 : memref<!tpu.dma_semaphore, #tpu.memory_space<semaphore_mem>>) src(%dma_wait3A_423 : memref<4096x512xf32, #tpu.memory_space<hbm>>) dst(%arg10 : memref<32x512xf32, #tpu.memory_space<vmem>>)
    %add3A_424 = arith.constant 256 : i32
    %add3A_425 = arith.addi %mul3A_2, %add3A_424 : i32
    %dma_start3A_426 = arith.constant 0 : i32
    %dma_start3A_427 = tpu.memref_slice %arg4[%add3A_425, %dma_start3A_426] : memref<32768x512xf32, #tpu.memory_space<hbm>> -> memref<32x512xf32, #tpu.memory_space<hbm>>
    %dma_start3A_428 = arith.constant 0 : i32
    %dma_start3A_429 = tpu.memref_slice %arg4[%add3A_425, %dma_start3A_428] : memref<32768x512xf32, #tpu.memory_space<hbm>> -> memref<32x512xf32, #tpu.memory_space<hbm>>
    tpu.enqueue_dma source(%arg10 : memref<32x512xf32, #tpu.memory_space<vmem>>) target(%dma_start3A_429 : memref<32x512xf32, #tpu.memory_space<hbm>>) target_semaphore(%arg22 : memref<!tpu.dma_semaphore, #tpu.memory_space<semaphore_mem>>)
    %dma_wait3A_430 = arith.constant 0 : i32
    %dma_wait3A_431 = tpu.memref_slice %arg4[%add3A_405, %dma_wait3A_430] : memref<32768x512xf32, #tpu.memory_space<hbm>> -> memref<32x512xf32, #tpu.memory_space<hbm>>
    %dma_wait3A_432 = arith.constant 0 : i32
    %dma_wait3A_433 = tpu.memref_slice %arg4[%add3A_405, %dma_wait3A_432] : memref<32768x512xf32, #tpu.memory_space<hbm>> -> memref<32x512xf32, #tpu.memory_space<hbm>>
    tpu.wait_dma2 semaphore(%arg21 : memref<!tpu.dma_semaphore, #tpu.memory_space<semaphore_mem>>) src(%arg9 : memref<32x512xf32, #tpu.memory_space<vmem>>) dst(%dma_wait3A_433 : memref<32x512xf32, #tpu.memory_space<hbm>>)
    %dma_start3A_434 = arith.constant 416 : i32
    %dma_start3A_435 = tpu.memref_slice %arg5[%dma_start3A_434] : memref<1024xi32, #tpu.memory_space<vmem>> -> memref<32xi32, #tpu.memory_space<vmem>>
    %dma_start3A_436 = arith.constant 0 : i32
    %dma_start3A_437 = arith.constant 0 : i32
    %dma_start3A_438 = tpu.memref_slice %arg7[%dma_start3A_436, %dma_start3A_437] : memref<4096x512xf32, #tpu.memory_space<hbm>> -> memref<4096x512xf32, #tpu.memory_space<hbm>>
    tpu.enqueue_indirect_dma source(%dma_start3A_438 : memref<4096x512xf32, #tpu.memory_space<hbm>>) target(%arg9 : memref<32x512xf32, #tpu.memory_space<vmem>>) offsets(%dma_start3A_435 : memref<32xi32, #tpu.memory_space<vmem>>) semaphore(%arg15 : memref<!tpu.dma_semaphore, #tpu.memory_space<semaphore_mem>>)
    %dma_wait3A_439 = arith.constant 288 : i32
    %dma_wait3A_440 = tpu.memref_slice %arg5[%dma_wait3A_439] : memref<1024xi32, #tpu.memory_space<vmem>> -> memref<32xi32, #tpu.memory_space<vmem>>
    %dma_wait3A_441 = arith.constant 0 : i32
    %dma_wait3A_442 = arith.constant 0 : i32
    %dma_wait3A_443 = tpu.memref_slice %arg7[%dma_wait3A_441, %dma_wait3A_442] : memref<4096x512xf32, #tpu.memory_space<hbm>> -> memref<4096x512xf32, #tpu.memory_space<hbm>>
    tpu.wait_indirect_dma semaphore(%arg17 : memref<!tpu.dma_semaphore, #tpu.memory_space<semaphore_mem>>) src(%dma_wait3A_443 : memref<4096x512xf32, #tpu.memory_space<hbm>>) dst(%arg11 : memref<32x512xf32, #tpu.memory_space<vmem>>)
    %add3A_444 = arith.constant 288 : i32
    %add3A_445 = arith.addi %mul3A_2, %add3A_444 : i32
    %dma_start3A_446 = arith.constant 0 : i32
    %dma_start3A_447 = tpu.memref_slice %arg4[%add3A_445, %dma_start3A_446] : memref<32768x512xf32, #tpu.memory_space<hbm>> -> memref<32x512xf32, #tpu.memory_space<hbm>>
    %dma_start3A_448 = arith.constant 0 : i32
    %dma_start3A_449 = tpu.memref_slice %arg4[%add3A_445, %dma_start3A_448] : memref<32768x512xf32, #tpu.memory_space<hbm>> -> memref<32x512xf32, #tpu.memory_space<hbm>>
    tpu.enqueue_dma source(%arg11 : memref<32x512xf32, #tpu.memory_space<vmem>>) target(%dma_start3A_449 : memref<32x512xf32, #tpu.memory_space<hbm>>) target_semaphore(%arg23 : memref<!tpu.dma_semaphore, #tpu.memory_space<semaphore_mem>>)
    %dma_wait3A_450 = arith.constant 0 : i32
    %dma_wait3A_451 = tpu.memref_slice %arg4[%add3A_425, %dma_wait3A_450] : memref<32768x512xf32, #tpu.memory_space<hbm>> -> memref<32x512xf32, #tpu.memory_space<hbm>>
    %dma_wait3A_452 = arith.constant 0 : i32
    %dma_wait3A_453 = tpu.memref_slice %arg4[%add3A_425, %dma_wait3A_452] : memref<32768x512xf32, #tpu.memory_space<hbm>> -> memref<32x512xf32, #tpu.memory_space<hbm>>
    tpu.wait_dma2 semaphore(%arg22 : memref<!tpu.dma_semaphore, #tpu.memory_space<semaphore_mem>>) src(%arg10 : memref<32x512xf32, #tpu.memory_space<vmem>>) dst(%dma_wait3A_453 : memref<32x512xf32, #tpu.memory_space<hbm>>)
    %dma_start3A_454 = arith.constant 448 : i32
    %dma_start3A_455 = tpu.memref_slice %arg5[%dma_start3A_454] : memref<1024xi32, #tpu.memory_space<vmem>> -> memref<32xi32, #tpu.memory_space<vmem>>
    %dma_start3A_456 = arith.constant 0 : i32
    %dma_start3A_457 = arith.constant 0 : i32
    %dma_start3A_458 = tpu.memref_slice %arg7[%dma_start3A_456, %dma_start3A_457] : memref<4096x512xf32, #tpu.memory_space<hbm>> -> memref<4096x512xf32, #tpu.memory_space<hbm>>
    tpu.enqueue_indirect_dma source(%dma_start3A_458 : memref<4096x512xf32, #tpu.memory_space<hbm>>) target(%arg10 : memref<32x512xf32, #tpu.memory_space<vmem>>) offsets(%dma_start3A_455 : memref<32xi32, #tpu.memory_space<vmem>>) semaphore(%arg16 : memref<!tpu.dma_semaphore, #tpu.memory_space<semaphore_mem>>)
    %dma_wait3A_459 = arith.constant 320 : i32
    %dma_wait3A_460 = tpu.memref_slice %arg5[%dma_wait3A_459] : memref<1024xi32, #tpu.memory_space<vmem>> -> memref<32xi32, #tpu.memory_space<vmem>>
    %dma_wait3A_461 = arith.constant 0 : i32
    %dma_wait3A_462 = arith.constant 0 : i32
    %dma_wait3A_463 = tpu.memref_slice %arg7[%dma_wait3A_461, %dma_wait3A_462] : memref<4096x512xf32, #tpu.memory_space<hbm>> -> memref<4096x512xf32, #tpu.memory_space<hbm>>
    tpu.wait_indirect_dma semaphore(%arg18 : memref<!tpu.dma_semaphore, #tpu.memory_space<semaphore_mem>>) src(%dma_wait3A_463 : memref<4096x512xf32, #tpu.memory_space<hbm>>) dst(%arg12 : memref<32x512xf32, #tpu.memory_space<vmem>>)
    %add3A_464 = arith.constant 320 : i32
    %add3A_465 = arith.addi %mul3A_2, %add3A_464 : i32
    %dma_start3A_466 = arith.constant 0 : i32
    %dma_start3A_467 = tpu.memref_slice %arg4[%add3A_465, %dma_start3A_466] : memref<32768x512xf32, #tpu.memory_space<hbm>> -> memref<32x512xf32, #tpu.memory_space<hbm>>
    %dma_start3A_468 = arith.constant 0 : i32
    %dma_start3A_469 = tpu.memref_slice %arg4[%add3A_465, %dma_start3A_468] : memref<32768x512xf32, #tpu.memory_space<hbm>> -> memref<32x512xf32, #tpu.memory_space<hbm>>
    tpu.enqueue_dma source(%arg12 : memref<32x512xf32, #tpu.memory_space<vmem>>) target(%dma_start3A_469 : memref<32x512xf32, #tpu.memory_space<hbm>>) target_semaphore(%arg24 : memref<!tpu.dma_semaphore, #tpu.memory_space<semaphore_mem>>)
    %dma_wait3A_470 = arith.constant 0 : i32
    %dma_wait3A_471 = tpu.memref_slice %arg4[%add3A_445, %dma_wait3A_470] : memref<32768x512xf32, #tpu.memory_space<hbm>> -> memref<32x512xf32, #tpu.memory_space<hbm>>
    %dma_wait3A_472 = arith.constant 0 : i32
    %dma_wait3A_473 = tpu.memref_slice %arg4[%add3A_445, %dma_wait3A_472] : memref<32768x512xf32, #tpu.memory_space<hbm>> -> memref<32x512xf32, #tpu.memory_space<hbm>>
    tpu.wait_dma2 semaphore(%arg23 : memref<!tpu.dma_semaphore, #tpu.memory_space<semaphore_mem>>) src(%arg11 : memref<32x512xf32, #tpu.memory_space<vmem>>) dst(%dma_wait3A_473 : memref<32x512xf32, #tpu.memory_space<hbm>>)
    %dma_start3A_474 = arith.constant 480 : i32
    %dma_start3A_475 = tpu.memref_slice %arg5[%dma_start3A_474] : memref<1024xi32, #tpu.memory_space<vmem>> -> memref<32xi32, #tpu.memory_space<vmem>>
    %dma_start3A_476 = arith.constant 0 : i32
    %dma_start3A_477 = arith.constant 0 : i32
    %dma_start3A_478 = tpu.memref_slice %arg7[%dma_start3A_476, %dma_start3A_477] : memref<4096x512xf32, #tpu.memory_space<hbm>> -> memref<4096x512xf32, #tpu.memory_space<hbm>>
    tpu.enqueue_indirect_dma source(%dma_start3A_478 : memref<4096x512xf32, #tpu.memory_space<hbm>>) target(%arg11 : memref<32x512xf32, #tpu.memory_space<vmem>>) offsets(%dma_start3A_475 : memref<32xi32, #tpu.memory_space<vmem>>) semaphore(%arg17 : memref<!tpu.dma_semaphore, #tpu.memory_space<semaphore_mem>>)
    %dma_wait3A_479 = arith.constant 352 : i32
    %dma_wait3A_480 = tpu.memref_slice %arg5[%dma_wait3A_479] : memref<1024xi32, #tpu.memory_space<vmem>> -> memref<32xi32, #tpu.memory_space<vmem>>
    %dma_wait3A_481 = arith.constant 0 : i32
    %dma_wait3A_482 = arith.constant 0 : i32
    %dma_wait3A_483 = tpu.memref_slice %arg7[%dma_wait3A_481, %dma_wait3A_482] : memref<4096x512xf32, #tpu.memory_space<hbm>> -> memref<4096x512xf32, #tpu.memory_space<hbm>>
    tpu.wait_indirect_dma semaphore(%arg19 : memref<!tpu.dma_semaphore, #tpu.memory_space<semaphore_mem>>) src(%dma_wait3A_483 : memref<4096x512xf32, #tpu.memory_space<hbm>>) dst(%arg13 : memref<32x512xf32, #tpu.memory_space<vmem>>)
    %add3A_484 = arith.constant 352 : i32
    %add3A_485 = arith.addi %mul3A_2, %add3A_484 : i32
    %dma_start3A_486 = arith.constant 0 : i32
    %dma_start3A_487 = tpu.memref_slice %arg4[%add3A_485, %dma_start3A_486] : memref<32768x512xf32, #tpu.memory_space<hbm>> -> memref<32x512xf32, #tpu.memory_space<hbm>>
    %dma_start3A_488 = arith.constant 0 : i32
    %dma_start3A_489 = tpu.memref_slice %arg4[%add3A_485, %dma_start3A_488] : memref<32768x512xf32, #tpu.memory_space<hbm>> -> memref<32x512xf32, #tpu.memory_space<hbm>>
    tpu.enqueue_dma source(%arg13 : memref<32x512xf32, #tpu.memory_space<vmem>>) target(%dma_start3A_489 : memref<32x512xf32, #tpu.memory_space<hbm>>) target_semaphore(%arg25 : memref<!tpu.dma_semaphore, #tpu.memory_space<semaphore_mem>>)
    %dma_wait3A_490 = arith.constant 0 : i32
    %dma_wait3A_491 = tpu.memref_slice %arg4[%add3A_465, %dma_wait3A_490] : memref<32768x512xf32, #tpu.memory_space<hbm>> -> memref<32x512xf32, #tpu.memory_space<hbm>>
    %dma_wait3A_492 = arith.constant 0 : i32
    %dma_wait3A_493 = tpu.memref_slice %arg4[%add3A_465, %dma_wait3A_492] : memref<32768x512xf32, #tpu.memory_space<hbm>> -> memref<32x512xf32, #tpu.memory_space<hbm>>
    tpu.wait_dma2 semaphore(%arg24 : memref<!tpu.dma_semaphore, #tpu.memory_space<semaphore_mem>>) src(%arg12 : memref<32x512xf32, #tpu.memory_space<vmem>>) dst(%dma_wait3A_493 : memref<32x512xf32, #tpu.memory_space<hbm>>)
    %dma_start3A_494 = arith.constant 512 : i32
    %dma_start3A_495 = tpu.memref_slice %arg5[%dma_start3A_494] : memref<1024xi32, #tpu.memory_space<vmem>> -> memref<32xi32, #tpu.memory_space<vmem>>
    %dma_start3A_496 = arith.constant 0 : i32
    %dma_start3A_497 = arith.constant 0 : i32
    %dma_start3A_498 = tpu.memref_slice %arg7[%dma_start3A_496, %dma_start3A_497] : memref<4096x512xf32, #tpu.memory_space<hbm>> -> memref<4096x512xf32, #tpu.memory_space<hbm>>
    tpu.enqueue_indirect_dma source(%dma_start3A_498 : memref<4096x512xf32, #tpu.memory_space<hbm>>) target(%arg12 : memref<32x512xf32, #tpu.memory_space<vmem>>) offsets(%dma_start3A_495 : memref<32xi32, #tpu.memory_space<vmem>>) semaphore(%arg18 : memref<!tpu.dma_semaphore, #tpu.memory_space<semaphore_mem>>)
    %dma_wait3A_499 = arith.constant 384 : i32
    %dma_wait3A_500 = tpu.memref_slice %arg5[%dma_wait3A_499] : memref<1024xi32, #tpu.memory_space<vmem>> -> memref<32xi32, #tpu.memory_space<vmem>>
    %dma_wait3A_501 = arith.constant 0 : i32
    %dma_wait3A_502 = arith.constant 0 : i32
    %dma_wait3A_503 = tpu.memref_slice %arg7[%dma_wait3A_501, %dma_wait3A_502] : memref<4096x512xf32, #tpu.memory_space<hbm>> -> memref<4096x512xf32, #tpu.memory_space<hbm>>
    tpu.wait_indirect_dma semaphore(%arg14 : memref<!tpu.dma_semaphore, #tpu.memory_space<semaphore_mem>>) src(%dma_wait3A_503 : memref<4096x512xf32, #tpu.memory_space<hbm>>) dst(%arg8 : memref<32x512xf32, #tpu.memory_space<vmem>>)
    %add3A_504 = arith.constant 384 : i32
    %add3A_505 = arith.addi %mul3A_2, %add3A_504 : i32
    %dma_start3A_506 = arith.constant 0 : i32
    %dma_start3A_507 = tpu.memref_slice %arg4[%add3A_505, %dma_start3A_506] : memref<32768x512xf32, #tpu.memory_space<hbm>> -> memref<32x512xf32, #tpu.memory_space<hbm>>
    %dma_start3A_508 = arith.constant 0 : i32
    %dma_start3A_509 = tpu.memref_slice %arg4[%add3A_505, %dma_start3A_508] : memref<32768x512xf32, #tpu.memory_space<hbm>> -> memref<32x512xf32, #tpu.memory_space<hbm>>
    tpu.enqueue_dma source(%arg8 : memref<32x512xf32, #tpu.memory_space<vmem>>) target(%dma_start3A_509 : memref<32x512xf32, #tpu.memory_space<hbm>>) target_semaphore(%arg20 : memref<!tpu.dma_semaphore, #tpu.memory_space<semaphore_mem>>)
    %dma_wait3A_510 = arith.constant 0 : i32
    %dma_wait3A_511 = tpu.memref_slice %arg4[%add3A_485, %dma_wait3A_510] : memref<32768x512xf32, #tpu.memory_space<hbm>> -> memref<32x512xf32, #tpu.memory_space<hbm>>
    %dma_wait3A_512 = arith.constant 0 : i32
    %dma_wait3A_513 = tpu.memref_slice %arg4[%add3A_485, %dma_wait3A_512] : memref<32768x512xf32, #tpu.memory_space<hbm>> -> memref<32x512xf32, #tpu.memory_space<hbm>>
    tpu.wait_dma2 semaphore(%arg25 : memref<!tpu.dma_semaphore, #tpu.memory_space<semaphore_mem>>) src(%arg13 : memref<32x512xf32, #tpu.memory_space<vmem>>) dst(%dma_wait3A_513 : memref<32x512xf32, #tpu.memory_space<hbm>>)
    %dma_start3A_514 = arith.constant 544 : i32
    %dma_start3A_515 = tpu.memref_slice %arg5[%dma_start3A_514] : memref<1024xi32, #tpu.memory_space<vmem>> -> memref<32xi32, #tpu.memory_space<vmem>>
    %dma_start3A_516 = arith.constant 0 : i32
    %dma_start3A_517 = arith.constant 0 : i32
    %dma_start3A_518 = tpu.memref_slice %arg7[%dma_start3A_516, %dma_start3A_517] : memref<4096x512xf32, #tpu.memory_space<hbm>> -> memref<4096x512xf32, #tpu.memory_space<hbm>>
    tpu.enqueue_indirect_dma source(%dma_start3A_518 : memref<4096x512xf32, #tpu.memory_space<hbm>>) target(%arg13 : memref<32x512xf32, #tpu.memory_space<vmem>>) offsets(%dma_start3A_515 : memref<32xi32, #tpu.memory_space<vmem>>) semaphore(%arg19 : memref<!tpu.dma_semaphore, #tpu.memory_space<semaphore_mem>>)
    %dma_wait3A_519 = arith.constant 416 : i32
    %dma_wait3A_520 = tpu.memref_slice %arg5[%dma_wait3A_519] : memref<1024xi32, #tpu.memory_space<vmem>> -> memref<32xi32, #tpu.memory_space<vmem>>
    %dma_wait3A_521 = arith.constant 0 : i32
    %dma_wait3A_522 = arith.constant 0 : i32
    %dma_wait3A_523 = tpu.memref_slice %arg7[%dma_wait3A_521, %dma_wait3A_522] : memref<4096x512xf32, #tpu.memory_space<hbm>> -> memref<4096x512xf32, #tpu.memory_space<hbm>>
    tpu.wait_indirect_dma semaphore(%arg15 : memref<!tpu.dma_semaphore, #tpu.memory_space<semaphore_mem>>) src(%dma_wait3A_523 : memref<4096x512xf32, #tpu.memory_space<hbm>>) dst(%arg9 : memref<32x512xf32, #tpu.memory_space<vmem>>)
    %add3A_524 = arith.constant 416 : i32
    %add3A_525 = arith.addi %mul3A_2, %add3A_524 : i32
    %dma_start3A_526 = arith.constant 0 : i32
    %dma_start3A_527 = tpu.memref_slice %arg4[%add3A_525, %dma_start3A_526] : memref<32768x512xf32, #tpu.memory_space<hbm>> -> memref<32x512xf32, #tpu.memory_space<hbm>>
    %dma_start3A_528 = arith.constant 0 : i32
    %dma_start3A_529 = tpu.memref_slice %arg4[%add3A_525, %dma_start3A_528] : memref<32768x512xf32, #tpu.memory_space<hbm>> -> memref<32x512xf32, #tpu.memory_space<hbm>>
    tpu.enqueue_dma source(%arg9 : memref<32x512xf32, #tpu.memory_space<vmem>>) target(%dma_start3A_529 : memref<32x512xf32, #tpu.memory_space<hbm>>) target_semaphore(%arg21 : memref<!tpu.dma_semaphore, #tpu.memory_space<semaphore_mem>>)
    %dma_wait3A_530 = arith.constant 0 : i32
    %dma_wait3A_531 = tpu.memref_slice %arg4[%add3A_505, %dma_wait3A_530] : memref<32768x512xf32, #tpu.memory_space<hbm>> -> memref<32x512xf32, #tpu.memory_space<hbm>>
    %dma_wait3A_532 = arith.constant 0 : i32
    %dma_wait3A_533 = tpu.memref_slice %arg4[%add3A_505, %dma_wait3A_532] : memref<32768x512xf32, #tpu.memory_space<hbm>> -> memref<32x512xf32, #tpu.memory_space<hbm>>
    tpu.wait_dma2 semaphore(%arg20 : memref<!tpu.dma_semaphore, #tpu.memory_space<semaphore_mem>>) src(%arg8 : memref<32x512xf32, #tpu.memory_space<vmem>>) dst(%dma_wait3A_533 : memref<32x512xf32, #tpu.memory_space<hbm>>)
    %dma_start3A_534 = arith.constant 576 : i32
    %dma_start3A_535 = tpu.memref_slice %arg5[%dma_start3A_534] : memref<1024xi32, #tpu.memory_space<vmem>> -> memref<32xi32, #tpu.memory_space<vmem>>
    %dma_start3A_536 = arith.constant 0 : i32
    %dma_start3A_537 = arith.constant 0 : i32
    %dma_start3A_538 = tpu.memref_slice %arg7[%dma_start3A_536, %dma_start3A_537] : memref<4096x512xf32, #tpu.memory_space<hbm>> -> memref<4096x512xf32, #tpu.memory_space<hbm>>
    tpu.enqueue_indirect_dma source(%dma_start3A_538 : memref<4096x512xf32, #tpu.memory_space<hbm>>) target(%arg8 : memref<32x512xf32, #tpu.memory_space<vmem>>) offsets(%dma_start3A_535 : memref<32xi32, #tpu.memory_space<vmem>>) semaphore(%arg14 : memref<!tpu.dma_semaphore, #tpu.memory_space<semaphore_mem>>)
    %dma_wait3A_539 = arith.constant 448 : i32
    %dma_wait3A_540 = tpu.memref_slice %arg5[%dma_wait3A_539] : memref<1024xi32, #tpu.memory_space<vmem>> -> memref<32xi32, #tpu.memory_space<vmem>>
    %dma_wait3A_541 = arith.constant 0 : i32
    %dma_wait3A_542 = arith.constant 0 : i32
    %dma_wait3A_543 = tpu.memref_slice %arg7[%dma_wait3A_541, %dma_wait3A_542] : memref<4096x512xf32, #tpu.memory_space<hbm>> -> memref<4096x512xf32, #tpu.memory_space<hbm>>
    tpu.wait_indirect_dma semaphore(%arg16 : memref<!tpu.dma_semaphore, #tpu.memory_space<semaphore_mem>>) src(%dma_wait3A_543 : memref<4096x512xf32, #tpu.memory_space<hbm>>) dst(%arg10 : memref<32x512xf32, #tpu.memory_space<vmem>>)
    %add3A_544 = arith.constant 448 : i32
    %add3A_545 = arith.addi %mul3A_2, %add3A_544 : i32
    %dma_start3A_546 = arith.constant 0 : i32
    %dma_start3A_547 = tpu.memref_slice %arg4[%add3A_545, %dma_start3A_546] : memref<32768x512xf32, #tpu.memory_space<hbm>> -> memref<32x512xf32, #tpu.memory_space<hbm>>
    %dma_start3A_548 = arith.constant 0 : i32
    %dma_start3A_549 = tpu.memref_slice %arg4[%add3A_545, %dma_start3A_548] : memref<32768x512xf32, #tpu.memory_space<hbm>> -> memref<32x512xf32, #tpu.memory_space<hbm>>
    tpu.enqueue_dma source(%arg10 : memref<32x512xf32, #tpu.memory_space<vmem>>) target(%dma_start3A_549 : memref<32x512xf32, #tpu.memory_space<hbm>>) target_semaphore(%arg22 : memref<!tpu.dma_semaphore, #tpu.memory_space<semaphore_mem>>)
    %dma_wait3A_550 = arith.constant 0 : i32
    %dma_wait3A_551 = tpu.memref_slice %arg4[%add3A_525, %dma_wait3A_550] : memref<32768x512xf32, #tpu.memory_space<hbm>> -> memref<32x512xf32, #tpu.memory_space<hbm>>
    %dma_wait3A_552 = arith.constant 0 : i32
    %dma_wait3A_553 = tpu.memref_slice %arg4[%add3A_525, %dma_wait3A_552] : memref<32768x512xf32, #tpu.memory_space<hbm>> -> memref<32x512xf32, #tpu.memory_space<hbm>>
    tpu.wait_dma2 semaphore(%arg21 : memref<!tpu.dma_semaphore, #tpu.memory_space<semaphore_mem>>) src(%arg9 : memref<32x512xf32, #tpu.memory_space<vmem>>) dst(%dma_wait3A_553 : memref<32x512xf32, #tpu.memory_space<hbm>>)
    %dma_start3A_554 = arith.constant 608 : i32
    %dma_start3A_555 = tpu.memref_slice %arg5[%dma_start3A_554] : memref<1024xi32, #tpu.memory_space<vmem>> -> memref<32xi32, #tpu.memory_space<vmem>>
    %dma_start3A_556 = arith.constant 0 : i32
    %dma_start3A_557 = arith.constant 0 : i32
    %dma_start3A_558 = tpu.memref_slice %arg7[%dma_start3A_556, %dma_start3A_557] : memref<4096x512xf32, #tpu.memory_space<hbm>> -> memref<4096x512xf32, #tpu.memory_space<hbm>>
    tpu.enqueue_indirect_dma source(%dma_start3A_558 : memref<4096x512xf32, #tpu.memory_space<hbm>>) target(%arg9 : memref<32x512xf32, #tpu.memory_space<vmem>>) offsets(%dma_start3A_555 : memref<32xi32, #tpu.memory_space<vmem>>) semaphore(%arg15 : memref<!tpu.dma_semaphore, #tpu.memory_space<semaphore_mem>>)
    %dma_wait3A_559 = arith.constant 480 : i32
    %dma_wait3A_560 = tpu.memref_slice %arg5[%dma_wait3A_559] : memref<1024xi32, #tpu.memory_space<vmem>> -> memref<32xi32, #tpu.memory_space<vmem>>
    %dma_wait3A_561 = arith.constant 0 : i32
    %dma_wait3A_562 = arith.constant 0 : i32
    %dma_wait3A_563 = tpu.memref_slice %arg7[%dma_wait3A_561, %dma_wait3A_562] : memref<4096x512xf32, #tpu.memory_space<hbm>> -> memref<4096x512xf32, #tpu.memory_space<hbm>>
    tpu.wait_indirect_dma semaphore(%arg17 : memref<!tpu.dma_semaphore, #tpu.memory_space<semaphore_mem>>) src(%dma_wait3A_563 : memref<4096x512xf32, #tpu.memory_space<hbm>>) dst(%arg11 : memref<32x512xf32, #tpu.memory_space<vmem>>)
    %add3A_564 = arith.constant 480 : i32
    %add3A_565 = arith.addi %mul3A_2, %add3A_564 : i32
    %dma_start3A_566 = arith.constant 0 : i32
    %dma_start3A_567 = tpu.memref_slice %arg4[%add3A_565, %dma_start3A_566] : memref<32768x512xf32, #tpu.memory_space<hbm>> -> memref<32x512xf32, #tpu.memory_space<hbm>>
    %dma_start3A_568 = arith.constant 0 : i32
    %dma_start3A_569 = tpu.memref_slice %arg4[%add3A_565, %dma_start3A_568] : memref<32768x512xf32, #tpu.memory_space<hbm>> -> memref<32x512xf32, #tpu.memory_space<hbm>>
    tpu.enqueue_dma source(%arg11 : memref<32x512xf32, #tpu.memory_space<vmem>>) target(%dma_start3A_569 : memref<32x512xf32, #tpu.memory_space<hbm>>) target_semaphore(%arg23 : memref<!tpu.dma_semaphore, #tpu.memory_space<semaphore_mem>>)
    %dma_wait3A_570 = arith.constant 0 : i32
    %dma_wait3A_571 = tpu.memref_slice %arg4[%add3A_545, %dma_wait3A_570] : memref<32768x512xf32, #tpu.memory_space<hbm>> -> memref<32x512xf32, #tpu.memory_space<hbm>>
    %dma_wait3A_572 = arith.constant 0 : i32
    %dma_wait3A_573 = tpu.memref_slice %arg4[%add3A_545, %dma_wait3A_572] : memref<32768x512xf32, #tpu.memory_space<hbm>> -> memref<32x512xf32, #tpu.memory_space<hbm>>
    tpu.wait_dma2 semaphore(%arg22 : memref<!tpu.dma_semaphore, #tpu.memory_space<semaphore_mem>>) src(%arg10 : memref<32x512xf32, #tpu.memory_space<vmem>>) dst(%dma_wait3A_573 : memref<32x512xf32, #tpu.memory_space<hbm>>)
    %dma_start3A_574 = arith.constant 640 : i32
    %dma_start3A_575 = tpu.memref_slice %arg5[%dma_start3A_574] : memref<1024xi32, #tpu.memory_space<vmem>> -> memref<32xi32, #tpu.memory_space<vmem>>
    %dma_start3A_576 = arith.constant 0 : i32
    %dma_start3A_577 = arith.constant 0 : i32
    %dma_start3A_578 = tpu.memref_slice %arg7[%dma_start3A_576, %dma_start3A_577] : memref<4096x512xf32, #tpu.memory_space<hbm>> -> memref<4096x512xf32, #tpu.memory_space<hbm>>
    tpu.enqueue_indirect_dma source(%dma_start3A_578 : memref<4096x512xf32, #tpu.memory_space<hbm>>) target(%arg10 : memref<32x512xf32, #tpu.memory_space<vmem>>) offsets(%dma_start3A_575 : memref<32xi32, #tpu.memory_space<vmem>>) semaphore(%arg16 : memref<!tpu.dma_semaphore, #tpu.memory_space<semaphore_mem>>)
    %dma_wait3A_579 = arith.constant 512 : i32
    %dma_wait3A_580 = tpu.memref_slice %arg5[%dma_wait3A_579] : memref<1024xi32, #tpu.memory_space<vmem>> -> memref<32xi32, #tpu.memory_space<vmem>>
    %dma_wait3A_581 = arith.constant 0 : i32
    %dma_wait3A_582 = arith.constant 0 : i32
    %dma_wait3A_583 = tpu.memref_slice %arg7[%dma_wait3A_581, %dma_wait3A_582] : memref<4096x512xf32, #tpu.memory_space<hbm>> -> memref<4096x512xf32, #tpu.memory_space<hbm>>
    tpu.wait_indirect_dma semaphore(%arg18 : memref<!tpu.dma_semaphore, #tpu.memory_space<semaphore_mem>>) src(%dma_wait3A_583 : memref<4096x512xf32, #tpu.memory_space<hbm>>) dst(%arg12 : memref<32x512xf32, #tpu.memory_space<vmem>>)
    %add3A_584 = arith.constant 512 : i32
    %add3A_585 = arith.addi %mul3A_2, %add3A_584 : i32
    %dma_start3A_586 = arith.constant 0 : i32
    %dma_start3A_587 = tpu.memref_slice %arg4[%add3A_585, %dma_start3A_586] : memref<32768x512xf32, #tpu.memory_space<hbm>> -> memref<32x512xf32, #tpu.memory_space<hbm>>
    %dma_start3A_588 = arith.constant 0 : i32
    %dma_start3A_589 = tpu.memref_slice %arg4[%add3A_585, %dma_start3A_588] : memref<32768x512xf32, #tpu.memory_space<hbm>> -> memref<32x512xf32, #tpu.memory_space<hbm>>
    tpu.enqueue_dma source(%arg12 : memref<32x512xf32, #tpu.memory_space<vmem>>) target(%dma_start3A_589 : memref<32x512xf32, #tpu.memory_space<hbm>>) target_semaphore(%arg24 : memref<!tpu.dma_semaphore, #tpu.memory_space<semaphore_mem>>)
    %dma_wait3A_590 = arith.constant 0 : i32
    %dma_wait3A_591 = tpu.memref_slice %arg4[%add3A_565, %dma_wait3A_590] : memref<32768x512xf32, #tpu.memory_space<hbm>> -> memref<32x512xf32, #tpu.memory_space<hbm>>
    %dma_wait3A_592 = arith.constant 0 : i32
    %dma_wait3A_593 = tpu.memref_slice %arg4[%add3A_565, %dma_wait3A_592] : memref<32768x512xf32, #tpu.memory_space<hbm>> -> memref<32x512xf32, #tpu.memory_space<hbm>>
    tpu.wait_dma2 semaphore(%arg23 : memref<!tpu.dma_semaphore, #tpu.memory_space<semaphore_mem>>) src(%arg11 : memref<32x512xf32, #tpu.memory_space<vmem>>) dst(%dma_wait3A_593 : memref<32x512xf32, #tpu.memory_space<hbm>>)
    %dma_start3A_594 = arith.constant 672 : i32
    %dma_start3A_595 = tpu.memref_slice %arg5[%dma_start3A_594] : memref<1024xi32, #tpu.memory_space<vmem>> -> memref<32xi32, #tpu.memory_space<vmem>>
    %dma_start3A_596 = arith.constant 0 : i32
    %dma_start3A_597 = arith.constant 0 : i32
    %dma_start3A_598 = tpu.memref_slice %arg7[%dma_start3A_596, %dma_start3A_597] : memref<4096x512xf32, #tpu.memory_space<hbm>> -> memref<4096x512xf32, #tpu.memory_space<hbm>>
    tpu.enqueue_indirect_dma source(%dma_start3A_598 : memref<4096x512xf32, #tpu.memory_space<hbm>>) target(%arg11 : memref<32x512xf32, #tpu.memory_space<vmem>>) offsets(%dma_start3A_595 : memref<32xi32, #tpu.memory_space<vmem>>) semaphore(%arg17 : memref<!tpu.dma_semaphore, #tpu.memory_space<semaphore_mem>>)
    %dma_wait3A_599 = arith.constant 544 : i32
    %dma_wait3A_600 = tpu.memref_slice %arg5[%dma_wait3A_599] : memref<1024xi32, #tpu.memory_space<vmem>> -> memref<32xi32, #tpu.memory_space<vmem>>
    %dma_wait3A_601 = arith.constant 0 : i32
    %dma_wait3A_602 = arith.constant 0 : i32
    %dma_wait3A_603 = tpu.memref_slice %arg7[%dma_wait3A_601, %dma_wait3A_602] : memref<4096x512xf32, #tpu.memory_space<hbm>> -> memref<4096x512xf32, #tpu.memory_space<hbm>>
    tpu.wait_indirect_dma semaphore(%arg19 : memref<!tpu.dma_semaphore, #tpu.memory_space<semaphore_mem>>) src(%dma_wait3A_603 : memref<4096x512xf32, #tpu.memory_space<hbm>>) dst(%arg13 : memref<32x512xf32, #tpu.memory_space<vmem>>)
    %add3A_604 = arith.constant 544 : i32
    %add3A_605 = arith.addi %mul3A_2, %add3A_604 : i32
    %dma_start3A_606 = arith.constant 0 : i32
    %dma_start3A_607 = tpu.memref_slice %arg4[%add3A_605, %dma_start3A_606] : memref<32768x512xf32, #tpu.memory_space<hbm>> -> memref<32x512xf32, #tpu.memory_space<hbm>>
    %dma_start3A_608 = arith.constant 0 : i32
    %dma_start3A_609 = tpu.memref_slice %arg4[%add3A_605, %dma_start3A_608] : memref<32768x512xf32, #tpu.memory_space<hbm>> -> memref<32x512xf32, #tpu.memory_space<hbm>>
    tpu.enqueue_dma source(%arg13 : memref<32x512xf32, #tpu.memory_space<vmem>>) target(%dma_start3A_609 : memref<32x512xf32, #tpu.memory_space<hbm>>) target_semaphore(%arg25 : memref<!tpu.dma_semaphore, #tpu.memory_space<semaphore_mem>>)
    %dma_wait3A_610 = arith.constant 0 : i32
    %dma_wait3A_611 = tpu.memref_slice %arg4[%add3A_585, %dma_wait3A_610] : memref<32768x512xf32, #tpu.memory_space<hbm>> -> memref<32x512xf32, #tpu.memory_space<hbm>>
    %dma_wait3A_612 = arith.constant 0 : i32
    %dma_wait3A_613 = tpu.memref_slice %arg4[%add3A_585, %dma_wait3A_612] : memref<32768x512xf32, #tpu.memory_space<hbm>> -> memref<32x512xf32, #tpu.memory_space<hbm>>
    tpu.wait_dma2 semaphore(%arg24 : memref<!tpu.dma_semaphore, #tpu.memory_space<semaphore_mem>>) src(%arg12 : memref<32x512xf32, #tpu.memory_space<vmem>>) dst(%dma_wait3A_613 : memref<32x512xf32, #tpu.memory_space<hbm>>)
    %dma_start3A_614 = arith.constant 704 : i32
    %dma_start3A_615 = tpu.memref_slice %arg5[%dma_start3A_614] : memref<1024xi32, #tpu.memory_space<vmem>> -> memref<32xi32, #tpu.memory_space<vmem>>
    %dma_start3A_616 = arith.constant 0 : i32
    %dma_start3A_617 = arith.constant 0 : i32
    %dma_start3A_618 = tpu.memref_slice %arg7[%dma_start3A_616, %dma_start3A_617] : memref<4096x512xf32, #tpu.memory_space<hbm>> -> memref<4096x512xf32, #tpu.memory_space<hbm>>
    tpu.enqueue_indirect_dma source(%dma_start3A_618 : memref<4096x512xf32, #tpu.memory_space<hbm>>) target(%arg12 : memref<32x512xf32, #tpu.memory_space<vmem>>) offsets(%dma_start3A_615 : memref<32xi32, #tpu.memory_space<vmem>>) semaphore(%arg18 : memref<!tpu.dma_semaphore, #tpu.memory_space<semaphore_mem>>)
    %dma_wait3A_619 = arith.constant 576 : i32
    %dma_wait3A_620 = tpu.memref_slice %arg5[%dma_wait3A_619] : memref<1024xi32, #tpu.memory_space<vmem>> -> memref<32xi32, #tpu.memory_space<vmem>>
    %dma_wait3A_621 = arith.constant 0 : i32
    %dma_wait3A_622 = arith.constant 0 : i32
    %dma_wait3A_623 = tpu.memref_slice %arg7[%dma_wait3A_621, %dma_wait3A_622] : memref<4096x512xf32, #tpu.memory_space<hbm>> -> memref<4096x512xf32, #tpu.memory_space<hbm>>
    tpu.wait_indirect_dma semaphore(%arg14 : memref<!tpu.dma_semaphore, #tpu.memory_space<semaphore_mem>>) src(%dma_wait3A_623 : memref<4096x512xf32, #tpu.memory_space<hbm>>) dst(%arg8 : memref<32x512xf32, #tpu.memory_space<vmem>>)
    %add3A_624 = arith.constant 576 : i32
    %add3A_625 = arith.addi %mul3A_2, %add3A_624 : i32
    %dma_start3A_626 = arith.constant 0 : i32
    %dma_start3A_627 = tpu.memref_slice %arg4[%add3A_625, %dma_start3A_626] : memref<32768x512xf32, #tpu.memory_space<hbm>> -> memref<32x512xf32, #tpu.memory_space<hbm>>
    %dma_start3A_628 = arith.constant 0 : i32
    %dma_start3A_629 = tpu.memref_slice %arg4[%add3A_625, %dma_start3A_628] : memref<32768x512xf32, #tpu.memory_space<hbm>> -> memref<32x512xf32, #tpu.memory_space<hbm>>
    tpu.enqueue_dma source(%arg8 : memref<32x512xf32, #tpu.memory_space<vmem>>) target(%dma_start3A_629 : memref<32x512xf32, #tpu.memory_space<hbm>>) target_semaphore(%arg20 : memref<!tpu.dma_semaphore, #tpu.memory_space<semaphore_mem>>)
    %dma_wait3A_630 = arith.constant 0 : i32
    %dma_wait3A_631 = tpu.memref_slice %arg4[%add3A_605, %dma_wait3A_630] : memref<32768x512xf32, #tpu.memory_space<hbm>> -> memref<32x512xf32, #tpu.memory_space<hbm>>
    %dma_wait3A_632 = arith.constant 0 : i32
    %dma_wait3A_633 = tpu.memref_slice %arg4[%add3A_605, %dma_wait3A_632] : memref<32768x512xf32, #tpu.memory_space<hbm>> -> memref<32x512xf32, #tpu.memory_space<hbm>>
    tpu.wait_dma2 semaphore(%arg25 : memref<!tpu.dma_semaphore, #tpu.memory_space<semaphore_mem>>) src(%arg13 : memref<32x512xf32, #tpu.memory_space<vmem>>) dst(%dma_wait3A_633 : memref<32x512xf32, #tpu.memory_space<hbm>>)
    %dma_start3A_634 = arith.constant 736 : i32
    %dma_start3A_635 = tpu.memref_slice %arg5[%dma_start3A_634] : memref<1024xi32, #tpu.memory_space<vmem>> -> memref<32xi32, #tpu.memory_space<vmem>>
    %dma_start3A_636 = arith.constant 0 : i32
    %dma_start3A_637 = arith.constant 0 : i32
    %dma_start3A_638 = tpu.memref_slice %arg7[%dma_start3A_636, %dma_start3A_637] : memref<4096x512xf32, #tpu.memory_space<hbm>> -> memref<4096x512xf32, #tpu.memory_space<hbm>>
    tpu.enqueue_indirect_dma source(%dma_start3A_638 : memref<4096x512xf32, #tpu.memory_space<hbm>>) target(%arg13 : memref<32x512xf32, #tpu.memory_space<vmem>>) offsets(%dma_start3A_635 : memref<32xi32, #tpu.memory_space<vmem>>) semaphore(%arg19 : memref<!tpu.dma_semaphore, #tpu.memory_space<semaphore_mem>>)
    %dma_wait3A_639 = arith.constant 608 : i32
    %dma_wait3A_640 = tpu.memref_slice %arg5[%dma_wait3A_639] : memref<1024xi32, #tpu.memory_space<vmem>> -> memref<32xi32, #tpu.memory_space<vmem>>
    %dma_wait3A_641 = arith.constant 0 : i32
    %dma_wait3A_642 = arith.constant 0 : i32
    %dma_wait3A_643 = tpu.memref_slice %arg7[%dma_wait3A_641, %dma_wait3A_642] : memref<4096x512xf32, #tpu.memory_space<hbm>> -> memref<4096x512xf32, #tpu.memory_space<hbm>>
    tpu.wait_indirect_dma semaphore(%arg15 : memref<!tpu.dma_semaphore, #tpu.memory_space<semaphore_mem>>) src(%dma_wait3A_643 : memref<4096x512xf32, #tpu.memory_space<hbm>>) dst(%arg9 : memref<32x512xf32, #tpu.memory_space<vmem>>)
    %add3A_644 = arith.constant 608 : i32
    %add3A_645 = arith.addi %mul3A_2, %add3A_644 : i32
    %dma_start3A_646 = arith.constant 0 : i32
    %dma_start3A_647 = tpu.memref_slice %arg4[%add3A_645, %dma_start3A_646] : memref<32768x512xf32, #tpu.memory_space<hbm>> -> memref<32x512xf32, #tpu.memory_space<hbm>>
    %dma_start3A_648 = arith.constant 0 : i32
    %dma_start3A_649 = tpu.memref_slice %arg4[%add3A_645, %dma_start3A_648] : memref<32768x512xf32, #tpu.memory_space<hbm>> -> memref<32x512xf32, #tpu.memory_space<hbm>>
    tpu.enqueue_dma source(%arg9 : memref<32x512xf32, #tpu.memory_space<vmem>>) target(%dma_start3A_649 : memref<32x512xf32, #tpu.memory_space<hbm>>) target_semaphore(%arg21 : memref<!tpu.dma_semaphore, #tpu.memory_space<semaphore_mem>>)
    %dma_wait3A_650 = arith.constant 0 : i32
    %dma_wait3A_651 = tpu.memref_slice %arg4[%add3A_625, %dma_wait3A_650] : memref<32768x512xf32, #tpu.memory_space<hbm>> -> memref<32x512xf32, #tpu.memory_space<hbm>>
    %dma_wait3A_652 = arith.constant 0 : i32
    %dma_wait3A_653 = tpu.memref_slice %arg4[%add3A_625, %dma_wait3A_652] : memref<32768x512xf32, #tpu.memory_space<hbm>> -> memref<32x512xf32, #tpu.memory_space<hbm>>
    tpu.wait_dma2 semaphore(%arg20 : memref<!tpu.dma_semaphore, #tpu.memory_space<semaphore_mem>>) src(%arg8 : memref<32x512xf32, #tpu.memory_space<vmem>>) dst(%dma_wait3A_653 : memref<32x512xf32, #tpu.memory_space<hbm>>)
    %dma_start3A_654 = arith.constant 768 : i32
    %dma_start3A_655 = tpu.memref_slice %arg5[%dma_start3A_654] : memref<1024xi32, #tpu.memory_space<vmem>> -> memref<32xi32, #tpu.memory_space<vmem>>
    %dma_start3A_656 = arith.constant 0 : i32
    %dma_start3A_657 = arith.constant 0 : i32
    %dma_start3A_658 = tpu.memref_slice %arg7[%dma_start3A_656, %dma_start3A_657] : memref<4096x512xf32, #tpu.memory_space<hbm>> -> memref<4096x512xf32, #tpu.memory_space<hbm>>
    tpu.enqueue_indirect_dma source(%dma_start3A_658 : memref<4096x512xf32, #tpu.memory_space<hbm>>) target(%arg8 : memref<32x512xf32, #tpu.memory_space<vmem>>) offsets(%dma_start3A_655 : memref<32xi32, #tpu.memory_space<vmem>>) semaphore(%arg14 : memref<!tpu.dma_semaphore, #tpu.memory_space<semaphore_mem>>)
    %dma_wait3A_659 = arith.constant 640 : i32
    %dma_wait3A_660 = tpu.memref_slice %arg5[%dma_wait3A_659] : memref<1024xi32, #tpu.memory_space<vmem>> -> memref<32xi32, #tpu.memory_space<vmem>>
    %dma_wait3A_661 = arith.constant 0 : i32
    %dma_wait3A_662 = arith.constant 0 : i32
    %dma_wait3A_663 = tpu.memref_slice %arg7[%dma_wait3A_661, %dma_wait3A_662] : memref<4096x512xf32, #tpu.memory_space<hbm>> -> memref<4096x512xf32, #tpu.memory_space<hbm>>
    tpu.wait_indirect_dma semaphore(%arg16 : memref<!tpu.dma_semaphore, #tpu.memory_space<semaphore_mem>>) src(%dma_wait3A_663 : memref<4096x512xf32, #tpu.memory_space<hbm>>) dst(%arg10 : memref<32x512xf32, #tpu.memory_space<vmem>>)
    %add3A_664 = arith.constant 640 : i32
    %add3A_665 = arith.addi %mul3A_2, %add3A_664 : i32
    %dma_start3A_666 = arith.constant 0 : i32
    %dma_start3A_667 = tpu.memref_slice %arg4[%add3A_665, %dma_start3A_666] : memref<32768x512xf32, #tpu.memory_space<hbm>> -> memref<32x512xf32, #tpu.memory_space<hbm>>
    %dma_start3A_668 = arith.constant 0 : i32
    %dma_start3A_669 = tpu.memref_slice %arg4[%add3A_665, %dma_start3A_668] : memref<32768x512xf32, #tpu.memory_space<hbm>> -> memref<32x512xf32, #tpu.memory_space<hbm>>
    tpu.enqueue_dma source(%arg10 : memref<32x512xf32, #tpu.memory_space<vmem>>) target(%dma_start3A_669 : memref<32x512xf32, #tpu.memory_space<hbm>>) target_semaphore(%arg22 : memref<!tpu.dma_semaphore, #tpu.memory_space<semaphore_mem>>)
    %dma_wait3A_670 = arith.constant 0 : i32
    %dma_wait3A_671 = tpu.memref_slice %arg4[%add3A_645, %dma_wait3A_670] : memref<32768x512xf32, #tpu.memory_space<hbm>> -> memref<32x512xf32, #tpu.memory_space<hbm>>
    %dma_wait3A_672 = arith.constant 0 : i32
    %dma_wait3A_673 = tpu.memref_slice %arg4[%add3A_645, %dma_wait3A_672] : memref<32768x512xf32, #tpu.memory_space<hbm>> -> memref<32x512xf32, #tpu.memory_space<hbm>>
    tpu.wait_dma2 semaphore(%arg21 : memref<!tpu.dma_semaphore, #tpu.memory_space<semaphore_mem>>) src(%arg9 : memref<32x512xf32, #tpu.memory_space<vmem>>) dst(%dma_wait3A_673 : memref<32x512xf32, #tpu.memory_space<hbm>>)
    %dma_start3A_674 = arith.constant 800 : i32
    %dma_start3A_675 = tpu.memref_slice %arg5[%dma_start3A_674] : memref<1024xi32, #tpu.memory_space<vmem>> -> memref<32xi32, #tpu.memory_space<vmem>>
    %dma_start3A_676 = arith.constant 0 : i32
    %dma_start3A_677 = arith.constant 0 : i32
    %dma_start3A_678 = tpu.memref_slice %arg7[%dma_start3A_676, %dma_start3A_677] : memref<4096x512xf32, #tpu.memory_space<hbm>> -> memref<4096x512xf32, #tpu.memory_space<hbm>>
    tpu.enqueue_indirect_dma source(%dma_start3A_678 : memref<4096x512xf32, #tpu.memory_space<hbm>>) target(%arg9 : memref<32x512xf32, #tpu.memory_space<vmem>>) offsets(%dma_start3A_675 : memref<32xi32, #tpu.memory_space<vmem>>) semaphore(%arg15 : memref<!tpu.dma_semaphore, #tpu.memory_space<semaphore_mem>>)
    %dma_wait3A_679 = arith.constant 672 : i32
    %dma_wait3A_680 = tpu.memref_slice %arg5[%dma_wait3A_679] : memref<1024xi32, #tpu.memory_space<vmem>> -> memref<32xi32, #tpu.memory_space<vmem>>
    %dma_wait3A_681 = arith.constant 0 : i32
    %dma_wait3A_682 = arith.constant 0 : i32
    %dma_wait3A_683 = tpu.memref_slice %arg7[%dma_wait3A_681, %dma_wait3A_682] : memref<4096x512xf32, #tpu.memory_space<hbm>> -> memref<4096x512xf32, #tpu.memory_space<hbm>>
    tpu.wait_indirect_dma semaphore(%arg17 : memref<!tpu.dma_semaphore, #tpu.memory_space<semaphore_mem>>) src(%dma_wait3A_683 : memref<4096x512xf32, #tpu.memory_space<hbm>>) dst(%arg11 : memref<32x512xf32, #tpu.memory_space<vmem>>)
    %add3A_684 = arith.constant 672 : i32
    %add3A_685 = arith.addi %mul3A_2, %add3A_684 : i32
    %dma_start3A_686 = arith.constant 0 : i32
    %dma_start3A_687 = tpu.memref_slice %arg4[%add3A_685, %dma_start3A_686] : memref<32768x512xf32, #tpu.memory_space<hbm>> -> memref<32x512xf32, #tpu.memory_space<hbm>>
    %dma_start3A_688 = arith.constant 0 : i32
    %dma_start3A_689 = tpu.memref_slice %arg4[%add3A_685, %dma_start3A_688] : memref<32768x512xf32, #tpu.memory_space<hbm>> -> memref<32x512xf32, #tpu.memory_space<hbm>>
    tpu.enqueue_dma source(%arg11 : memref<32x512xf32, #tpu.memory_space<vmem>>) target(%dma_start3A_689 : memref<32x512xf32, #tpu.memory_space<hbm>>) target_semaphore(%arg23 : memref<!tpu.dma_semaphore, #tpu.memory_space<semaphore_mem>>)
    %dma_wait3A_690 = arith.constant 0 : i32
    %dma_wait3A_691 = tpu.memref_slice %arg4[%add3A_665, %dma_wait3A_690] : memref<32768x512xf32, #tpu.memory_space<hbm>> -> memref<32x512xf32, #tpu.memory_space<hbm>>
    %dma_wait3A_692 = arith.constant 0 : i32
    %dma_wait3A_693 = tpu.memref_slice %arg4[%add3A_665, %dma_wait3A_692] : memref<32768x512xf32, #tpu.memory_space<hbm>> -> memref<32x512xf32, #tpu.memory_space<hbm>>
    tpu.wait_dma2 semaphore(%arg22 : memref<!tpu.dma_semaphore, #tpu.memory_space<semaphore_mem>>) src(%arg10 : memref<32x512xf32, #tpu.memory_space<vmem>>) dst(%dma_wait3A_693 : memref<32x512xf32, #tpu.memory_space<hbm>>)
    %dma_start3A_694 = arith.constant 832 : i32
    %dma_start3A_695 = tpu.memref_slice %arg5[%dma_start3A_694] : memref<1024xi32, #tpu.memory_space<vmem>> -> memref<32xi32, #tpu.memory_space<vmem>>
    %dma_start3A_696 = arith.constant 0 : i32
    %dma_start3A_697 = arith.constant 0 : i32
    %dma_start3A_698 = tpu.memref_slice %arg7[%dma_start3A_696, %dma_start3A_697] : memref<4096x512xf32, #tpu.memory_space<hbm>> -> memref<4096x512xf32, #tpu.memory_space<hbm>>
    tpu.enqueue_indirect_dma source(%dma_start3A_698 : memref<4096x512xf32, #tpu.memory_space<hbm>>) target(%arg10 : memref<32x512xf32, #tpu.memory_space<vmem>>) offsets(%dma_start3A_695 : memref<32xi32, #tpu.memory_space<vmem>>) semaphore(%arg16 : memref<!tpu.dma_semaphore, #tpu.memory_space<semaphore_mem>>)
    %dma_wait3A_699 = arith.constant 704 : i32
    %dma_wait3A_700 = tpu.memref_slice %arg5[%dma_wait3A_699] : memref<1024xi32, #tpu.memory_space<vmem>> -> memref<32xi32, #tpu.memory_space<vmem>>
    %dma_wait3A_701 = arith.constant 0 : i32
    %dma_wait3A_702 = arith.constant 0 : i32
    %dma_wait3A_703 = tpu.memref_slice %arg7[%dma_wait3A_701, %dma_wait3A_702] : memref<4096x512xf32, #tpu.memory_space<hbm>> -> memref<4096x512xf32, #tpu.memory_space<hbm>>
    tpu.wait_indirect_dma semaphore(%arg18 : memref<!tpu.dma_semaphore, #tpu.memory_space<semaphore_mem>>) src(%dma_wait3A_703 : memref<4096x512xf32, #tpu.memory_space<hbm>>) dst(%arg12 : memref<32x512xf32, #tpu.memory_space<vmem>>)
    %add3A_704 = arith.constant 704 : i32
    %add3A_705 = arith.addi %mul3A_2, %add3A_704 : i32
    %dma_start3A_706 = arith.constant 0 : i32
    %dma_start3A_707 = tpu.memref_slice %arg4[%add3A_705, %dma_start3A_706] : memref<32768x512xf32, #tpu.memory_space<hbm>> -> memref<32x512xf32, #tpu.memory_space<hbm>>
    %dma_start3A_708 = arith.constant 0 : i32
    %dma_start3A_709 = tpu.memref_slice %arg4[%add3A_705, %dma_start3A_708] : memref<32768x512xf32, #tpu.memory_space<hbm>> -> memref<32x512xf32, #tpu.memory_space<hbm>>
    tpu.enqueue_dma source(%arg12 : memref<32x512xf32, #tpu.memory_space<vmem>>) target(%dma_start3A_709 : memref<32x512xf32, #tpu.memory_space<hbm>>) target_semaphore(%arg24 : memref<!tpu.dma_semaphore, #tpu.memory_space<semaphore_mem>>)
    %dma_wait3A_710 = arith.constant 0 : i32
    %dma_wait3A_711 = tpu.memref_slice %arg4[%add3A_685, %dma_wait3A_710] : memref<32768x512xf32, #tpu.memory_space<hbm>> -> memref<32x512xf32, #tpu.memory_space<hbm>>
    %dma_wait3A_712 = arith.constant 0 : i32
    %dma_wait3A_713 = tpu.memref_slice %arg4[%add3A_685, %dma_wait3A_712] : memref<32768x512xf32, #tpu.memory_space<hbm>> -> memref<32x512xf32, #tpu.memory_space<hbm>>
    tpu.wait_dma2 semaphore(%arg23 : memref<!tpu.dma_semaphore, #tpu.memory_space<semaphore_mem>>) src(%arg11 : memref<32x512xf32, #tpu.memory_space<vmem>>) dst(%dma_wait3A_713 : memref<32x512xf32, #tpu.memory_space<hbm>>)
    %dma_start3A_714 = arith.constant 864 : i32
    %dma_start3A_715 = tpu.memref_slice %arg5[%dma_start3A_714] : memref<1024xi32, #tpu.memory_space<vmem>> -> memref<32xi32, #tpu.memory_space<vmem>>
    %dma_start3A_716 = arith.constant 0 : i32
    %dma_start3A_717 = arith.constant 0 : i32
    %dma_start3A_718 = tpu.memref_slice %arg7[%dma_start3A_716, %dma_start3A_717] : memref<4096x512xf32, #tpu.memory_space<hbm>> -> memref<4096x512xf32, #tpu.memory_space<hbm>>
    tpu.enqueue_indirect_dma source(%dma_start3A_718 : memref<4096x512xf32, #tpu.memory_space<hbm>>) target(%arg11 : memref<32x512xf32, #tpu.memory_space<vmem>>) offsets(%dma_start3A_715 : memref<32xi32, #tpu.memory_space<vmem>>) semaphore(%arg17 : memref<!tpu.dma_semaphore, #tpu.memory_space<semaphore_mem>>)
    %dma_wait3A_719 = arith.constant 736 : i32
    %dma_wait3A_720 = tpu.memref_slice %arg5[%dma_wait3A_719] : memref<1024xi32, #tpu.memory_space<vmem>> -> memref<32xi32, #tpu.memory_space<vmem>>
    %dma_wait3A_721 = arith.constant 0 : i32
    %dma_wait3A_722 = arith.constant 0 : i32
    %dma_wait3A_723 = tpu.memref_slice %arg7[%dma_wait3A_721, %dma_wait3A_722] : memref<4096x512xf32, #tpu.memory_space<hbm>> -> memref<4096x512xf32, #tpu.memory_space<hbm>>
    tpu.wait_indirect_dma semaphore(%arg19 : memref<!tpu.dma_semaphore, #tpu.memory_space<semaphore_mem>>) src(%dma_wait3A_723 : memref<4096x512xf32, #tpu.memory_space<hbm>>) dst(%arg13 : memref<32x512xf32, #tpu.memory_space<vmem>>)
    %add3A_724 = arith.constant 736 : i32
    %add3A_725 = arith.addi %mul3A_2, %add3A_724 : i32
    %dma_start3A_726 = arith.constant 0 : i32
    %dma_start3A_727 = tpu.memref_slice %arg4[%add3A_725, %dma_start3A_726] : memref<32768x512xf32, #tpu.memory_space<hbm>> -> memref<32x512xf32, #tpu.memory_space<hbm>>
    %dma_start3A_728 = arith.constant 0 : i32
    %dma_start3A_729 = tpu.memref_slice %arg4[%add3A_725, %dma_start3A_728] : memref<32768x512xf32, #tpu.memory_space<hbm>> -> memref<32x512xf32, #tpu.memory_space<hbm>>
    tpu.enqueue_dma source(%arg13 : memref<32x512xf32, #tpu.memory_space<vmem>>) target(%dma_start3A_729 : memref<32x512xf32, #tpu.memory_space<hbm>>) target_semaphore(%arg25 : memref<!tpu.dma_semaphore, #tpu.memory_space<semaphore_mem>>)
    %dma_wait3A_730 = arith.constant 0 : i32
    %dma_wait3A_731 = tpu.memref_slice %arg4[%add3A_705, %dma_wait3A_730] : memref<32768x512xf32, #tpu.memory_space<hbm>> -> memref<32x512xf32, #tpu.memory_space<hbm>>
    %dma_wait3A_732 = arith.constant 0 : i32
    %dma_wait3A_733 = tpu.memref_slice %arg4[%add3A_705, %dma_wait3A_732] : memref<32768x512xf32, #tpu.memory_space<hbm>> -> memref<32x512xf32, #tpu.memory_space<hbm>>
    tpu.wait_dma2 semaphore(%arg24 : memref<!tpu.dma_semaphore, #tpu.memory_space<semaphore_mem>>) src(%arg12 : memref<32x512xf32, #tpu.memory_space<vmem>>) dst(%dma_wait3A_733 : memref<32x512xf32, #tpu.memory_space<hbm>>)
    %dma_start3A_734 = arith.constant 896 : i32
    %dma_start3A_735 = tpu.memref_slice %arg5[%dma_start3A_734] : memref<1024xi32, #tpu.memory_space<vmem>> -> memref<32xi32, #tpu.memory_space<vmem>>
    %dma_start3A_736 = arith.constant 0 : i32
    %dma_start3A_737 = arith.constant 0 : i32
    %dma_start3A_738 = tpu.memref_slice %arg7[%dma_start3A_736, %dma_start3A_737] : memref<4096x512xf32, #tpu.memory_space<hbm>> -> memref<4096x512xf32, #tpu.memory_space<hbm>>
    tpu.enqueue_indirect_dma source(%dma_start3A_738 : memref<4096x512xf32, #tpu.memory_space<hbm>>) target(%arg12 : memref<32x512xf32, #tpu.memory_space<vmem>>) offsets(%dma_start3A_735 : memref<32xi32, #tpu.memory_space<vmem>>) semaphore(%arg18 : memref<!tpu.dma_semaphore, #tpu.memory_space<semaphore_mem>>)
    %dma_wait3A_739 = arith.constant 768 : i32
    %dma_wait3A_740 = tpu.memref_slice %arg5[%dma_wait3A_739] : memref<1024xi32, #tpu.memory_space<vmem>> -> memref<32xi32, #tpu.memory_space<vmem>>
    %dma_wait3A_741 = arith.constant 0 : i32
    %dma_wait3A_742 = arith.constant 0 : i32
    %dma_wait3A_743 = tpu.memref_slice %arg7[%dma_wait3A_741, %dma_wait3A_742] : memref<4096x512xf32, #tpu.memory_space<hbm>> -> memref<4096x512xf32, #tpu.memory_space<hbm>>
    tpu.wait_indirect_dma semaphore(%arg14 : memref<!tpu.dma_semaphore, #tpu.memory_space<semaphore_mem>>) src(%dma_wait3A_743 : memref<4096x512xf32, #tpu.memory_space<hbm>>) dst(%arg8 : memref<32x512xf32, #tpu.memory_space<vmem>>)
    %add3A_744 = arith.constant 768 : i32
    %add3A_745 = arith.addi %mul3A_2, %add3A_744 : i32
    %dma_start3A_746 = arith.constant 0 : i32
    %dma_start3A_747 = tpu.memref_slice %arg4[%add3A_745, %dma_start3A_746] : memref<32768x512xf32, #tpu.memory_space<hbm>> -> memref<32x512xf32, #tpu.memory_space<hbm>>
    %dma_start3A_748 = arith.constant 0 : i32
    %dma_start3A_749 = tpu.memref_slice %arg4[%add3A_745, %dma_start3A_748] : memref<32768x512xf32, #tpu.memory_space<hbm>> -> memref<32x512xf32, #tpu.memory_space<hbm>>
    tpu.enqueue_dma source(%arg8 : memref<32x512xf32, #tpu.memory_space<vmem>>) target(%dma_start3A_749 : memref<32x512xf32, #tpu.memory_space<hbm>>) target_semaphore(%arg20 : memref<!tpu.dma_semaphore, #tpu.memory_space<semaphore_mem>>)
    %dma_wait3A_750 = arith.constant 0 : i32
    %dma_wait3A_751 = tpu.memref_slice %arg4[%add3A_725, %dma_wait3A_750] : memref<32768x512xf32, #tpu.memory_space<hbm>> -> memref<32x512xf32, #tpu.memory_space<hbm>>
    %dma_wait3A_752 = arith.constant 0 : i32
    %dma_wait3A_753 = tpu.memref_slice %arg4[%add3A_725, %dma_wait3A_752] : memref<32768x512xf32, #tpu.memory_space<hbm>> -> memref<32x512xf32, #tpu.memory_space<hbm>>
    tpu.wait_dma2 semaphore(%arg25 : memref<!tpu.dma_semaphore, #tpu.memory_space<semaphore_mem>>) src(%arg13 : memref<32x512xf32, #tpu.memory_space<vmem>>) dst(%dma_wait3A_753 : memref<32x512xf32, #tpu.memory_space<hbm>>)
    %dma_start3A_754 = arith.constant 928 : i32
    %dma_start3A_755 = tpu.memref_slice %arg5[%dma_start3A_754] : memref<1024xi32, #tpu.memory_space<vmem>> -> memref<32xi32, #tpu.memory_space<vmem>>
    %dma_start3A_756 = arith.constant 0 : i32
    %dma_start3A_757 = arith.constant 0 : i32
    %dma_start3A_758 = tpu.memref_slice %arg7[%dma_start3A_756, %dma_start3A_757] : memref<4096x512xf32, #tpu.memory_space<hbm>> -> memref<4096x512xf32, #tpu.memory_space<hbm>>
    tpu.enqueue_indirect_dma source(%dma_start3A_758 : memref<4096x512xf32, #tpu.memory_space<hbm>>) target(%arg13 : memref<32x512xf32, #tpu.memory_space<vmem>>) offsets(%dma_start3A_755 : memref<32xi32, #tpu.memory_space<vmem>>) semaphore(%arg19 : memref<!tpu.dma_semaphore, #tpu.memory_space<semaphore_mem>>)
    %dma_wait3A_759 = arith.constant 800 : i32
    %dma_wait3A_760 = tpu.memref_slice %arg5[%dma_wait3A_759] : memref<1024xi32, #tpu.memory_space<vmem>> -> memref<32xi32, #tpu.memory_space<vmem>>
    %dma_wait3A_761 = arith.constant 0 : i32
    %dma_wait3A_762 = arith.constant 0 : i32
    %dma_wait3A_763 = tpu.memref_slice %arg7[%dma_wait3A_761, %dma_wait3A_762] : memref<4096x512xf32, #tpu.memory_space<hbm>> -> memref<4096x512xf32, #tpu.memory_space<hbm>>
    tpu.wait_indirect_dma semaphore(%arg15 : memref<!tpu.dma_semaphore, #tpu.memory_space<semaphore_mem>>) src(%dma_wait3A_763 : memref<4096x512xf32, #tpu.memory_space<hbm>>) dst(%arg9 : memref<32x512xf32, #tpu.memory_space<vmem>>)
    %add3A_764 = arith.constant 800 : i32
    %add3A_765 = arith.addi %mul3A_2, %add3A_764 : i32
    %dma_start3A_766 = arith.constant 0 : i32
    %dma_start3A_767 = tpu.memref_slice %arg4[%add3A_765, %dma_start3A_766] : memref<32768x512xf32, #tpu.memory_space<hbm>> -> memref<32x512xf32, #tpu.memory_space<hbm>>
    %dma_start3A_768 = arith.constant 0 : i32
    %dma_start3A_769 = tpu.memref_slice %arg4[%add3A_765, %dma_start3A_768] : memref<32768x512xf32, #tpu.memory_space<hbm>> -> memref<32x512xf32, #tpu.memory_space<hbm>>
    tpu.enqueue_dma source(%arg9 : memref<32x512xf32, #tpu.memory_space<vmem>>) target(%dma_start3A_769 : memref<32x512xf32, #tpu.memory_space<hbm>>) target_semaphore(%arg21 : memref<!tpu.dma_semaphore, #tpu.memory_space<semaphore_mem>>)
    %dma_wait3A_770 = arith.constant 0 : i32
    %dma_wait3A_771 = tpu.memref_slice %arg4[%add3A_745, %dma_wait3A_770] : memref<32768x512xf32, #tpu.memory_space<hbm>> -> memref<32x512xf32, #tpu.memory_space<hbm>>
    %dma_wait3A_772 = arith.constant 0 : i32
    %dma_wait3A_773 = tpu.memref_slice %arg4[%add3A_745, %dma_wait3A_772] : memref<32768x512xf32, #tpu.memory_space<hbm>> -> memref<32x512xf32, #tpu.memory_space<hbm>>
    tpu.wait_dma2 semaphore(%arg20 : memref<!tpu.dma_semaphore, #tpu.memory_space<semaphore_mem>>) src(%arg8 : memref<32x512xf32, #tpu.memory_space<vmem>>) dst(%dma_wait3A_773 : memref<32x512xf32, #tpu.memory_space<hbm>>)
    %dma_start3A_774 = arith.constant 960 : i32
    %dma_start3A_775 = tpu.memref_slice %arg5[%dma_start3A_774] : memref<1024xi32, #tpu.memory_space<vmem>> -> memref<32xi32, #tpu.memory_space<vmem>>
    %dma_start3A_776 = arith.constant 0 : i32
    %dma_start3A_777 = arith.constant 0 : i32
    %dma_start3A_778 = tpu.memref_slice %arg7[%dma_start3A_776, %dma_start3A_777] : memref<4096x512xf32, #tpu.memory_space<hbm>> -> memref<4096x512xf32, #tpu.memory_space<hbm>>
    tpu.enqueue_indirect_dma source(%dma_start3A_778 : memref<4096x512xf32, #tpu.memory_space<hbm>>) target(%arg8 : memref<32x512xf32, #tpu.memory_space<vmem>>) offsets(%dma_start3A_775 : memref<32xi32, #tpu.memory_space<vmem>>) semaphore(%arg14 : memref<!tpu.dma_semaphore, #tpu.memory_space<semaphore_mem>>)
    %dma_wait3A_779 = arith.constant 832 : i32
    %dma_wait3A_780 = tpu.memref_slice %arg5[%dma_wait3A_779] : memref<1024xi32, #tpu.memory_space<vmem>> -> memref<32xi32, #tpu.memory_space<vmem>>
    %dma_wait3A_781 = arith.constant 0 : i32
    %dma_wait3A_782 = arith.constant 0 : i32
    %dma_wait3A_783 = tpu.memref_slice %arg7[%dma_wait3A_781, %dma_wait3A_782] : memref<4096x512xf32, #tpu.memory_space<hbm>> -> memref<4096x512xf32, #tpu.memory_space<hbm>>
    tpu.wait_indirect_dma semaphore(%arg16 : memref<!tpu.dma_semaphore, #tpu.memory_space<semaphore_mem>>) src(%dma_wait3A_783 : memref<4096x512xf32, #tpu.memory_space<hbm>>) dst(%arg10 : memref<32x512xf32, #tpu.memory_space<vmem>>)
    %add3A_784 = arith.constant 832 : i32
    %add3A_785 = arith.addi %mul3A_2, %add3A_784 : i32
    %dma_start3A_786 = arith.constant 0 : i32
    %dma_start3A_787 = tpu.memref_slice %arg4[%add3A_785, %dma_start3A_786] : memref<32768x512xf32, #tpu.memory_space<hbm>> -> memref<32x512xf32, #tpu.memory_space<hbm>>
    %dma_start3A_788 = arith.constant 0 : i32
    %dma_start3A_789 = tpu.memref_slice %arg4[%add3A_785, %dma_start3A_788] : memref<32768x512xf32, #tpu.memory_space<hbm>> -> memref<32x512xf32, #tpu.memory_space<hbm>>
    tpu.enqueue_dma source(%arg10 : memref<32x512xf32, #tpu.memory_space<vmem>>) target(%dma_start3A_789 : memref<32x512xf32, #tpu.memory_space<hbm>>) target_semaphore(%arg22 : memref<!tpu.dma_semaphore, #tpu.memory_space<semaphore_mem>>)
    %dma_wait3A_790 = arith.constant 0 : i32
    %dma_wait3A_791 = tpu.memref_slice %arg4[%add3A_765, %dma_wait3A_790] : memref<32768x512xf32, #tpu.memory_space<hbm>> -> memref<32x512xf32, #tpu.memory_space<hbm>>
    %dma_wait3A_792 = arith.constant 0 : i32
    %dma_wait3A_793 = tpu.memref_slice %arg4[%add3A_765, %dma_wait3A_792] : memref<32768x512xf32, #tpu.memory_space<hbm>> -> memref<32x512xf32, #tpu.memory_space<hbm>>
    tpu.wait_dma2 semaphore(%arg21 : memref<!tpu.dma_semaphore, #tpu.memory_space<semaphore_mem>>) src(%arg9 : memref<32x512xf32, #tpu.memory_space<vmem>>) dst(%dma_wait3A_793 : memref<32x512xf32, #tpu.memory_space<hbm>>)
    %dma_start3A_794 = arith.constant 992 : i32
    %dma_start3A_795 = tpu.memref_slice %arg5[%dma_start3A_794] : memref<1024xi32, #tpu.memory_space<vmem>> -> memref<32xi32, #tpu.memory_space<vmem>>
    %dma_start3A_796 = arith.constant 0 : i32
    %dma_start3A_797 = arith.constant 0 : i32
    %dma_start3A_798 = tpu.memref_slice %arg7[%dma_start3A_796, %dma_start3A_797] : memref<4096x512xf32, #tpu.memory_space<hbm>> -> memref<4096x512xf32, #tpu.memory_space<hbm>>
    tpu.enqueue_indirect_dma source(%dma_start3A_798 : memref<4096x512xf32, #tpu.memory_space<hbm>>) target(%arg9 : memref<32x512xf32, #tpu.memory_space<vmem>>) offsets(%dma_start3A_795 : memref<32xi32, #tpu.memory_space<vmem>>) semaphore(%arg15 : memref<!tpu.dma_semaphore, #tpu.memory_space<semaphore_mem>>)
    %dma_wait3A_799 = arith.constant 864 : i32
    %dma_wait3A_800 = tpu.memref_slice %arg5[%dma_wait3A_799] : memref<1024xi32, #tpu.memory_space<vmem>> -> memref<32xi32, #tpu.memory_space<vmem>>
    %dma_wait3A_801 = arith.constant 0 : i32
    %dma_wait3A_802 = arith.constant 0 : i32
    %dma_wait3A_803 = tpu.memref_slice %arg7[%dma_wait3A_801, %dma_wait3A_802] : memref<4096x512xf32, #tpu.memory_space<hbm>> -> memref<4096x512xf32, #tpu.memory_space<hbm>>
    tpu.wait_indirect_dma semaphore(%arg17 : memref<!tpu.dma_semaphore, #tpu.memory_space<semaphore_mem>>) src(%dma_wait3A_803 : memref<4096x512xf32, #tpu.memory_space<hbm>>) dst(%arg11 : memref<32x512xf32, #tpu.memory_space<vmem>>)
    %add3A_804 = arith.constant 864 : i32
    %add3A_805 = arith.addi %mul3A_2, %add3A_804 : i32
    %dma_start3A_806 = arith.constant 0 : i32
    %dma_start3A_807 = tpu.memref_slice %arg4[%add3A_805, %dma_start3A_806] : memref<32768x512xf32, #tpu.memory_space<hbm>> -> memref<32x512xf32, #tpu.memory_space<hbm>>
    %dma_start3A_808 = arith.constant 0 : i32
    %dma_start3A_809 = tpu.memref_slice %arg4[%add3A_805, %dma_start3A_808] : memref<32768x512xf32, #tpu.memory_space<hbm>> -> memref<32x512xf32, #tpu.memory_space<hbm>>
    tpu.enqueue_dma source(%arg11 : memref<32x512xf32, #tpu.memory_space<vmem>>) target(%dma_start3A_809 : memref<32x512xf32, #tpu.memory_space<hbm>>) target_semaphore(%arg23 : memref<!tpu.dma_semaphore, #tpu.memory_space<semaphore_mem>>)
    %dma_wait3A_810 = arith.constant 896 : i32
    %dma_wait3A_811 = tpu.memref_slice %arg5[%dma_wait3A_810] : memref<1024xi32, #tpu.memory_space<vmem>> -> memref<32xi32, #tpu.memory_space<vmem>>
    %dma_wait3A_812 = arith.constant 0 : i32
    %dma_wait3A_813 = arith.constant 0 : i32
    %dma_wait3A_814 = tpu.memref_slice %arg7[%dma_wait3A_812, %dma_wait3A_813] : memref<4096x512xf32, #tpu.memory_space<hbm>> -> memref<4096x512xf32, #tpu.memory_space<hbm>>
    tpu.wait_indirect_dma semaphore(%arg18 : memref<!tpu.dma_semaphore, #tpu.memory_space<semaphore_mem>>) src(%dma_wait3A_814 : memref<4096x512xf32, #tpu.memory_space<hbm>>) dst(%arg12 : memref<32x512xf32, #tpu.memory_space<vmem>>)
    %add3A_815 = arith.constant 896 : i32
    %add3A_816 = arith.addi %mul3A_2, %add3A_815 : i32
    %dma_start3A_817 = arith.constant 0 : i32
    %dma_start3A_818 = tpu.memref_slice %arg4[%add3A_816, %dma_start3A_817] : memref<32768x512xf32, #tpu.memory_space<hbm>> -> memref<32x512xf32, #tpu.memory_space<hbm>>
    %dma_start3A_819 = arith.constant 0 : i32
    %dma_start3A_820 = tpu.memref_slice %arg4[%add3A_816, %dma_start3A_819] : memref<32768x512xf32, #tpu.memory_space<hbm>> -> memref<32x512xf32, #tpu.memory_space<hbm>>
    tpu.enqueue_dma source(%arg12 : memref<32x512xf32, #tpu.memory_space<vmem>>) target(%dma_start3A_820 : memref<32x512xf32, #tpu.memory_space<hbm>>) target_semaphore(%arg24 : memref<!tpu.dma_semaphore, #tpu.memory_space<semaphore_mem>>)
    %dma_wait3A_821 = arith.constant 928 : i32
    %dma_wait3A_822 = tpu.memref_slice %arg5[%dma_wait3A_821] : memref<1024xi32, #tpu.memory_space<vmem>> -> memref<32xi32, #tpu.memory_space<vmem>>
    %dma_wait3A_823 = arith.constant 0 : i32
    %dma_wait3A_824 = arith.constant 0 : i32
    %dma_wait3A_825 = tpu.memref_slice %arg7[%dma_wait3A_823, %dma_wait3A_824] : memref<4096x512xf32, #tpu.memory_space<hbm>> -> memref<4096x512xf32, #tpu.memory_space<hbm>>
    tpu.wait_indirect_dma semaphore(%arg19 : memref<!tpu.dma_semaphore, #tpu.memory_space<semaphore_mem>>) src(%dma_wait3A_825 : memref<4096x512xf32, #tpu.memory_space<hbm>>) dst(%arg13 : memref<32x512xf32, #tpu.memory_space<vmem>>)
    %add3A_826 = arith.constant 928 : i32
    %add3A_827 = arith.addi %mul3A_2, %add3A_826 : i32
    %dma_start3A_828 = arith.constant 0 : i32
    %dma_start3A_829 = tpu.memref_slice %arg4[%add3A_827, %dma_start3A_828] : memref<32768x512xf32, #tpu.memory_space<hbm>> -> memref<32x512xf32, #tpu.memory_space<hbm>>
    %dma_start3A_830 = arith.constant 0 : i32
    %dma_start3A_831 = tpu.memref_slice %arg4[%add3A_827, %dma_start3A_830] : memref<32768x512xf32, #tpu.memory_space<hbm>> -> memref<32x512xf32, #tpu.memory_space<hbm>>
    tpu.enqueue_dma source(%arg13 : memref<32x512xf32, #tpu.memory_space<vmem>>) target(%dma_start3A_831 : memref<32x512xf32, #tpu.memory_space<hbm>>) target_semaphore(%arg25 : memref<!tpu.dma_semaphore, #tpu.memory_space<semaphore_mem>>)
    %dma_wait3A_832 = arith.constant 960 : i32
    %dma_wait3A_833 = tpu.memref_slice %arg5[%dma_wait3A_832] : memref<1024xi32, #tpu.memory_space<vmem>> -> memref<32xi32, #tpu.memory_space<vmem>>
    %dma_wait3A_834 = arith.constant 0 : i32
    %dma_wait3A_835 = arith.constant 0 : i32
    %dma_wait3A_836 = tpu.memref_slice %arg7[%dma_wait3A_834, %dma_wait3A_835] : memref<4096x512xf32, #tpu.memory_space<hbm>> -> memref<4096x512xf32, #tpu.memory_space<hbm>>
    tpu.wait_indirect_dma semaphore(%arg14 : memref<!tpu.dma_semaphore, #tpu.memory_space<semaphore_mem>>) src(%dma_wait3A_836 : memref<4096x512xf32, #tpu.memory_space<hbm>>) dst(%arg8 : memref<32x512xf32, #tpu.memory_space<vmem>>)
    %add3A_837 = arith.constant 960 : i32
    %add3A_838 = arith.addi %mul3A_2, %add3A_837 : i32
    %dma_start3A_839 = arith.constant 0 : i32
    %dma_start3A_840 = tpu.memref_slice %arg4[%add3A_838, %dma_start3A_839] : memref<32768x512xf32, #tpu.memory_space<hbm>> -> memref<32x512xf32, #tpu.memory_space<hbm>>
    %dma_start3A_841 = arith.constant 0 : i32
    %dma_start3A_842 = tpu.memref_slice %arg4[%add3A_838, %dma_start3A_841] : memref<32768x512xf32, #tpu.memory_space<hbm>> -> memref<32x512xf32, #tpu.memory_space<hbm>>
    tpu.enqueue_dma source(%arg8 : memref<32x512xf32, #tpu.memory_space<vmem>>) target(%dma_start3A_842 : memref<32x512xf32, #tpu.memory_space<hbm>>) target_semaphore(%arg20 : memref<!tpu.dma_semaphore, #tpu.memory_space<semaphore_mem>>)
    %dma_wait3A_843 = arith.constant 992 : i32
    %dma_wait3A_844 = tpu.memref_slice %arg5[%dma_wait3A_843] : memref<1024xi32, #tpu.memory_space<vmem>> -> memref<32xi32, #tpu.memory_space<vmem>>
    %dma_wait3A_845 = arith.constant 0 : i32
    %dma_wait3A_846 = arith.constant 0 : i32
    %dma_wait3A_847 = tpu.memref_slice %arg7[%dma_wait3A_845, %dma_wait3A_846] : memref<4096x512xf32, #tpu.memory_space<hbm>> -> memref<4096x512xf32, #tpu.memory_space<hbm>>
    tpu.wait_indirect_dma semaphore(%arg15 : memref<!tpu.dma_semaphore, #tpu.memory_space<semaphore_mem>>) src(%dma_wait3A_847 : memref<4096x512xf32, #tpu.memory_space<hbm>>) dst(%arg9 : memref<32x512xf32, #tpu.memory_space<vmem>>)
    %add3A_848 = arith.constant 992 : i32
    %add3A_849 = arith.addi %mul3A_2, %add3A_848 : i32
    %dma_start3A_850 = arith.constant 0 : i32
    %dma_start3A_851 = tpu.memref_slice %arg4[%add3A_849, %dma_start3A_850] : memref<32768x512xf32, #tpu.memory_space<hbm>> -> memref<32x512xf32, #tpu.memory_space<hbm>>
    %dma_start3A_852 = arith.constant 0 : i32
    %dma_start3A_853 = tpu.memref_slice %arg4[%add3A_849, %dma_start3A_852] : memref<32768x512xf32, #tpu.memory_space<hbm>> -> memref<32x512xf32, #tpu.memory_space<hbm>>
    tpu.enqueue_dma source(%arg9 : memref<32x512xf32, #tpu.memory_space<vmem>>) target(%dma_start3A_853 : memref<32x512xf32, #tpu.memory_space<hbm>>) target_semaphore(%arg21 : memref<!tpu.dma_semaphore, #tpu.memory_space<semaphore_mem>>)
    %dma_wait3A_854 = arith.constant 0 : i32
    %dma_wait3A_855 = tpu.memref_slice %arg4[%add3A_785, %dma_wait3A_854] : memref<32768x512xf32, #tpu.memory_space<hbm>> -> memref<32x512xf32, #tpu.memory_space<hbm>>
    %dma_wait3A_856 = arith.constant 0 : i32
    %dma_wait3A_857 = tpu.memref_slice %arg4[%add3A_785, %dma_wait3A_856] : memref<32768x512xf32, #tpu.memory_space<hbm>> -> memref<32x512xf32, #tpu.memory_space<hbm>>
    tpu.wait_dma2 semaphore(%arg22 : memref<!tpu.dma_semaphore, #tpu.memory_space<semaphore_mem>>) src(%arg10 : memref<32x512xf32, #tpu.memory_space<vmem>>) dst(%dma_wait3A_857 : memref<32x512xf32, #tpu.memory_space<hbm>>)
    %dma_wait3A_858 = arith.constant 0 : i32
    %dma_wait3A_859 = tpu.memref_slice %arg4[%add3A_805, %dma_wait3A_858] : memref<32768x512xf32, #tpu.memory_space<hbm>> -> memref<32x512xf32, #tpu.memory_space<hbm>>
    %dma_wait3A_860 = arith.constant 0 : i32
    %dma_wait3A_861 = tpu.memref_slice %arg4[%add3A_805, %dma_wait3A_860] : memref<32768x512xf32, #tpu.memory_space<hbm>> -> memref<32x512xf32, #tpu.memory_space<hbm>>
    tpu.wait_dma2 semaphore(%arg23 : memref<!tpu.dma_semaphore, #tpu.memory_space<semaphore_mem>>) src(%arg11 : memref<32x512xf32, #tpu.memory_space<vmem>>) dst(%dma_wait3A_861 : memref<32x512xf32, #tpu.memory_space<hbm>>)
    %dma_wait3A_862 = arith.constant 0 : i32
    %dma_wait3A_863 = tpu.memref_slice %arg4[%add3A_816, %dma_wait3A_862] : memref<32768x512xf32, #tpu.memory_space<hbm>> -> memref<32x512xf32, #tpu.memory_space<hbm>>
    %dma_wait3A_864 = arith.constant 0 : i32
    %dma_wait3A_865 = tpu.memref_slice %arg4[%add3A_816, %dma_wait3A_864] : memref<32768x512xf32, #tpu.memory_space<hbm>> -> memref<32x512xf32, #tpu.memory_space<hbm>>
    tpu.wait_dma2 semaphore(%arg24 : memref<!tpu.dma_semaphore, #tpu.memory_space<semaphore_mem>>) src(%arg12 : memref<32x512xf32, #tpu.memory_space<vmem>>) dst(%dma_wait3A_865 : memref<32x512xf32, #tpu.memory_space<hbm>>)
    %dma_wait3A_866 = arith.constant 0 : i32
    %dma_wait3A_867 = tpu.memref_slice %arg4[%add3A_827, %dma_wait3A_866] : memref<32768x512xf32, #tpu.memory_space<hbm>> -> memref<32x512xf32, #tpu.memory_space<hbm>>
    %dma_wait3A_868 = arith.constant 0 : i32
    %dma_wait3A_869 = tpu.memref_slice %arg4[%add3A_827, %dma_wait3A_868] : memref<32768x512xf32, #tpu.memory_space<hbm>> -> memref<32x512xf32, #tpu.memory_space<hbm>>
    tpu.wait_dma2 semaphore(%arg25 : memref<!tpu.dma_semaphore, #tpu.memory_space<semaphore_mem>>) src(%arg13 : memref<32x512xf32, #tpu.memory_space<vmem>>) dst(%dma_wait3A_869 : memref<32x512xf32, #tpu.memory_space<hbm>>)
    %dma_wait3A_870 = arith.constant 0 : i32
    %dma_wait3A_871 = tpu.memref_slice %arg4[%add3A_838, %dma_wait3A_870] : memref<32768x512xf32, #tpu.memory_space<hbm>> -> memref<32x512xf32, #tpu.memory_space<hbm>>
    %dma_wait3A_872 = arith.constant 0 : i32
    %dma_wait3A_873 = tpu.memref_slice %arg4[%add3A_838, %dma_wait3A_872] : memref<32768x512xf32, #tpu.memory_space<hbm>> -> memref<32x512xf32, #tpu.memory_space<hbm>>
    tpu.wait_dma2 semaphore(%arg20 : memref<!tpu.dma_semaphore, #tpu.memory_space<semaphore_mem>>) src(%arg8 : memref<32x512xf32, #tpu.memory_space<vmem>>) dst(%dma_wait3A_873 : memref<32x512xf32, #tpu.memory_space<hbm>>)
    %dma_wait3A_874 = arith.constant 0 : i32
    %dma_wait3A_875 = tpu.memref_slice %arg4[%add3A_849, %dma_wait3A_874] : memref<32768x512xf32, #tpu.memory_space<hbm>> -> memref<32x512xf32, #tpu.memory_space<hbm>>
    %dma_wait3A_876 = arith.constant 0 : i32
    %dma_wait3A_877 = tpu.memref_slice %arg4[%add3A_849, %dma_wait3A_876] : memref<32768x512xf32, #tpu.memory_space<hbm>> -> memref<32x512xf32, #tpu.memory_space<hbm>>
    tpu.wait_dma2 semaphore(%arg21 : memref<!tpu.dma_semaphore, #tpu.memory_space<semaphore_mem>>) src(%arg9 : memref<32x512xf32, #tpu.memory_space<vmem>>) dst(%dma_wait3A_877 : memref<32x512xf32, #tpu.memory_space<hbm>>)
    return
  }
}

</mosaic_0001>

<sc_bundles>
// kernel: kernel.3.cloned.1.call-start
scs
__scs_entry_jumppad:
0x0: {  	(pc) =	sbr.rel $0x88, $3  }
0x1: {  	(tag) =	ssettag $0x0;
	lr =	simm.s32 $0x1  }
0x2: {  	[smem:$0x3F9F] =	sst lr;
	_ =	strace $0xD0000000  }
0x3: {  	_ = 	snop  }
0x4: {  	_ = 	snop  }
0x5: {  	_ = 	snop  }
0x6: {  	_ = 	snop  }
0x7: {  	_ = 	snop  }
__scs_overlays_trampoline_lowered:
0x8: {  	[smem:$0x3FAE] =	sst s0  }
0x9: {  	[smem:$0x3FAF] =	sst s1  }
0xa: {  	[smem:$0x3FB0] =	sst s2  }
0xb: {  	[smem:$0x3FB1] =	sst s3  }
0xc: {  	[smem:$0x3FB2] =	sst s4  }
0xd: {  	[smem:$0x3FB3] =	sst s5  }
0xe: {  	[smem:$0x3FB4] =	sst s6  }
0xf: {  	[smem:$0x3FB5] =	sst s7  }
0x10: {  	[smem:$0x3FB6] =	sst s8  }
0x11: {  	[smem:$0x3FB7] =	sst s9;
	s0 =	simm.s32 @!p0 $0x0  }
0x12: {  	s1 =	sld [smem:$0x3F9D];
	s0 =	simm.s32 @p0 $0x1  }
0x13: {  	[smem:$0x3FB8] =	sst s0;
	s0 =	simm.s32 @!p1 $0x0  }
0x14: {  	s2 =	sld [smem:$0x3F9C];
	s0 =	simm.s32 @p1 $0x1  }
0x15: {  	[smem:$0x3FB9] =	sst s0;
	s0 =	simm.s32 @!p2 $0x0  }
0x16: {  	s3 =	sld [smem:$0x3FDB];
	s0 =	simm.s32 @p2 $0x1  }
0x17: {  	s4 =	simm.s32 $0x1BF5;
	[smem:$0x3FBB] =	sst s0  }
0x18: {  	s0 =	sld [smem:$0x3F9E];
	_ =	swait.ge [sflag:s4], $0x0  }
0x19: {  	s7 =	sld [smem:$0x3F9F]  }
0x1a: {  	s8 =	sadd.s32 $0xFFFFE003, lr  }
0x1b: {  	s9 =	sadd.s32 $0xFFFFFEF7, lr;
	s5 =	simm.s32 $0xFFFFFFFF;
	p2 =	slt.u32 s8, $0xFFFFF086  }
0x1c: {  	p1 =	slt.u32 s9, $0xF7A;
	s5 =	simm.s32 @!p2 $0x0  }
0x1d: {  	s5 =	simm.s32 @p1 $0x1;
	p0 =	seq.s32 s7, s2  }
0x1e: {  	s7 =	smul.u32 @!p0 $0xF7A, s2;
	p2 =	seq.s32 @!p0 s5, $0x0  }
0x1f: {  	s9 =	smul.u32 $0xF7A, s1;
	s8 =	simm.s32 @!p0 $0x1BF5;
	p2 =	por !p2, p0  }
0x20: {  	[sflag:s8] =	ssyncset.s32 @!p0 $0xFFFFF086;
	s6 =	sadd.s32 @!p0 s3, s7;
	s7 =	simm.s32 @!p0 $0x108  }
0x21: {  	s3 =	sadd.s32 s3, s9;
	s6 =	sadd.s32 @!p0 $0x88, s6;
	s7 =	simm.s32 @p2 $0x1082  }
0x22: {  	[simem:s7], [sflag:s8] =	dma.local @!p0 [hbm:s6], $0xF7A  }
0x23: {  	s9 =	sor.u32 $0xD0000000, s2;
	s6 =	simm.s32 $0x108;
	_ =	swait.ge @!p0 [sflag:s8], $0x0  }
0x24: {  	s3 =	sadd.s32 $0x88, s3;
	s6 =	simm.s32 @!p1 $0x1082;
	[sflag:s4] =	ssyncset.s32 $0xFFFFF086  }
0x25: {  	[simem:s6], [sflag:s4] =	dma.local [hbm:s3], $0xF7A  }
0x26: {  	[smem:$0x3F9F] =	sst s1;
	(tag) =	ssettag s2;
	_ =	strace s9  }
0x27: {  	s1 =	sld [smem:$0x3FAF]  }
0x28: {  	s2 =	sld [smem:$0x3FB0]  }
0x29: {  	s4 =	sld [smem:$0x3FB2]  }
0x2a: {  	p0 =	seq.s32 s5, $0x0;
	s5 =	sld [smem:$0x3FB3]  }
0x2b: {  	s6 =	sld [smem:$0x3FB4]  }
0x2c: {  	s7 =	sld [smem:$0x3FB5]  }
0x2d: {  	s3 =	simm.s32 $0x108;
	s8 =	sld [smem:$0x3FB6]  }
0x2e: {  	s3 =	simm.s32 @!p0 $0x1082;
	s9 =	sld [smem:$0x3FB7]  }
0x2f: {  	lr =	sadd.s32 s0, s3;
	s0 =	sld [smem:$0x3FAE]  }
0x30: {  	s3 =	sld [smem:$0x3FB1]  }
0x31: {  	[smem:$0x3FBA] =	sst s10  }
0x32: {  	s10 =	sld [smem:$0x3FB8];
	_ =	sdelay $0x3  }
0x33: {  	p0 =	seq.s32 s10, $0x1;
	s10 =	sld [smem:$0x3FBA];
	_ =	sdelay $0x3  }
0x34: {  	[smem:$0x3FBA] =	sst s10  }
0x35: {  	s10 =	sld [smem:$0x3FB9];
	_ =	sdelay $0x3  }
0x36: {  	p1 =	seq.s32 s10, $0x1;
	s10 =	sld [smem:$0x3FBA];
	_ =	sdelay $0x3  }
0x37: {  	[smem:$0x3FBA] =	sst s10  }
0x38: {  	s10 =	sld [smem:$0x3FBB]  }
0x39: {  	_ = 	snop;
	(pc) =	sbr.ind lr, $3  }
0x3a: {  	_ = 	snop  }
0x3b: {  	_ = 	snop  }
0x3c: {  	p2 =	seq.s32 s10, $0x1;
	s10 =	sld [smem:$0x3FBA]  }
0x3d: {  	_ =	shalt  }
0x3e: {  	_ =	shalt  }
0x3f: {  	_ =	shalt  }
0x40: {  	_ =	shalt  }
0x41: {  	_ =	shalt  }
0x42: {  	_ =	shalt  }
0x43: {  	_ =	shalt  }
0x44: {  	_ =	shalt  }
0x45: {  	_ =	shalt  }
0x46: {  	_ =	shalt  }
0x47: {  	_ =	shalt  }
0x48: {  	_ =	shalt  }
0x49: {  	_ =	shalt  }
0x4a: {  	_ =	shalt  }
0x4b: {  	_ =	shalt  }
0x4c: {  	_ =	shalt  }
0x4d: {  	_ =	shalt  }
0x4e: {  	_ =	shalt  }
0x4f: {  	_ =	shalt  }
0x50: {  	_ =	shalt  }
0x51: {  	_ =	shalt  }
0x52: {  	_ =	shalt  }
0x53: {  	_ =	shalt  }
0x54: {  	_ =	shalt  }
0x55: {  	_ =	shalt  }
0x56: {  	_ =	shalt  }
0x57: {  	_ =	shalt  }
0x58: {  	_ =	shalt  }
0x59: {  	_ =	shalt  }
0x5a: {  	_ =	shalt  }
0x5b: {  	_ =	shalt  }
0x5c: {  	_ =	shalt  }
0x5d: {  	_ =	shalt  }
0x5e: {  	_ =	shalt  }
0x5f: {  	_ =	shalt  }
0x60: {  	_ =	shalt  }
0x61: {  	_ =	shalt  }
0x62: {  	_ =	shalt  }
0x63: {  	_ =	shalt  }
0x64: {  	_ =	shalt  }
0x65: {  	_ =	shalt  }
0x66: {  	_ =	shalt  }
0x67: {  	_ =	shalt  }
0x68: {  	_ =	shalt  }
0x69: {  	_ =	shalt  }
0x6a: {  	_ =	shalt  }
0x6b: {  	_ =	shalt  }
0x6c: {  	_ =	shalt  }
0x6d: {  	_ =	shalt  }
0x6e: {  	_ =	shalt  }
0x6f: {  	_ =	shalt  }
0x70: {  	_ =	shalt  }
0x71: {  	_ =	shalt  }
0x72: {  	_ =	shalt  }
0x73: {  	_ =	shalt  }
0x74: {  	_ =	shalt  }
0x75: {  	_ =	shalt  }
0x76: {  	_ =	shalt  }
0x77: {  	_ =	shalt  }
0x78: {  	_ =	shalt  }
0x79: {  	_ =	shalt  }
0x7a: {  	_ =	shalt  }
0x7b: {  	_ =	shalt  }
0x7c: {  	_ =	shalt  }
0x7d: {  	_ =	shalt  }
0x7e: {  	_ =	shalt  }
0x7f: {  	_ =	shalt  }
0x80: {  	_ =	shalt  }
0x81: {  	_ =	shalt  }
0x82: {  	_ =	shalt  }
0x83: {  	_ =	shalt  }
0x84: {  	_ =	shalt  }
0x85: {  	_ =	shalt  }
0x86: {  	_ =	shalt  }
0x87: {  	_ =	shalt  }
.Lfunc_end0:
.L_simem_size_0:
called_computation_lowered:
.L_overlay_start_0:
0x88: {  	s2 =	sld [smem:$0x3FD9]  }
0x89: {  	s3 =	sld [smem:$0x3FFE];
	_ =	sdelay $0x1  }
0x8a: {  	s1 =	srdreg.scid  }
0x8b: {  	s0 =	sand.u32 $0x1, s1  }
0x8c: {  	s18 =	sshll.u32 s0, $0xA;
	s2 =	sadd.s32 s3, s2  }
0x8d: {  	s3 =	sadd.s32 s2, s18  }
0x8e: {  	[smem:$0x3FC6] =	sst s3  }
0x8f: {  	_ = 	snop  }
0x90: {  	s3 =	sld [smem:$0x3FC8]  }
0x91: {  	s4 =	sld [smem:$0x3FD0];
	(tm) =	ssettm $0x1  }
0x92: {  	s5 =	sld [smem:$0x3FFB];
	_ =	sdelay $0x3  }
0x93: {  	_ =	strace s5  }
0x94: {  	s5 =	sld [smem:$0x3FFC];
	_ =	sdelay $0x3  }
0x95: {  	_ =	strace s5  }
0x96: {  	s5 =	sld [smem:$0x3FFD];
	_ =	sdelay $0x3  }
0x97: {  	_ =	strace s5  }
0x98: {  	_ =	strace $0x8FFFFFFF  }
0x99: {  	s19 =	sld [smem:$0x3FDB];
	_ =	sdelay $0x1  }
0x9a: {  	s6 =	simm.s32 $_scs_section_size  }
0x9b: {  	s7 =	simm.s32 $_size__tile_overlayer_lowered;
	s8 =	simm.s32 $_tile_overlayer_lowered  }
0x9c: {  	s22 =	simm.s32 $0x1BFF;
	s21 =	sshll.u32 s8, $0x1;
	s5 =	sadd.s32 s6, s19  }
0x9d: {  	s9 =	simm.s32 $0x0;
	s20 =	sshll.u32 s7, $0x1;
	s7 =	sadd.s32 s21, s5  }
0x9e: {  	[timem:s9], [sflag:s22] =	dma.local [hbm:s7], s20  }
0x9f: {  	_ =	swait.ge [sflag:s22], s20  }
0xa0: {  	s6 =	ssub.s32 $0x0, s20;
	[sflag:s22] =	ssyncset.done $0x0  }
0xa1: {  	[sflag:s22] =	ssyncadd.s32 s6;
	_ =	sdelay $0x1  }
0xa2: {  	s23 =	simm.s32 $0x1B8B  }
0xa3: {  	_ =	swait.ge [sflag:s23], $0x1  }
0xa4: {  	[sflag:s23] =	ssyncset.done $0x0  }
0xa5: {  	s25 =	simm.s32 $0x1B8E;
	s24 =	sld [smem:$0x3FFE];
	[sflag:s23] =	ssyncadd.s32 $0xFFFFFFFF  }
0xa6: {  	s26 =	simm.s32 $execute0_lowered;
	[smem:$0x3FD2] =	sst s25  }
0xa7: {  	s7 =	sshll.u32 s26, $0x1;
	_ =	strace $0x80000046;
	[dreg:$0x1] =	wrdreg $0xFFFFFFFF  }
0xa8: {  	s28 =	simm.s32 $_size_execute0_lowered;
	s5 =	sadd.s32 s5, s7;
	[dreg:$0x0] =	wrdreg $0x0  }
0xa9: {  	s7 =	sshll.u32 s28, $0x1;
	[dreg:$0x2] =	wrdreg s5  }
0xaa: {  	[dreg:$0x3] =	wrdreg s7  }
0xab: {  	[dreg:$0x4] =	wrdreg $0xC0  }
0xac: {  	_ =	task [dreg:s9], $0x5FFFF  }
0xad: {  	[dreg:$0x1] =	wrdreg $0xFFFFFFFF  }
0xae: {  	[dreg:$0x0] =	wrdreg $0x60  }
0xaf: {  	[dreg:$0x2] =	wrdreg s24  }
0xb0: {  	[dreg:$0x3] =	wrdreg s3  }
0xb1: {  	s2 =	sadd.s32 $0x800, s2;
	[dreg:$0x4] =	wrdreg s4  }
0xb2: {  	[dreg:$0x5] =	wrdreg s2  }
0xb3: {  	[dreg:$0x6] =	wrdreg $0x9  }
0xb4: {  	_ =	task.clear_ibuf [dreg:s9], $0x7FFFF;
	_ =	strace $0x90000046  }
0xb5: {  	s29 =	simm.s32 $0x9;
	_ =	strace $0x80000048  }
0xb6: {  	_ =	swait.ge [sflag:s29], $0x1  }
0xb7: {  	[sflag:s29] =	ssyncadd.s32 $0xFFFFFFFF  }
0xb8: {  	_ =	strace $0x90000048  }
0xb9: {  	_ =	sfence  }
0xba: {  	s30 =	sld [smem:$0x0];
	_ =	sdelay $0x2  }
0xbb: {  	s31 =	sshll.u32 s1, $0xD;
	s1 =	sshrl.u32 s1, $0x2  }
0xbc: {  	s3 =	sand.u32 $0x4000, s31;
	s1 =	sadd.s32 s1, s30  }
0xbd: {  	s0 =	sor.u32 s3, s0;
	s1 =	sshll.u32 s1, $0x11  }
0xbe: {  	s0 =	sor.u32 s1, s0  }
0xbf: {  	s0 =	sadd.s32 $0x8F2B, s0  }
0xc0: {  	[sflag:s0] =	ssyncadd.remote.s32 $0x1  }
0xc1: {  	_ =	sfence.sel $0xFFFF  }
0xc2: {  	[dreg:$0x0] =	wrdreg $0xFFFFFFFF;
	(pc) =	sbr.abs _section_cstart, $3  }
0xc3: {  	[dreg:$0x1] =	wrdreg $0xFFFFFFFF  }
0xc4: {  	_ =	task.clear_ibuf [dreg:s9], $0x2FFFF;
	_ =	strace $0x9FFFFFFF  }
0xc5: {  	(tm) =	ssettm $0x7FFFFFFF  }
tec
execute0_lowered:
.L_overlay_start_1:
0x0: {  	(tag) =	ssettag $0x1  }
0x1: {  	s0 =	rddreg [dreg:$0x0]  }
0x2: {  	s1 =	rddreg [dreg:$0x1];
	s2 =	srdreg.scid  }
0x3: {  	s4 =	rddreg [dreg:$0x2];
	s14 =	stileid.u32;
	s3 =	simm.s32 $0x0  }
0x4: {  	s5 =	sand.u32 $0x1, s2;
	s2 =	rddreg [dreg:$0x3];
	s6 =	sshll.u32 s14, $0xB  }
0x5: {  	[smem:$0x7FF] =	sst s3;
	s23 =	sshll.u32 s14, $0xA;
	s7 =	sshll.u32 s5, $0xA  }
0x6: {  	s8 =	ssub.s32 $0x2, s5;
	_ =	strace $0x80000047;
	s9 =	sshll.u32 s5, $0x11  }
0x7: {  	s1 =	sadd.s32 s1, s23;
	s6 =	sor.u32 s7, s6;
	s22 =	sshrl.u32 s8, $0x1  }
0x8: {  	[dreg:$0x5] =	wrdreg s1;
	s13 =	sor.u32 s23, s9;
	s7 =	sshrl.u32 s6, $0x3  }
0x9: {  	s25 =	sor.u32 $0x4000, s13;
	s10 =	sor.u32 $0x10000, s13;
	[dreg:$0x6] =	wrdreg s13  }
0xa: {  	s0 =	sadd.s32 s7, s0;
	s7 =	ssub.s32 s8, s22;
	s22 =	sadd.s32 s2, s25  }
0xb: {  	s6 =	sshll.u32 s6, $0x6;
	s25 =	sadd.s32 s2, s10;
	[dreg:$0x13] =	wrdreg s22  }
0xc: {  	s4 =	sadd.s32 s4, s6;
	[dreg:$0x16] =	wrdreg s25  }
0xd: {  	s0 =	sadd.s32 $0x400, s0;
	[dreg:$0x8] =	wrdreg s4  }
0xe: {  	s30 =	sadd.s32 $0x800, s4;
	[dreg:$0x7] =	wrdreg s0  }
0xf: {  	s14 =	sshll.u32 s14, $0x8;
	s6 =	sadd.s32 $0x1000, s4;
	[dreg:$0x9] =	wrdreg s30  }
0x10: {  	s26 =	sand.u32 $0x700, s14;
	s14 =	sadd.s32 $0x1800, s4;
	[dreg:$0xa] =	wrdreg s6  }
0x11: {  	s15 =	sadd.s32 $0x2000, s4;
	[dreg:$0xb] =	wrdreg s14  }
0x12: {  	s16 =	sadd.s32 $0x2800, s4;
	[dreg:$0xc] =	wrdreg s15  }
0x13: {  	s17 =	sadd.s32 $0x3000, s4;
	[dreg:$0xd] =	wrdreg s16  }
0x14: {  	s9 =	sor.u32 $0xC000, s13;
	s18 =	sadd.s32 $0x3800, s4;
	[dreg:$0xe] =	wrdreg s17  }
0x15: {  	s11 =	sor.u32 $0x14000, s13;
	s19 =	sadd.s32 $0x4000, s4;
	[dreg:$0xf] =	wrdreg s18  }
0x16: {  	s12 =	sor.u32 $0x18000, s13;
	s20 =	sadd.s32 $0x4800, s4;
	[dreg:$0x10] =	wrdreg s19  }
0x17: {  	s8 =	sor.u32 $0x8000, s13;
	s21 =	smax.u32 s7, $0x1;
	[dreg:$0x11] =	wrdreg s20  }
0x18: {  	s13 =	sor.u32 $0x1C000, s13;
	s23 =	sadd.s32 s2, s8;
	[dreg:$0x12] =	wrdreg s21  }
0x19: {  	s24 =	sshll.u32 s5, $0xB;
	s5 =	sadd.s32 s2, s13;
	[dreg:$0x14] =	wrdreg s23  }
0x1a: {  	s7 =	sadd.s32 $0x5800, s4;
	[dreg:$0x19] =	wrdreg s5  }
0x1b: {  	s8 =	sadd.s32 $0x6000, s4;
	[dreg:$0x1b] =	wrdreg s7  }
0x1c: {  	s10 =	sadd.s32 $0x7000, s4;
	[dreg:$0x1c] =	wrdreg s8  }
0x1d: {  	s13 =	sadd.s32 $0x8800, s4;
	[dreg:$0x1e] =	wrdreg s10  }
0x1e: {  	s22 =	sadd.s32 $0xD000, s4;
	[smem:$0x7EF] =	sst s13  }
0x1f: {  	s25 =	sadd.s32 $0xE800, s4;
	[smem:$0x7F8] =	sst s22  }
0x20: {  	s0 =	sor.u32 s24, s26;
	s24 =	sadd.s32 s2, s9;
	[smem:$0x7FB] =	sst s25  }
0x21: {  	s26 =	sadd.s32 s2, s11;
	[dreg:$0x15] =	wrdreg s24  }
0x22: {  	s30 =	sadd.s32 s2, s12;
	[dreg:$0x17] =	wrdreg s26  }
0x23: {  	s6 =	sadd.s32 $0x5000, s4;
	[dreg:$0x18] =	wrdreg s30  }
0x24: {  	s9 =	sadd.s32 $0x6800, s4;
	[dreg:$0x1a] =	wrdreg s6  }
0x25: {  	s11 =	sadd.s32 $0x7800, s4;
	[dreg:$0x1d] =	wrdreg s9  }
0x26: {  	s12 =	sadd.s32 $0x8000, s4;
	[dreg:$0x1f] =	wrdreg s11  }
0x27: {  	s14 =	sadd.s32 $0x9000, s4;
	[smem:$0x7EE] =	sst s12  }
0x28: {  	s15 =	sadd.s32 $0x9800, s4;
	[smem:$0x7F0] =	sst s14  }
0x29: {  	s16 =	sadd.s32 $0xA000, s4;
	[smem:$0x7F1] =	sst s15  }
0x2a: {  	s17 =	sadd.s32 $0xA800, s4;
	[smem:$0x7F2] =	sst s16  }
0x2b: {  	s18 =	sadd.s32 $0xB000, s4;
	[smem:$0x7F3] =	sst s17  }
0x2c: {  	s31 =	simm.s32 $0x1;
	s19 =	sadd.s32 $0xB800, s4;
	[smem:$0x7F4] =	sst s18  }
0x2d: {  	s28 =	simm.s32 $0x12400;
	s20 =	sadd.s32 $0xC000, s4;
	[smem:$0x7F5] =	sst s19  }
0x2e: {  	s29 =	simm.s32 $0x16400;
	s21 =	sadd.s32 $0xC800, s4;
	[smem:$0x7F6] =	sst s20  }
0x2f: {  	s23 =	sadd.s32 $0xD800, s4;
	s7 =	simm.s32 $0x2;
	[smem:$0x7F7] =	sst s21  }
0x30: {  	s5 =	simm.s32 $0x7;
	s8 =	simm.s32 $0x0;
	[smem:$0x7F9] =	sst s23  }
0x31: {  	s24 =	sadd.s32 $0xE000, s4;
	s26 =	sadd.s32 $0xF000, s4;
	s30 =	sadd.s32 $0xF800, s4  }
0x32: {  	v3 =	vlaneseq.u32;
	s18 =	simm.s32 $0x400;
	s12 =	simm.s32 $0x15;
	[smem:$0x7FA] =	sst s24  }
0x33: {  	vm0 =	vmmov $0xffff;
	v1 =	vand.u32 $0x7, v3;
	v2 =	vshrl.u32 v3, $0x3;
	s23 =	simm.s32 $0x8;
	s11 =	simm.s32 $0x2400;
	[smem:$0x7FC] =	sst s26  }
0x34: {  	v3 =	vor.u32 $0x8, v3;
	v2 =	vmul.u32 $0x8, v2;
	v0 =	vmov s0;
	s19 =	simm.s32 $0xA400;
	[smem:$0x7FD] =	sst s30;
	s26 =	simm.s32 $0xE400  }
.LBB2_1:
0x35: {  	s9 =	rddreg [dreg:$0x5]  }
0x36: {  	[tilespmem:s18], [sflag:$0x15] =	stream.linear.gather [hbm4b:s9+s3], $0x2000, $0x38;
	[tilespmem:$0x1A400] =	vst v63  }
0x37: {  	_ =	swait.ge [sflag:s12], $0x2000  }
0x38: {  	s25 =	sand.u32 $0x70, s3;
	s10 =	sand.u32 $0xC00, s3;
	[sflag:s12] =	ssyncset.done $0x0  }
0x39: {  	s9 =	sor.u32 s25, s10;
	[sflag:s12] =	ssyncadd.s32 $0xFFFFE000  }
0x3a: {  	v4 =	vld [tilespmem:s9+$0x400];
	_ =	sdelay $0x4  }
0x3b: {  	s30 =	simm.s32 $0x10;
	s10 =	simm.s32 $0x80;
	v4 =	vmul.f32 $2.262741660e+01, v4  }
0x3c: {  	s13 =	sand.u32 $0x70, s30;
	s14 =	sand.u32 $0xC00, s10;
	s12 =	simm.s32 $0x20  }
.LBB2_2:
0x3d: {  	p0 =	sne.s32 s12, $0x1F0;
	[tilespmem:s9+$0x400] =	vst v4;
	s9 =	sor.u32 s13, s14  }
0x3e: {  	v4 =	vld [tilespmem:s9+$0x400];
	_ =	sdelay $0x1  }
.Ltmp0:
0x3f: {  	(pc) =	sbr.rel @p0 .LBB2_2-.Ltmp0, $3  }
0x40: {  	_ =	sdelay $0x1  }
0x41: {  	s10 =	sadd.s32 $0x80, s10;
	v4 =	vmul.f32 $2.262741660e+01, v4  }
0x42: {  	s13 =	sand.u32 $0x70, s12;
	s12 =	sadd.s32 $0x10, s12;
	s14 =	sand.u32 $0xC00, s10  }
0x43: {  	s12 =	sor.u32 s13, s14;
	[tilespmem:s9+$0x400] =	vst v4  }
0x44: {  	v4 =	vld [tilespmem:s12+$0x400];
	_ =	sdelay $0x4  }
0x45: {  	s10 =	simm.s32 $0x0;
	v4 =	vmul.f32 $2.262741660e+01, v4  }
0x46: {  	s9 =	sand.u32 $0x70, s10;
	s10 =	sand.u32 $0xC00, s10  }
0x47: {  	s13 =	sor.u32 s9, s10;
	[tilespmem:s12+$0x400] =	vst v4  }
0x48: {  	v4 =	vld [tilespmem:s13+$0x480];
	_ =	sdelay $0x4  }
0x49: {  	s14 =	simm.s32 $0x80;
	s12 =	simm.s32 $0x10;
	v4 =	vmul.f32 $2.262741660e+01, v4  }
0x4a: {  	s15 =	simm.s32 $0x20;
	s17 =	sand.u32 $0xC00, s14;
	s16 =	sand.u32 $0x70, s12  }
.LBB2_4:
0x4b: {  	p0 =	sne.s32 s15, $0x1F0;
	[tilespmem:s13+$0x480] =	vst v4;
	s13 =	sor.u32 s16, s17  }
0x4c: {  	v4 =	vld [tilespmem:s13+$0x480];
	_ =	sdelay $0x1  }
.Ltmp1:
0x4d: {  	(pc) =	sbr.rel @p0 .LBB2_4-.Ltmp1, $3  }
0x4e: {  	_ =	sdelay $0x1  }
0x4f: {  	s14 =	sadd.s32 $0x80, s14;
	v4 =	vmul.f32 $2.262741660e+01, v4  }
0x50: {  	s16 =	sand.u32 $0x70, s15;
	s15 =	sadd.s32 $0x10, s15;
	s17 =	sand.u32 $0xC00, s14  }
0x51: {  	s14 =	sor.u32 s16, s17;
	[tilespmem:s13+$0x480] =	vst v4  }
0x52: {  	v4 =	vld [tilespmem:s14+$0x480];
	_ =	sdelay $0x4  }
0x53: {  	v4 =	vmul.f32 $2.262741660e+01, v4;
	_ =	sdelay $0x1  }
0x54: {  	s9 =	sor.u32 s9, s10;
	[tilespmem:s14+$0x480] =	vst v4  }
0x55: {  	v4 =	vld [tilespmem:s9+$0x500];
	_ =	sdelay $0x4  }
0x56: {  	s10 =	simm.s32 $0x80;
	v4 =	vmul.f32 $2.262741660e+01, v4  }
0x57: {  	s13 =	sand.u32 $0x70, s12;
	s12 =	simm.s32 $0x20;
	s14 =	sand.u32 $0xC00, s10  }
.LBB2_6:
0x58: {  	p0 =	sne.s32 s12, $0x1F0;
	[tilespmem:s9+$0x500] =	vst v4;
	s9 =	sor.u32 s13, s14  }
0x59: {  	v4 =	vld [tilespmem:s9+$0x500];
	_ =	sdelay $0x1  }
.Ltmp2:
0x5a: {  	(pc) =	sbr.rel @p0 .LBB2_6-.Ltmp2, $3  }
0x5b: {  	_ =	sdelay $0x1  }
0x5c: {  	s10 =	sadd.s32 $0x80, s10;
	v4 =	vmul.f32 $2.262741660e+01, v4  }
0x5d: {  	s13 =	sand.u32 $0x70, s12;
	s12 =	sadd.s32 $0x10, s12;
	s14 =	sand.u32 $0xC00, s10  }
0x5e: {  	s12 =	sor.u32 s13, s14;
	[tilespmem:s9+$0x500] =	vst v4  }
0x5f: {  	v4 =	vld [tilespmem:s12+$0x500];
	_ =	sdelay $0x4  }
0x60: {  	s10 =	simm.s32 $0x0;
	v4 =	vmul.f32 $2.262741660e+01, v4  }
0x61: {  	s9 =	sand.u32 $0x70, s10;
	s10 =	sand.u32 $0xC00, s10  }
0x62: {  	s13 =	sor.u32 s9, s10;
	[tilespmem:s12+$0x500] =	vst v4  }
0x63: {  	v4 =	vld [tilespmem:s13+$0x580];
	_ =	sdelay $0x4  }
0x64: {  	s14 =	simm.s32 $0x80;
	s12 =	simm.s32 $0x10;
	v4 =	vmul.f32 $2.262741660e+01, v4  }
0x65: {  	s15 =	simm.s32 $0x20;
	s17 =	sand.u32 $0xC00, s14;
	s16 =	sand.u32 $0x70, s12  }
.LBB2_8:
0x66: {  	p0 =	sne.s32 s15, $0x1F0;
	[tilespmem:s13+$0x580] =	vst v4;
	s13 =	sor.u32 s16, s17  }
0x67: {  	v4 =	vld [tilespmem:s13+$0x580];
	_ =	sdelay $0x1  }
.Ltmp3:
0x68: {  	(pc) =	sbr.rel @p0 .LBB2_8-.Ltmp3, $3  }
0x69: {  	_ =	sdelay $0x1  }
0x6a: {  	s14 =	sadd.s32 $0x80, s14;
	v4 =	vmul.f32 $2.262741660e+01, v4  }
0x6b: {  	s16 =	sand.u32 $0x70, s15;
	s15 =	sadd.s32 $0x10, s15;
	s17 =	sand.u32 $0xC00, s14  }
0x6c: {  	s14 =	sor.u32 s16, s17;
	[tilespmem:s13+$0x580] =	vst v4  }
0x6d: {  	v4 =	vld [tilespmem:s14+$0x580];
	_ =	sdelay $0x4  }
0x6e: {  	v4 =	vmul.f32 $2.262741660e+01, v4;
	_ =	sdelay $0x1  }
0x6f: {  	s9 =	sor.u32 s9, s10;
	[tilespmem:s14+$0x580] =	vst v4  }
0x70: {  	v4 =	vld [tilespmem:s9+$0x600];
	_ =	sdelay $0x4  }
0x71: {  	s10 =	simm.s32 $0x80;
	v4 =	vmul.f32 $2.262741660e+01, v4  }
0x72: {  	s13 =	sand.u32 $0x70, s12;
	s12 =	simm.s32 $0x20;
	s14 =	sand.u32 $0xC00, s10  }
.LBB2_10:
0x73: {  	p0 =	sne.s32 s12, $0x1F0;
	[tilespmem:s9+$0x600] =	vst v4;
	s9 =	sor.u32 s13, s14  }
0x74: {  	v4 =	vld [tilespmem:s9+$0x600];
	_ =	sdelay $0x1  }
.Ltmp4:
0x75: {  	(pc) =	sbr.rel @p0 .LBB2_10-.Ltmp4, $3  }
0x76: {  	_ =	sdelay $0x1  }
0x77: {  	s10 =	sadd.s32 $0x80, s10;
	v4 =	vmul.f32 $2.262741660e+01, v4  }
0x78: {  	s13 =	sand.u32 $0x70, s12;
	s12 =	sadd.s32 $0x10, s12;
	s14 =	sand.u32 $0xC00, s10  }
0x79: {  	s12 =	sor.u32 s13, s14;
	[tilespmem:s9+$0x600] =	vst v4  }
0x7a: {  	v4 =	vld [tilespmem:s12+$0x600];
	_ =	sdelay $0x4  }
0x7b: {  	s10 =	simm.s32 $0x0;
	v4 =	vmul.f32 $2.262741660e+01, v4  }
0x7c: {  	s9 =	sand.u32 $0x70, s10;
	s10 =	sand.u32 $0xC00, s10  }
0x7d: {  	s13 =	sor.u32 s9, s10;
	[tilespmem:s12+$0x600] =	vst v4  }
0x7e: {  	v4 =	vld [tilespmem:s13+$0x680];
	_ =	sdelay $0x4  }
0x7f: {  	s14 =	simm.s32 $0x80;
	s12 =	simm.s32 $0x10;
	v4 =	vmul.f32 $2.262741660e+01, v4  }
0x80: {  	s15 =	simm.s32 $0x20;
	s17 =	sand.u32 $0xC00, s14;
	s16 =	sand.u32 $0x70, s12  }
.LBB2_12:
0x81: {  	p0 =	sne.s32 s15, $0x1F0;
	[tilespmem:s13+$0x680] =	vst v4;
	s13 =	sor.u32 s16, s17  }
0x82: {  	v4 =	vld [tilespmem:s13+$0x680];
	_ =	sdelay $0x1  }
.Ltmp5:
0x83: {  	(pc) =	sbr.rel @p0 .LBB2_12-.Ltmp5, $3  }
0x84: {  	_ =	sdelay $0x1  }
0x85: {  	s14 =	sadd.s32 $0x80, s14;
	v4 =	vmul.f32 $2.262741660e+01, v4  }
0x86: {  	s16 =	sand.u32 $0x70, s15;
	s15 =	sadd.s32 $0x10, s15;
	s17 =	sand.u32 $0xC00, s14  }
0x87: {  	s14 =	sor.u32 s16, s17;
	[tilespmem:s13+$0x680] =	vst v4  }
0x88: {  	v4 =	vld [tilespmem:s14+$0x680];
	_ =	sdelay $0x4  }
0x89: {  	v4 =	vmul.f32 $2.262741660e+01, v4;
	_ =	sdelay $0x1  }
0x8a: {  	s9 =	sor.u32 s9, s10;
	[tilespmem:s14+$0x680] =	vst v4  }
0x8b: {  	v4 =	vld [tilespmem:s9+$0x700];
	_ =	sdelay $0x4  }
0x8c: {  	s10 =	simm.s32 $0x80;
	v4 =	vmul.f32 $2.262741660e+01, v4  }
0x8d: {  	s13 =	sand.u32 $0x70, s12;
	s12 =	simm.s32 $0x20;
	s14 =	sand.u32 $0xC00, s10  }
.LBB2_14:
0x8e: {  	p0 =	sne.s32 s12, $0x1F0;
	[tilespmem:s9+$0x700] =	vst v4;
	s9 =	sor.u32 s13, s14  }
0x8f: {  	v4 =	vld [tilespmem:s9+$0x700];
	_ =	sdelay $0x1  }
.Ltmp6:
0x90: {  	(pc) =	sbr.rel @p0 .LBB2_14-.Ltmp6, $3  }
0x91: {  	_ =	sdelay $0x1  }
0x92: {  	s10 =	sadd.s32 $0x80, s10;
	v4 =	vmul.f32 $2.262741660e+01, v4  }
0x93: {  	s13 =	sand.u32 $0x70, s12;
	s12 =	sadd.s32 $0x10, s12;
	s14 =	sand.u32 $0xC00, s10  }
0x94: {  	s12 =	sor.u32 s13, s14;
	[tilespmem:s9+$0x700] =	vst v4  }
0x95: {  	v4 =	vld [tilespmem:s12+$0x700];
	_ =	sdelay $0x4  }
0x96: {  	s10 =	simm.s32 $0x0;
	v4 =	vmul.f32 $2.262741660e+01, v4  }
0x97: {  	s30 =	sor.u32 s10, s10  }
0x98: {  	[tilespmem:s12+$0x700] =	vst v4;
	s12 =	sor.u32 $0x380, s30  }
0x99: {  	v4 =	vld [tilespmem:s12+$0x400];
	_ =	sdelay $0x4  }
0x9a: {  	s9 =	simm.s32 $0x10;
	s13 =	simm.s32 $0x80;
	v4 =	vmul.f32 $2.262741660e+01, v4  }
0x9b: {  	s14 =	simm.s32 $0x20;
	s15 =	sor.u32 s13, s9  }
.LBB2_16:
0x9c: {  	p0 =	sne.s32 s14, $0x1F0;
	[tilespmem:s12+$0x400] =	vst v4;
	s12 =	sor.u32 $0x380, s15  }
0x9d: {  	v4 =	vld [tilespmem:s12+$0x400];
	_ =	sdelay $0x1  }
.Ltmp7:
0x9e: {  	(pc) =	sbr.rel @p0 .LBB2_16-.Ltmp7, $3  }
0x9f: {  	_ =	sdelay $0x1  }
0xa0: {  	s13 =	sadd.s32 $0x80, s13;
	v4 =	vmul.f32 $2.262741660e+01, v4  }
0xa1: {  	s15 =	sor.u32 s13, s14;
	s14 =	sadd.s32 $0x10, s14  }
0xa2: {  	s13 =	sor.u32 $0x380, s15;
	[tilespmem:s12+$0x400] =	vst v4  }
0xa3: {  	v4 =	vld [tilespmem:s13+$0x400];
	_ =	sdelay $0x4  }
0xa4: {  	v4 =	vmul.f32 $2.262741660e+01, v4  }
0xa5: {  	s25 =	sand.u32 $0x70, s10;
	s30 =	sand.u32 $0xC00, s10  }
0xa6: {  	s10 =	sor.u32 s25, s30;
	[tilespmem:s13+$0x400] =	vst v4  }
0xa7: {  	v4 =	vld [tilespmem:s10+$0x1400];
	_ =	sdelay $0x4  }
0xa8: {  	s12 =	simm.s32 $0x80;
	v4 =	vmul.f32 $2.262741660e+01, v4  }
0xa9: {  	s14 =	sand.u32 $0xC00, s12;
	s13 =	sand.u32 $0x70, s9;
	s9 =	simm.s32 $0x20  }
.LBB2_18:
0xaa: {  	p0 =	sne.s32 s9, $0x1F0;
	[tilespmem:s10+$0x1400] =	vst v4;
	s10 =	sor.u32 s13, s14  }
0xab: {  	v4 =	vld [tilespmem:s10+$0x1400];
	_ =	sdelay $0x1  }
.Ltmp8:
0xac: {  	(pc) =	sbr.rel @p0 .LBB2_18-.Ltmp8, $3  }
0xad: {  	_ =	sdelay $0x1  }
0xae: {  	s12 =	sadd.s32 $0x80, s12;
	v4 =	vmul.f32 $2.262741660e+01, v4  }
0xaf: {  	s13 =	sand.u32 $0x70, s9;
	s9 =	sadd.s32 $0x10, s9;
	s14 =	sand.u32 $0xC00, s12  }
0xb0: {  	s12 =	sor.u32 s13, s14;
	[tilespmem:s10+$0x1400] =	vst v4  }
0xb1: {  	v4 =	vld [tilespmem:s12+$0x1400];
	_ =	sdelay $0x4  }
0xb2: {  	s30 =	simm.s32 $0x0;
	v4 =	vmul.f32 $2.262741660e+01, v4  }
0xb3: {  	s9 =	sand.u32 $0x70, s30;
	s10 =	sand.u32 $0xC00, s30  }
0xb4: {  	s13 =	sor.u32 s9, s10;
	[tilespmem:s12+$0x1400] =	vst v4  }
0xb5: {  	v4 =	vld [tilespmem:s13+$0x1480];
	_ =	sdelay $0x4  }
0xb6: {  	s14 =	simm.s32 $0x80;
	s12 =	simm.s32 $0x10;
	v4 =	vmul.f32 $2.262741660e+01, v4  }
0xb7: {  	s15 =	simm.s32 $0x20;
	s17 =	sand.u32 $0xC00, s14;
	s16 =	sand.u32 $0x70, s12  }
.LBB2_20:
0xb8: {  	p0 =	sne.s32 s15, $0x1F0;
	[tilespmem:s13+$0x1480] =	vst v4;
	s13 =	sor.u32 s16, s17  }
0xb9: {  	v4 =	vld [tilespmem:s13+$0x1480];
	_ =	sdelay $0x1  }
.Ltmp9:
0xba: {  	(pc) =	sbr.rel @p0 .LBB2_20-.Ltmp9, $3  }
0xbb: {  	_ =	sdelay $0x1  }
0xbc: {  	s14 =	sadd.s32 $0x80, s14;
	v4 =	vmul.f32 $2.262741660e+01, v4  }
0xbd: {  	s16 =	sand.u32 $0x70, s15;
	s15 =	sadd.s32 $0x10, s15;
	s17 =	sand.u32 $0xC00, s14  }
0xbe: {  	s14 =	sor.u32 s16, s17;
	[tilespmem:s13+$0x1480] =	vst v4  }
0xbf: {  	v4 =	vld [tilespmem:s14+$0x1480];
	_ =	sdelay $0x4  }
0xc0: {  	v4 =	vmul.f32 $2.262741660e+01, v4;
	_ =	sdelay $0x1  }
0xc1: {  	s9 =	sor.u32 s9, s10;
	[tilespmem:s14+$0x1480] =	vst v4  }
0xc2: {  	v4 =	vld [tilespmem:s9+$0x1500];
	_ =	sdelay $0x4  }
0xc3: {  	s10 =	simm.s32 $0x80;
	v4 =	vmul.f32 $2.262741660e+01, v4  }
0xc4: {  	s13 =	sand.u32 $0x70, s12;
	s12 =	simm.s32 $0x20;
	s14 =	sand.u32 $0xC00, s10  }
.LBB2_22:
0xc5: {  	p0 =	sne.s32 s12, $0x1F0;
	[tilespmem:s9+$0x1500] =	vst v4;
	s9 =	sor.u32 s13, s14  }
0xc6: {  	v4 =	vld [tilespmem:s9+$0x1500];
	_ =	sdelay $0x1  }
.Ltmp10:
0xc7: {  	(pc) =	sbr.rel @p0 .LBB2_22-.Ltmp10, $3  }
0xc8: {  	_ =	sdelay $0x1  }
0xc9: {  	s10 =	sadd.s32 $0x80, s10;
	v4 =	vmul.f32 $2.262741660e+01, v4  }
0xca: {  	s13 =	sand.u32 $0x70, s12;
	s12 =	sadd.s32 $0x10, s12;
	s14 =	sand.u32 $0xC00, s10  }
0xcb: {  	s12 =	sor.u32 s13, s14;
	[tilespmem:s9+$0x1500] =	vst v4  }
0xcc: {  	v4 =	vld [tilespmem:s12+$0x1500];
	_ =	sdelay $0x4  }
0xcd: {  	s10 =	simm.s32 $0x0;
	v4 =	vmul.f32 $2.262741660e+01, v4  }
0xce: {  	s9 =	sand.u32 $0x70, s10;
	s10 =	sand.u32 $0xC00, s10  }
0xcf: {  	s13 =	sor.u32 s9, s10;
	[tilespmem:s12+$0x1500] =	vst v4  }
0xd0: {  	v4 =	vld [tilespmem:s13+$0x1580];
	_ =	sdelay $0x4  }
0xd1: {  	s14 =	simm.s32 $0x80;
	s12 =	simm.s32 $0x10;
	v4 =	vmul.f32 $2.262741660e+01, v4  }
0xd2: {  	s15 =	simm.s32 $0x20;
	s17 =	sand.u32 $0xC00, s14;
	s16 =	sand.u32 $0x70, s12  }
.LBB2_24:
0xd3: {  	p0 =	sne.s32 s15, $0x1F0;
	[tilespmem:s13+$0x1580] =	vst v4;
	s13 =	sor.u32 s16, s17  }
0xd4: {  	v4 =	vld [tilespmem:s13+$0x1580];
	_ =	sdelay $0x1  }
.Ltmp11:
0xd5: {  	(pc) =	sbr.rel @p0 .LBB2_24-.Ltmp11, $3  }
0xd6: {  	_ =	sdelay $0x1  }
0xd7: {  	s14 =	sadd.s32 $0x80, s14;
	v4 =	vmul.f32 $2.262741660e+01, v4  }
0xd8: {  	s16 =	sand.u32 $0x70, s15;
	s15 =	sadd.s32 $0x10, s15;
	s17 =	sand.u32 $0xC00, s14  }
0xd9: {  	s14 =	sor.u32 s16, s17;
	[tilespmem:s13+$0x1580] =	vst v4  }
0xda: {  	v4 =	vld [tilespmem:s14+$0x1580];
	_ =	sdelay $0x4  }
0xdb: {  	v4 =	vmul.f32 $2.262741660e+01, v4;
	_ =	sdelay $0x1  }
0xdc: {  	s9 =	sor.u32 s9, s10;
	[tilespmem:s14+$0x1580] =	vst v4  }
0xdd: {  	v4 =	vld [tilespmem:s9+$0x1600];
	_ =	sdelay $0x4  }
0xde: {  	s10 =	simm.s32 $0x80;
	v4 =	vmul.f32 $2.262741660e+01, v4  }
0xdf: {  	s13 =	sand.u32 $0x70, s12;
	s12 =	simm.s32 $0x20;
	s14 =	sand.u32 $0xC00, s10  }
.LBB2_26:
0xe0: {  	p0 =	sne.s32 s12, $0x1F0;
	[tilespmem:s9+$0x1600] =	vst v4;
	s9 =	sor.u32 s13, s14  }
0xe1: {  	v4 =	vld [tilespmem:s9+$0x1600];
	_ =	sdelay $0x1  }
.Ltmp12:
0xe2: {  	(pc) =	sbr.rel @p0 .LBB2_26-.Ltmp12, $3  }
0xe3: {  	_ =	sdelay $0x1  }
0xe4: {  	s10 =	sadd.s32 $0x80, s10;
	v4 =	vmul.f32 $2.262741660e+01, v4  }
0xe5: {  	s13 =	sand.u32 $0x70, s12;
	s12 =	sadd.s32 $0x10, s12;
	s14 =	sand.u32 $0xC00, s10  }
0xe6: {  	s12 =	sor.u32 s13, s14;
	[tilespmem:s9+$0x1600] =	vst v4  }
0xe7: {  	v4 =	vld [tilespmem:s12+$0x1600];
	_ =	sdelay $0x4  }
0xe8: {  	s10 =	simm.s32 $0x0;
	v4 =	vmul.f32 $2.262741660e+01, v4  }
0xe9: {  	s9 =	sand.u32 $0x70, s10;
	s10 =	sand.u32 $0xC00, s10  }
0xea: {  	s13 =	sor.u32 s9, s10;
	[tilespmem:s12+$0x1600] =	vst v4  }
0xeb: {  	v4 =	vld [tilespmem:s13+$0x1680];
	_ =	sdelay $0x4  }
0xec: {  	s14 =	simm.s32 $0x80;
	s12 =	simm.s32 $0x10;
	v4 =	vmul.f32 $2.262741660e+01, v4  }
0xed: {  	s15 =	simm.s32 $0x20;
	s17 =	sand.u32 $0xC00, s14;
	s16 =	sand.u32 $0x70, s12  }
.LBB2_28:
0xee: {  	p0 =	sne.s32 s15, $0x1F0;
	[tilespmem:s13+$0x1680] =	vst v4;
	s13 =	sor.u32 s16, s17  }
0xef: {  	v4 =	vld [tilespmem:s13+$0x1680];
	_ =	sdelay $0x1  }
.Ltmp13:
0xf0: {  	(pc) =	sbr.rel @p0 .LBB2_28-.Ltmp13, $3  }
0xf1: {  	_ =	sdelay $0x1  }
0xf2: {  	s14 =	sadd.s32 $0x80, s14;
	v4 =	vmul.f32 $2.262741660e+01, v4  }
0xf3: {  	s16 =	sand.u32 $0x70, s15;
	s15 =	sadd.s32 $0x10, s15;
	s17 =	sand.u32 $0xC00, s14  }
0xf4: {  	s14 =	sor.u32 s16, s17;
	[tilespmem:s13+$0x1680] =	vst v4  }
0xf5: {  	v4 =	vld [tilespmem:s14+$0x1680];
	_ =	sdelay $0x4  }
0xf6: {  	v4 =	vmul.f32 $2.262741660e+01, v4;
	_ =	sdelay $0x1  }
0xf7: {  	s9 =	sor.u32 s9, s10;
	[tilespmem:s14+$0x1680] =	vst v4  }
0xf8: {  	v4 =	vld [tilespmem:s9+$0x1700];
	_ =	sdelay $0x4  }
0xf9: {  	s10 =	simm.s32 $0x80;
	v4 =	vmul.f32 $2.262741660e+01, v4  }
0xfa: {  	s13 =	sand.u32 $0x70, s12;
	s12 =	simm.s32 $0x20;
	s14 =	sand.u32 $0xC00, s10  }
.LBB2_30:
0xfb: {  	p0 =	sne.s32 s12, $0x1F0;
	[tilespmem:s9+$0x1700] =	vst v4;
	s9 =	sor.u32 s13, s14  }
0xfc: {  	v4 =	vld [tilespmem:s9+$0x1700];
	_ =	sdelay $0x1  }
.Ltmp14:
0xfd: {  	(pc) =	sbr.rel @p0 .LBB2_30-.Ltmp14, $3  }
0xfe: {  	_ =	sdelay $0x1  }
0xff: {  	s10 =	sadd.s32 $0x80, s10;
	v4 =	vmul.f32 $2.262741660e+01, v4  }
0x100: {  	s13 =	sand.u32 $0x70, s12;
	s12 =	sadd.s32 $0x10, s12;
	s14 =	sand.u32 $0xC00, s10  }
0x101: {  	s10 =	sor.u32 s13, s14;
	[tilespmem:s9+$0x1700] =	vst v4  }
0x102: {  	v4 =	vld [tilespmem:s10+$0x1700];
	_ =	sdelay $0x4  }
0x103: {  	s25 =	simm.s32 $0x0;
	v4 =	vmul.f32 $2.262741660e+01, v4  }
0x104: {  	s12 =	sand.u32 $0x70, s25;
	s9 =	sand.u32 $0xC00, s25  }
0x105: {  	s9 =	sor.u32 s12, s9;
	[tilespmem:s10+$0x1700] =	vst v4  }
0x106: {  	v4 =	vld [tilespmem:s9+$0x1780];
	_ =	sdelay $0x4  }
0x107: {  	s30 =	simm.s32 $0x10;
	s10 =	simm.s32 $0x80;
	v4 =	vmul.f32 $2.262741660e+01, v4  }
0x108: {  	s13 =	sand.u32 $0x70, s30;
	s12 =	simm.s32 $0x20;
	s14 =	sand.u32 $0xC00, s10  }
.LBB2_32:
0x109: {  	p0 =	sne.s32 s12, $0x1F0;
	[tilespmem:s9+$0x1780] =	vst v4;
	s9 =	sor.u32 s13, s14  }
0x10a: {  	v4 =	vld [tilespmem:s9+$0x1780];
	_ =	sdelay $0x1  }
.Ltmp15:
0x10b: {  	(pc) =	sbr.rel @p0 .LBB2_32-.Ltmp15, $3  }
0x10c: {  	_ =	sdelay $0x1  }
0x10d: {  	s10 =	sadd.s32 $0x80, s10;
	v4 =	vmul.f32 $2.262741660e+01, v4  }
0x10e: {  	s13 =	sand.u32 $0x70, s12;
	s12 =	sadd.s32 $0x10, s12;
	s14 =	sand.u32 $0xC00, s10  }
0x10f: {  	s10 =	sor.u32 s13, s14;
	[tilespmem:s9+$0x1780] =	vst v4  }
0x110: {  	v4 =	vld [tilespmem:s10+$0x1780];
	_ =	sdelay $0x4  }
0x111: {  	v4 =	vmul.f32 $2.262741660e+01, v4  }
0x112: {  	s0 =	rddreg [dreg:$0x6]  }
0x113: {  	[smem:$0x7ED] =	sst s8;
	s1 =	simm.s32 $0x0;
	s9 =	sadd.s32 s2, s0;
	[tilespmem:s10+$0x1780] =	vst v4  }
0x114: {  	[hbm4b:s9+s1] =	stream.linear.scatter [tilespmem:s18], [sflag:$0xD], $0x2000, $0x38;
	[tilespmem:$0x1A400] =	vst v63  }
0x115: {  	s4 =	rddreg [dreg:$0x13]  }
0x116: {  	[hbm4b:s4+s1] =	stream.linear.scatter [tilespmem:s18], [sflag:$0xE], $0x2000, $0x38;
	[tilespmem:$0x1A400] =	vst v63  }
0x117: {  	s6 =	rddreg [dreg:$0x14]  }
0x118: {  	[hbm4b:s6+s1] =	stream.linear.scatter [tilespmem:s18], [sflag:$0xF], $0x2000, $0x38;
	[tilespmem:$0x1A400] =	vst v63  }
0x119: {  	s8 =	rddreg [dreg:$0x15]  }
0x11a: {  	[hbm4b:s8+s1] =	stream.linear.scatter [tilespmem:s18], [sflag:$0x10], $0x2000, $0x38;
	[tilespmem:$0x1A400] =	vst v63  }
0x11b: {  	s12 =	rddreg [dreg:$0x16]  }
0x11c: {  	[hbm4b:s12+s1] =	stream.linear.scatter [tilespmem:s18], [sflag:$0x11], $0x2000, $0x38;
	[tilespmem:$0x1A400] =	vst v63  }
0x11d: {  	s13 =	rddreg [dreg:$0x17]  }
0x11e: {  	[hbm4b:s13+s1] =	stream.linear.scatter [tilespmem:s18], [sflag:$0x12], $0x2000, $0x38;
	[tilespmem:$0x1A400] =	vst v63  }
0x11f: {  	s14 =	rddreg [dreg:$0x18]  }
0x120: {  	[hbm4b:s14+s1] =	stream.linear.scatter [tilespmem:s18], [sflag:$0x13], $0x2000, $0x38;
	[tilespmem:$0x1A400] =	vst v63  }
0x121: {  	s15 =	rddreg [dreg:$0x19];
	s16 =	simm.s32 $0xD  }
0x122: {  	[hbm4b:s15+s1] =	stream.linear.scatter [tilespmem:s18], [sflag:$0x14], $0x2000, $0x38;
	[tilespmem:$0x1A400] =	vst v63  }
0x123: {  	_ =	swait.ge [sflag:s16], $0x2000  }
0x124: {  	[sflag:s16] =	ssyncset.done $0x0  }
0x125: {  	s17 =	simm.s32 $0xE;
	[sflag:s16] =	ssyncadd.s32 $0xFFFFE000  }
0x126: {  	_ =	swait.ge [sflag:s17], $0x2000  }
0x127: {  	[sflag:s17] =	ssyncset.done $0x0  }
0x128: {  	s18 =	simm.s32 $0xF;
	[sflag:s17] =	ssyncadd.s32 $0xFFFFE000  }
0x129: {  	_ =	swait.ge [sflag:s18], $0x2000  }
0x12a: {  	[sflag:s18] =	ssyncset.done $0x0  }
0x12b: {  	s20 =	simm.s32 $0x10;
	[sflag:s18] =	ssyncadd.s32 $0xFFFFE000  }
0x12c: {  	_ =	swait.ge [sflag:s20], $0x2000  }
0x12d: {  	[sflag:s20] =	ssyncset.done $0x0  }
0x12e: {  	s21 =	simm.s32 $0x11;
	[sflag:s20] =	ssyncadd.s32 $0xFFFFE000  }
0x12f: {  	_ =	swait.ge [sflag:s21], $0x2000  }
0x130: {  	[sflag:s21] =	ssyncset.done $0x0  }
0x131: {  	s22 =	simm.s32 $0x12;
	[sflag:s21] =	ssyncadd.s32 $0xFFFFE000  }
0x132: {  	_ =	swait.ge [sflag:s22], $0x2000  }
0x133: {  	[sflag:s22] =	ssyncset.done $0x0  }
0x134: {  	s24 =	simm.s32 $0x13;
	[sflag:s22] =	ssyncadd.s32 $0xFFFFE000  }
0x135: {  	_ =	swait.ge [sflag:s24], $0x2000  }
0x136: {  	[sflag:s24] =	ssyncset.done $0x0  }
0x137: {  	s25 =	simm.s32 $0x14;
	[sflag:s24] =	ssyncadd.s32 $0xFFFFE000  }
0x138: {  	_ =	swait.ge [sflag:s25], $0x2000  }
0x139: {  	[sflag:s25] =	ssyncset.done $0x0  }
0x13a: {  	[sflag:s25] =	ssyncadd.s32 $0xFFFFE000  }
0x13b: {  	[bflag:$0x0] =	sbarrier.arrive $0xFFFF  }
0x13c: {  	s12 =	simm.s32 $0x15;
	s30 =	rddreg [dreg:$0x7]  }
0x13d: {  	[tilespmem:s1], [sflag:$0x15] =	stream.linear.gather [hbm4b:s30+s1], $0x400, $0x38;
	[tilespmem:$0x1A400] =	vst v63  }
0x13e: {  	_ =	swait.ge [sflag:s12], $0x400  }
0x13f: {  	[sflag:s12] =	ssyncset.done $0x0  }
0x140: {  	s10 =	simm.s32 $0x40;
	s9 =	simm.s32 $0x0;
	[sflag:s12] =	ssyncadd.s32 $0xFFFFFC00  }
.LBB2_34:
0x141: {  	p0 =	sne.s32 s10, $0xFC0;
	v4 =	vld [tilespmem:s9+$0x0];
	_ =	sdelay $0x1  }
.Ltmp16:
0x142: {  	(pc) =	sbr.rel @p0 .LBB2_34-.Ltmp16, $3  }
0x143: {  	_ =	sdelay $0x1  }
0x144: {  	v4 =	vadd.s32 v0, v4  }
0x145: {  	[tilespmem:s9+$0x0] =	vst v4;
	s9 =	sshra.s32 s10, $0x2;
	s10 =	sadd.s32 $0x40, s10  }
0x146: {  	v4 =	vld [tilespmem:s9+$0x0];
	_ =	sdelay $0x4  }
0x147: {  	v4 =	vadd.s32 v0, v4  }
0x148: {  	[tilespmem:s9+$0x0] =	vst v4  }
0x149: {  	v4 =	vld [tilespmem:$0x0];
	_ =	sdelay $0x4  }
0x14a: {  	v5 =	vshll.u32 v4, $0x2  }
0x14b: {  	v4 =	vand.u32 $0x7, v4;
	v5 =	vand.u32 $0xFFFFFFE0, v5  }
0x14c: {  	v4 =	vor.u32 v4, v5  }
0x14d: {  	v5 =	vperm.xlane v4, v1;
	_ =	sdelay $0x1  }
0x14e: {  	v5 =	vadd.s32 v2, v5;
	_ =	sdelay $0x1  }
0x14f: {  	v4 =	vperm.xlane v4, v3;
	_ =	sdelay $0x1  }
0x150: {  	v4 =	vadd.s32 v2, v4  }
0x151: {  	[tilespmem:s11], [sflag:$0x1] =	stream.indirect_vreg.gather [hbm4b:s2+s3], $0x80, v5, vm0, $0xb8;
	[tilespmem:$0x1A400] =	vst v63  }
0x152: {  	s0 =	simm.s32 $0x2C00;
	s9 =	sadd.s32 $0x100, s2  }
0x153: {  	[tilespmem:s0], [sflag:$0x1] =	stream.indirect_vreg.gather [hbm4b:s9+s3], $0x80, v5, vm0, $0xb8;
	[tilespmem:$0x1A400] =	vst v63  }
0x154: {  	s22 =	simm.s32 $0x3400  }
0x155: {  	[tilespmem:s22], [sflag:$0x1] =	stream.indirect_vreg.gather [hbm4b:s2+s3], $0x80, v4, vm0, $0xb8;
	[tilespmem:$0x1A400] =	vst v63  }
0x156: {  	s25 =	simm.s32 $0x3C00  }
0x157: {  	[tilespmem:s25], [sflag:$0x1] =	stream.indirect_vreg.gather [hbm4b:s9+s3], $0x80, v4, vm0, $0xb8;
	[tilespmem:$0x1A400] =	vst v63  }
0x158: {  	v4 =	vld [tilespmem:$0x10];
	_ =	sdelay $0x4  }
0x159: {  	v5 =	vshll.u32 v4, $0x2  }
0x15a: {  	v4 =	vand.u32 $0x7, v4;
	v5 =	vand.u32 $0xFFFFFFE0, v5  }
0x15b: {  	v4 =	vor.u32 v4, v5  }
0x15c: {  	v5 =	vperm.xlane v4, v1;
	_ =	sdelay $0x1  }
0x15d: {  	v5 =	vadd.s32 v2, v5;
	_ =	sdelay $0x1  }
0x15e: {  	v4 =	vperm.xlane v4, v3;
	_ =	sdelay $0x1  }
0x15f: {  	s30 =	simm.s32 $0x4400;
	v4 =	vadd.s32 v2, v4  }
0x160: {  	[tilespmem:s30], [sflag:$0x1] =	stream.indirect_vreg.gather [hbm4b:s2+s3], $0x80, v5, vm0, $0xb8;
	[tilespmem:$0x1A400] =	vst v63  }
0x161: {  	s1 =	simm.s32 $0x4C00  }
0x162: {  	[tilespmem:s1], [sflag:$0x1] =	stream.indirect_vreg.gather [hbm4b:s9+s3], $0x80, v5, vm0, $0xb8;
	[tilespmem:$0x1A400] =	vst v63  }
0x163: {  	s8 =	simm.s32 $0x5400  }
0x164: {  	[tilespmem:s8], [sflag:$0x1] =	stream.indirect_vreg.gather [hbm4b:s2+s3], $0x80, v4, vm0, $0xb8;
	[tilespmem:$0x1A400] =	vst v63  }
0x165: {  	s10 =	simm.s32 $0x5C00  }
0x166: {  	[tilespmem:s10], [sflag:$0x1] =	stream.indirect_vreg.gather [hbm4b:s9+s3], $0x80, v4, vm0, $0xb8;
	[tilespmem:$0x1A400] =	vst v63  }
0x167: {  	v4 =	vld [tilespmem:$0x20];
	_ =	sdelay $0x4  }
0x168: {  	v5 =	vshll.u32 v4, $0x2  }
0x169: {  	v4 =	vand.u32 $0x7, v4;
	v5 =	vand.u32 $0xFFFFFFE0, v5  }
0x16a: {  	v4 =	vor.u32 v4, v5  }
0x16b: {  	v5 =	vperm.xlane v4, v1;
	_ =	sdelay $0x1  }
0x16c: {  	v5 =	vadd.s32 v2, v5;
	_ =	sdelay $0x1  }
0x16d: {  	v4 =	vperm.xlane v4, v3;
	_ =	sdelay $0x1  }
0x16e: {  	s8 =	simm.s32 $0x6400;
	v4 =	vadd.s32 v2, v4  }
0x16f: {  	[tilespmem:s8], [sflag:$0x2] =	stream.indirect_vreg.gather [hbm4b:s2+s3], $0x80, v5, vm0, $0xb8;
	[tilespmem:$0x1A400] =	vst v63  }
0x170: {  	s10 =	simm.s32 $0x6C00  }
0x171: {  	[tilespmem:s10], [sflag:$0x2] =	stream.indirect_vreg.gather [hbm4b:s9+s3], $0x80, v5, vm0, $0xb8;
	[tilespmem:$0x1A400] =	vst v63  }
0x172: {  	s13 =	simm.s32 $0x7400  }
0x173: {  	[tilespmem:s13], [sflag:$0x2] =	stream.indirect_vreg.gather [hbm4b:s2+s3], $0x80, v4, vm0, $0xb8;
	[tilespmem:$0x1A400] =	vst v63  }
0x174: {  	s14 =	simm.s32 $0x7C00  }
0x175: {  	[tilespmem:s14], [sflag:$0x2] =	stream.indirect_vreg.gather [hbm4b:s9+s3], $0x80, v4, vm0, $0xb8;
	[tilespmem:$0x1A400] =	vst v63  }
0x176: {  	v4 =	vld [tilespmem:$0x30];
	_ =	sdelay $0x4  }
0x177: {  	v5 =	vshll.u32 v4, $0x2  }
0x178: {  	v4 =	vand.u32 $0x7, v4;
	v5 =	vand.u32 $0xFFFFFFE0, v5  }
0x179: {  	v4 =	vor.u32 v4, v5  }
0x17a: {  	v5 =	vperm.xlane v4, v1;
	_ =	sdelay $0x1  }
0x17b: {  	v5 =	vadd.s32 v2, v5;
	_ =	sdelay $0x1  }
0x17c: {  	v4 =	vperm.xlane v4, v3;
	_ =	sdelay $0x1  }
0x17d: {  	s17 =	simm.s32 $0x8400;
	v4 =	vadd.s32 v2, v4  }
0x17e: {  	[tilespmem:s17], [sflag:$0x2] =	stream.indirect_vreg.gather [hbm4b:s2+s3], $0x80, v5, vm0, $0xb8;
	[tilespmem:$0x1A400] =	vst v63  }
0x17f: {  	s18 =	simm.s32 $0x8C00  }
0x180: {  	[tilespmem:s18], [sflag:$0x2] =	stream.indirect_vreg.gather [hbm4b:s9+s3], $0x80, v5, vm0, $0xb8;
	[tilespmem:$0x1A400] =	vst v63  }
0x181: {  	s21 =	simm.s32 $0x9400  }
0x182: {  	[tilespmem:s21], [sflag:$0x2] =	stream.indirect_vreg.gather [hbm4b:s2+s3], $0x80, v4, vm0, $0xb8;
	[tilespmem:$0x1A400] =	vst v63  }
0x183: {  	s14 =	simm.s32 $0x9C00  }
0x184: {  	[tilespmem:s14], [sflag:$0x2] =	stream.indirect_vreg.gather [hbm4b:s9+s3], $0x80, v4, vm0, $0xb8;
	[tilespmem:$0x1A400] =	vst v63  }
0x185: {  	v4 =	vld [tilespmem:$0x40];
	_ =	sdelay $0x4  }
0x186: {  	v5 =	vshll.u32 v4, $0x2  }
0x187: {  	v4 =	vand.u32 $0x7, v4;
	v5 =	vand.u32 $0xFFFFFFE0, v5  }
0x188: {  	v4 =	vor.u32 v4, v5  }
0x189: {  	v5 =	vperm.xlane v4, v1;
	_ =	sdelay $0x1  }
0x18a: {  	v5 =	vadd.s32 v2, v5;
	_ =	sdelay $0x1  }
0x18b: {  	v4 =	vperm.xlane v4, v3;
	_ =	sdelay $0x1  }
0x18c: {  	v4 =	vadd.s32 v2, v4  }
0x18d: {  	[tilespmem:s19], [sflag:$0x3] =	stream.indirect_vreg.gather [hbm4b:s2+s3], $0x80, v5, vm0, $0xb8;
	[tilespmem:$0x1A400] =	vst v63  }
0x18e: {  	s17 =	simm.s32 $0xAC00  }
0x18f: {  	[tilespmem:s17], [sflag:$0x3] =	stream.indirect_vreg.gather [hbm4b:s9+s3], $0x80, v5, vm0, $0xb8;
	[tilespmem:$0x1A400] =	vst v63  }
0x190: {  	s18 =	simm.s32 $0xB400  }
0x191: {  	[tilespmem:s18], [sflag:$0x3] =	stream.indirect_vreg.gather [hbm4b:s2+s3], $0x80, v4, vm0, $0xb8;
	[tilespmem:$0x1A400] =	vst v63  }
0x192: {  	s17 =	simm.s32 $0xBC00  }
0x193: {  	[tilespmem:s17], [sflag:$0x3] =	stream.indirect_vreg.gather [hbm4b:s9+s3], $0x80, v4, vm0, $0xb8;
	[tilespmem:$0x1A400] =	vst v63  }
0x194: {  	v4 =	vld [tilespmem:$0x50];
	_ =	sdelay $0x4  }
0x195: {  	v5 =	vshll.u32 v4, $0x2  }
0x196: {  	v4 =	vand.u32 $0x7, v4;
	v5 =	vand.u32 $0xFFFFFFE0, v5  }
0x197: {  	v4 =	vor.u32 v4, v5  }
0x198: {  	v5 =	vperm.xlane v4, v1;
	_ =	sdelay $0x1  }
0x199: {  	v5 =	vadd.s32 v2, v5;
	_ =	sdelay $0x1  }
0x19a: {  	v4 =	vperm.xlane v4, v3;
	_ =	sdelay $0x1  }
0x19b: {  	s18 =	simm.s32 $0xC400;
	v4 =	vadd.s32 v2, v4  }
0x19c: {  	[tilespmem:s18], [sflag:$0x3] =	stream.indirect_vreg.gather [hbm4b:s2+s3], $0x80, v5, vm0, $0xb8;
	[tilespmem:$0x1A400] =	vst v63  }
0x19d: {  	s18 =	simm.s32 $0xCC00  }
0x19e: {  	[tilespmem:s18], [sflag:$0x3] =	stream.indirect_vreg.gather [hbm4b:s9+s3], $0x80, v5, vm0, $0xb8;
	[tilespmem:$0x1A400] =	vst v63  }
0x19f: {  	s18 =	simm.s32 $0xD400  }
0x1a0: {  	[tilespmem:s18], [sflag:$0x3] =	stream.indirect_vreg.gather [hbm4b:s2+s3], $0x80, v4, vm0, $0xb8;
	[tilespmem:$0x1A400] =	vst v63  }
0x1a1: {  	s18 =	simm.s32 $0xDC00  }
0x1a2: {  	[tilespmem:s18], [sflag:$0x3] =	stream.indirect_vreg.gather [hbm4b:s9+s3], $0x80, v4, vm0, $0xb8;
	[tilespmem:$0x1A400] =	vst v63  }
0x1a3: {  	v4 =	vld [tilespmem:$0x60];
	_ =	sdelay $0x4  }
0x1a4: {  	v5 =	vshll.u32 v4, $0x2  }
0x1a5: {  	v4 =	vand.u32 $0x7, v4;
	v5 =	vand.u32 $0xFFFFFFE0, v5  }
0x1a6: {  	v4 =	vor.u32 v4, v5  }
0x1a7: {  	v5 =	vperm.xlane v4, v1;
	_ =	sdelay $0x1  }
0x1a8: {  	v5 =	vadd.s32 v2, v5;
	_ =	sdelay $0x1  }
0x1a9: {  	v4 =	vperm.xlane v4, v3;
	_ =	sdelay $0x1  }
0x1aa: {  	v4 =	vadd.s32 v2, v4  }
0x1ab: {  	[tilespmem:s26], [sflag:$0x4] =	stream.indirect_vreg.gather [hbm4b:s2+s3], $0x80, v5, vm0, $0xb8;
	[tilespmem:$0x1A400] =	vst v63  }
0x1ac: {  	s10 =	simm.s32 $0xEC00  }
0x1ad: {  	[tilespmem:s10], [sflag:$0x4] =	stream.indirect_vreg.gather [hbm4b:s9+s3], $0x80, v5, vm0, $0xb8;
	[tilespmem:$0x1A400] =	vst v63  }
0x1ae: {  	s10 =	simm.s32 $0xF400  }
0x1af: {  	[tilespmem:s10], [sflag:$0x4] =	stream.indirect_vreg.gather [hbm4b:s2+s3], $0x80, v4, vm0, $0xb8;
	[tilespmem:$0x1A400] =	vst v63  }
0x1b0: {  	s10 =	simm.s32 $0xFC00  }
0x1b1: {  	[tilespmem:s10], [sflag:$0x4] =	stream.indirect_vreg.gather [hbm4b:s9+s3], $0x80, v4, vm0, $0xb8;
	[tilespmem:$0x1A400] =	vst v63  }
0x1b2: {  	v4 =	vld [tilespmem:$0x70];
	_ =	sdelay $0x4  }
0x1b3: {  	v5 =	vshll.u32 v4, $0x2  }
0x1b4: {  	v4 =	vand.u32 $0x7, v4;
	v5 =	vand.u32 $0xFFFFFFE0, v5  }
0x1b5: {  	v4 =	vor.u32 v4, v5  }
0x1b6: {  	v5 =	vperm.xlane v4, v1;
	_ =	sdelay $0x1  }
0x1b7: {  	v5 =	vadd.s32 v2, v5;
	_ =	sdelay $0x1  }
0x1b8: {  	v4 =	vperm.xlane v4, v3;
	_ =	sdelay $0x1  }
0x1b9: {  	s10 =	simm.s32 $0x10400;
	v4 =	vadd.s32 v2, v4  }
0x1ba: {  	[tilespmem:s10], [sflag:$0x4] =	stream.indirect_vreg.gather [hbm4b:s2+s3], $0x80, v5, vm0, $0xb8;
	[tilespmem:$0x1A400] =	vst v63  }
0x1bb: {  	s10 =	simm.s32 $0x10C00  }
0x1bc: {  	[tilespmem:s10], [sflag:$0x4] =	stream.indirect_vreg.gather [hbm4b:s9+s3], $0x80, v5, vm0, $0xb8;
	[tilespmem:$0x1A400] =	vst v63  }
0x1bd: {  	s10 =	simm.s32 $0x11400  }
0x1be: {  	[tilespmem:s10], [sflag:$0x4] =	stream.indirect_vreg.gather [hbm4b:s2+s3], $0x80, v4, vm0, $0xb8;
	[tilespmem:$0x1A400] =	vst v63  }
0x1bf: {  	s10 =	simm.s32 $0x11C00  }
0x1c0: {  	[tilespmem:s10], [sflag:$0x4] =	stream.indirect_vreg.gather [hbm4b:s9+s3], $0x80, v4, vm0, $0xb8;
	[tilespmem:$0x1A400] =	vst v63  }
0x1c1: {  	v4 =	vld [tilespmem:$0x80];
	_ =	sdelay $0x4  }
0x1c2: {  	v5 =	vshll.u32 v4, $0x2  }
0x1c3: {  	v4 =	vand.u32 $0x7, v4;
	v5 =	vand.u32 $0xFFFFFFE0, v5  }
0x1c4: {  	v4 =	vor.u32 v4, v5  }
0x1c5: {  	v5 =	vperm.xlane v4, v1;
	_ =	sdelay $0x1  }
0x1c6: {  	v5 =	vadd.s32 v2, v5;
	_ =	sdelay $0x1  }
0x1c7: {  	v4 =	vperm.xlane v4, v3;
	_ =	sdelay $0x1  }
0x1c8: {  	v4 =	vadd.s32 v2, v4  }
0x1c9: {  	[tilespmem:s28], [sflag:$0x5] =	stream.indirect_vreg.gather [hbm4b:s2+s3], $0x80, v5, vm0, $0xb8;
	[tilespmem:$0x1A400] =	vst v63  }
0x1ca: {  	s10 =	simm.s32 $0x12C00  }
0x1cb: {  	[tilespmem:s10], [sflag:$0x5] =	stream.indirect_vreg.gather [hbm4b:s9+s3], $0x80, v5, vm0, $0xb8;
	[tilespmem:$0x1A400] =	vst v63  }
0x1cc: {  	s10 =	simm.s32 $0x13400  }
0x1cd: {  	[tilespmem:s10], [sflag:$0x5] =	stream.indirect_vreg.gather [hbm4b:s2+s3], $0x80, v4, vm0, $0xb8;
	[tilespmem:$0x1A400] =	vst v63  }
0x1ce: {  	s10 =	simm.s32 $0x13C00  }
0x1cf: {  	[tilespmem:s10], [sflag:$0x5] =	stream.indirect_vreg.gather [hbm4b:s9+s3], $0x80, v4, vm0, $0xb8;
	[tilespmem:$0x1A400] =	vst v63  }
0x1d0: {  	v4 =	vld [tilespmem:$0x90];
	_ =	sdelay $0x4  }
0x1d1: {  	v5 =	vshll.u32 v4, $0x2  }
0x1d2: {  	v4 =	vand.u32 $0x7, v4;
	v5 =	vand.u32 $0xFFFFFFE0, v5  }
0x1d3: {  	v4 =	vor.u32 v4, v5  }
0x1d4: {  	v5 =	vperm.xlane v4, v1;
	_ =	sdelay $0x1  }
0x1d5: {  	v5 =	vadd.s32 v2, v5;
	_ =	sdelay $0x1  }
0x1d6: {  	v4 =	vperm.xlane v4, v3;
	_ =	sdelay $0x1  }
0x1d7: {  	s10 =	simm.s32 $0x14400;
	v4 =	vadd.s32 v2, v4  }
0x1d8: {  	[tilespmem:s10], [sflag:$0x5] =	stream.indirect_vreg.gather [hbm4b:s2+s3], $0x80, v5, vm0, $0xb8;
	[tilespmem:$0x1A400] =	vst v63  }
0x1d9: {  	s10 =	simm.s32 $0x14C00  }
0x1da: {  	[tilespmem:s10], [sflag:$0x5] =	stream.indirect_vreg.gather [hbm4b:s9+s3], $0x80, v5, vm0, $0xb8;
	[tilespmem:$0x1A400] =	vst v63  }
0x1db: {  	s10 =	simm.s32 $0x15400  }
0x1dc: {  	[tilespmem:s10], [sflag:$0x5] =	stream.indirect_vreg.gather [hbm4b:s2+s3], $0x80, v4, vm0, $0xb8;
	[tilespmem:$0x1A400] =	vst v63  }
0x1dd: {  	s10 =	simm.s32 $0x15C00  }
0x1de: {  	[tilespmem:s10], [sflag:$0x5] =	stream.indirect_vreg.gather [hbm4b:s9+s3], $0x80, v4, vm0, $0xb8;
	[tilespmem:$0x1A400] =	vst v63  }
0x1df: {  	_ =	swait.ge [sflag:s31], $0x4000  }
0x1e0: {  	[sflag:s31] =	ssyncset.done $0x0  }
0x1e1: {  	s10 =	rddreg [dreg:$0x8];
	[sflag:s31] =	ssyncadd.s32 $0xFFFFC000  }
0x1e2: {  	[hbm4b:s10+s3] =	stream.linear.scatter [tilespmem:s11], [sflag:$0x7], $0x4000, $0x38;
	[tilespmem:$0x1A400] =	vst v63  }
0x1e3: {  	v4 =	vld [tilespmem:$0xA0];
	_ =	sdelay $0x4  }
0x1e4: {  	v5 =	vshll.u32 v4, $0x2  }
0x1e5: {  	v4 =	vand.u32 $0x7, v4;
	v5 =	vand.u32 $0xFFFFFFE0, v5  }
0x1e6: {  	v4 =	vor.u32 v4, v5  }
0x1e7: {  	v5 =	vperm.xlane v4, v1;
	_ =	sdelay $0x1  }
0x1e8: {  	v5 =	vadd.s32 v2, v5;
	_ =	sdelay $0x1  }
0x1e9: {  	v4 =	vperm.xlane v4, v3;
	_ =	sdelay $0x1  }
0x1ea: {  	v4 =	vadd.s32 v2, v4  }
0x1eb: {  	[tilespmem:s29], [sflag:$0x6] =	stream.indirect_vreg.gather [hbm4b:s2+s3], $0x80, v5, vm0, $0xb8;
	[tilespmem:$0x1A400] =	vst v63  }
0x1ec: {  	s10 =	simm.s32 $0x16C00  }
0x1ed: {  	[tilespmem:s10], [sflag:$0x6] =	stream.indirect_vreg.gather [hbm4b:s9+s3], $0x80, v5, vm0, $0xb8;
	[tilespmem:$0x1A400] =	vst v63  }
0x1ee: {  	s10 =	simm.s32 $0x17400  }
0x1ef: {  	[tilespmem:s10], [sflag:$0x6] =	stream.indirect_vreg.gather [hbm4b:s2+s3], $0x80, v4, vm0, $0xb8;
	[tilespmem:$0x1A400] =	vst v63  }
0x1f0: {  	s10 =	simm.s32 $0x17C00  }
0x1f1: {  	[tilespmem:s10], [sflag:$0x6] =	stream.indirect_vreg.gather [hbm4b:s9+s3], $0x80, v4, vm0, $0xb8;
	[tilespmem:$0x1A400] =	vst v63  }
0x1f2: {  	v4 =	vld [tilespmem:$0xB0];
	_ =	sdelay $0x4  }
0x1f3: {  	v5 =	vshll.u32 v4, $0x2  }
0x1f4: {  	v4 =	vand.u32 $0x7, v4;
	v5 =	vand.u32 $0xFFFFFFE0, v5  }
0x1f5: {  	v4 =	vor.u32 v4, v5  }
0x1f6: {  	v5 =	vperm.xlane v4, v1;
	_ =	sdelay $0x1  }
0x1f7: {  	v5 =	vadd.s32 v2, v5;
	_ =	sdelay $0x1  }
0x1f8: {  	v4 =	vperm.xlane v4, v3;
	_ =	sdelay $0x1  }
0x1f9: {  	s10 =	simm.s32 $0x18400;
	v4 =	vadd.s32 v2, v4  }
0x1fa: {  	[tilespmem:s10], [sflag:$0x6] =	stream.indirect_vreg.gather [hbm4b:s2+s3], $0x80, v5, vm0, $0xb8;
	[tilespmem:$0x1A400] =	vst v63  }
0x1fb: {  	s10 =	simm.s32 $0x18C00  }
0x1fc: {  	[tilespmem:s10], [sflag:$0x6] =	stream.indirect_vreg.gather [hbm4b:s9+s3], $0x80, v5, vm0, $0xb8;
	[tilespmem:$0x1A400] =	vst v63  }
0x1fd: {  	s10 =	simm.s32 $0x19400  }
0x1fe: {  	[tilespmem:s10], [sflag:$0x6] =	stream.indirect_vreg.gather [hbm4b:s2+s3], $0x80, v4, vm0, $0xb8;
	[tilespmem:$0x1A400] =	vst v63  }
0x1ff: {  	s10 =	simm.s32 $0x19C00  }
0x200: {  	[tilespmem:s10], [sflag:$0x6] =	stream.indirect_vreg.gather [hbm4b:s9+s3], $0x80, v4, vm0, $0xb8;
	[tilespmem:$0x1A400] =	vst v63  }
0x201: {  	_ =	swait.ge [sflag:s7], $0x4000  }
0x202: {  	[sflag:s7] =	ssyncset.done $0x0  }
0x203: {  	s10 =	rddreg [dreg:$0x9];
	[sflag:s7] =	ssyncadd.s32 $0xFFFFC000  }
0x204: {  	[hbm4b:s10+s3] =	stream.linear.scatter [tilespmem:s8], [sflag:$0x8], $0x4000, $0x38;
	[tilespmem:$0x1A400] =	vst v63  }
0x205: {  	_ =	swait.ge [sflag:s5], $0x4000  }
0x206: {  	[sflag:s5] =	ssyncset.done $0x0  }
0x207: {  	[sflag:s5] =	ssyncadd.s32 $0xFFFFC000  }
0x208: {  	v4 =	vld [tilespmem:$0xC0];
	_ =	sdelay $0x4  }
0x209: {  	v5 =	vshll.u32 v4, $0x2  }
0x20a: {  	v4 =	vand.u32 $0x7, v4;
	v5 =	vand.u32 $0xFFFFFFE0, v5  }
0x20b: {  	v4 =	vor.u32 v4, v5  }
0x20c: {  	v5 =	vperm.xlane v4, v1;
	_ =	sdelay $0x1  }
0x20d: {  	v5 =	vadd.s32 v2, v5;
	_ =	sdelay $0x1  }
0x20e: {  	v4 =	vperm.xlane v4, v3;
	_ =	sdelay $0x1  }
0x20f: {  	v4 =	vadd.s32 v2, v4  }
0x210: {  	[tilespmem:s11], [sflag:$0x1] =	stream.indirect_vreg.gather [hbm4b:s2+s3], $0x80, v5, vm0, $0xb8;
	[tilespmem:$0x1A400] =	vst v63  }
0x211: {  	s24 =	simm.s32 $0x2C00  }
0x212: {  	[tilespmem:s24], [sflag:$0x1] =	stream.indirect_vreg.gather [hbm4b:s9+s3], $0x80, v5, vm0, $0xb8;
	[tilespmem:$0x1A400] =	vst v63  }
0x213: {  	s4 =	simm.s32 $0x3400  }
0x214: {  	[tilespmem:s4], [sflag:$0x1] =	stream.indirect_vreg.gather [hbm4b:s2+s3], $0x80, v4, vm0, $0xb8;
	[tilespmem:$0x1A400] =	vst v63  }
0x215: {  	s20 =	simm.s32 $0x3C00  }
0x216: {  	[tilespmem:s20], [sflag:$0x1] =	stream.indirect_vreg.gather [hbm4b:s9+s3], $0x80, v4, vm0, $0xb8;
	[tilespmem:$0x1A400] =	vst v63  }
0x217: {  	v4 =	vld [tilespmem:$0xD0];
	_ =	sdelay $0x4  }
0x218: {  	v5 =	vshll.u32 v4, $0x2  }
0x219: {  	v4 =	vand.u32 $0x7, v4;
	v5 =	vand.u32 $0xFFFFFFE0, v5  }
0x21a: {  	v4 =	vor.u32 v4, v5  }
0x21b: {  	v5 =	vperm.xlane v4, v1;
	_ =	sdelay $0x1  }
0x21c: {  	v5 =	vadd.s32 v2, v5;
	_ =	sdelay $0x1  }
0x21d: {  	v4 =	vperm.xlane v4, v3;
	_ =	sdelay $0x1  }
0x21e: {  	s6 =	simm.s32 $0x4400;
	v4 =	vadd.s32 v2, v4  }
0x21f: {  	[tilespmem:s6], [sflag:$0x1] =	stream.indirect_vreg.gather [hbm4b:s2+s3], $0x80, v5, vm0, $0xb8;
	[tilespmem:$0x1A400] =	vst v63  }
0x220: {  	s1 =	simm.s32 $0x4C00  }
0x221: {  	[tilespmem:s1], [sflag:$0x1] =	stream.indirect_vreg.gather [hbm4b:s9+s3], $0x80, v5, vm0, $0xb8;
	[tilespmem:$0x1A400] =	vst v63  }
0x222: {  	s25 =	simm.s32 $0x5400  }
0x223: {  	[tilespmem:s25], [sflag:$0x1] =	stream.indirect_vreg.gather [hbm4b:s2+s3], $0x80, v4, vm0, $0xb8;
	[tilespmem:$0x1A400] =	vst v63  }
0x224: {  	s0 =	simm.s32 $0x5C00;
	s24 =	simm.s32 $0x3  }
0x225: {  	[tilespmem:s0], [sflag:$0x1] =	stream.indirect_vreg.gather [hbm4b:s9+s3], $0x80, v4, vm0, $0xb8;
	[tilespmem:$0x1A400] =	vst v63  }
0x226: {  	_ =	swait.ge [sflag:s24], $0x4000  }
0x227: {  	[sflag:s24] =	ssyncset.done $0x0  }
0x228: {  	s1 =	rddreg [dreg:$0xa];
	[sflag:s24] =	ssyncadd.s32 $0xFFFFC000  }
0x229: {  	[hbm4b:s1+s3] =	stream.linear.scatter [tilespmem:s19], [sflag:$0x9], $0x4000, $0x38;
	[tilespmem:$0x1A400] =	vst v63  }
0x22a: {  	_ =	swait.ge [sflag:s23], $0x4000  }
0x22b: {  	[sflag:s23] =	ssyncset.done $0x0  }
0x22c: {  	[sflag:s23] =	ssyncadd.s32 $0xFFFFC000  }
0x22d: {  	v4 =	vld [tilespmem:$0xE0];
	_ =	sdelay $0x4  }
0x22e: {  	v5 =	vshll.u32 v4, $0x2  }
0x22f: {  	v4 =	vand.u32 $0x7, v4;
	v5 =	vand.u32 $0xFFFFFFE0, v5  }
0x230: {  	v4 =	vor.u32 v4, v5  }
0x231: {  	v5 =	vperm.xlane v4, v1;
	_ =	sdelay $0x1  }
0x232: {  	v5 =	vadd.s32 v2, v5;
	_ =	sdelay $0x1  }
0x233: {  	v4 =	vperm.xlane v4, v3;
	_ =	sdelay $0x1  }
0x234: {  	v4 =	vadd.s32 v2, v4  }
0x235: {  	[tilespmem:s8], [sflag:$0x2] =	stream.indirect_vreg.gather [hbm4b:s2+s3], $0x80, v5, vm0, $0xb8;
	[tilespmem:$0x1A400] =	vst v63  }
0x236: {  	s15 =	simm.s32 $0x6C00  }
0x237: {  	[tilespmem:s15], [sflag:$0x2] =	stream.indirect_vreg.gather [hbm4b:s9+s3], $0x80, v5, vm0, $0xb8;
	[tilespmem:$0x1A400] =	vst v63  }
0x238: {  	s16 =	simm.s32 $0x7400  }
0x239: {  	[tilespmem:s16], [sflag:$0x2] =	stream.indirect_vreg.gather [hbm4b:s2+s3], $0x80, v4, vm0, $0xb8;
	[tilespmem:$0x1A400] =	vst v63  }
0x23a: {  	s13 =	simm.s32 $0x7C00  }
0x23b: {  	[tilespmem:s13], [sflag:$0x2] =	stream.indirect_vreg.gather [hbm4b:s9+s3], $0x80, v4, vm0, $0xb8;
	[tilespmem:$0x1A400] =	vst v63  }
0x23c: {  	v4 =	vld [tilespmem:$0xF0];
	_ =	sdelay $0x4  }
0x23d: {  	v5 =	vshll.u32 v4, $0x2  }
0x23e: {  	v4 =	vand.u32 $0x7, v4;
	v5 =	vand.u32 $0xFFFFFFE0, v5  }
0x23f: {  	v4 =	vor.u32 v4, v5  }
0x240: {  	v5 =	vperm.xlane v4, v1;
	_ =	sdelay $0x1  }
0x241: {  	v5 =	vadd.s32 v2, v5;
	_ =	sdelay $0x1  }
0x242: {  	v4 =	vperm.xlane v4, v3;
	_ =	sdelay $0x1  }
0x243: {  	s22 =	simm.s32 $0x8400;
	v4 =	vadd.s32 v2, v4  }
0x244: {  	[tilespmem:s22], [sflag:$0x2] =	stream.indirect_vreg.gather [hbm4b:s2+s3], $0x80, v5, vm0, $0xb8;
	[tilespmem:$0x1A400] =	vst v63  }
0x245: {  	s30 =	simm.s32 $0x8C00  }
0x246: {  	[tilespmem:s30], [sflag:$0x2] =	stream.indirect_vreg.gather [hbm4b:s9+s3], $0x80, v5, vm0, $0xb8;
	[tilespmem:$0x1A400] =	vst v63  }
0x247: {  	s21 =	simm.s32 $0x9400  }
0x248: {  	[tilespmem:s21], [sflag:$0x2] =	stream.indirect_vreg.gather [hbm4b:s2+s3], $0x80, v4, vm0, $0xb8;
	[tilespmem:$0x1A400] =	vst v63  }
0x249: {  	s14 =	simm.s32 $0x9C00;
	s22 =	simm.s32 $0x4  }
0x24a: {  	[tilespmem:s14], [sflag:$0x2] =	stream.indirect_vreg.gather [hbm4b:s9+s3], $0x80, v4, vm0, $0xb8;
	[tilespmem:$0x1A400] =	vst v63  }
0x24b: {  	_ =	swait.ge [sflag:s22], $0x4000  }
0x24c: {  	[sflag:s22] =	ssyncset.done $0x0  }
0x24d: {  	s30 =	simm.s32 $0x9;
	s4 =	rddreg [dreg:$0xb];
	[sflag:s22] =	ssyncadd.s32 $0xFFFFC000  }
0x24e: {  	[hbm4b:s4+s3] =	stream.linear.scatter [tilespmem:s26], [sflag:$0xA], $0x4000, $0x38;
	[tilespmem:$0x1A400] =	vst v63  }
0x24f: {  	_ =	swait.ge [sflag:s30], $0x4000  }
0x250: {  	[sflag:s30] =	ssyncset.done $0x0  }
0x251: {  	[sflag:s30] =	ssyncadd.s32 $0xFFFFC000  }
0x252: {  	v4 =	vld [tilespmem:$0x100];
	_ =	sdelay $0x4  }
0x253: {  	v5 =	vshll.u32 v4, $0x2  }
0x254: {  	v4 =	vand.u32 $0x7, v4;
	v5 =	vand.u32 $0xFFFFFFE0, v5  }
0x255: {  	v4 =	vor.u32 v4, v5  }
0x256: {  	v5 =	vperm.xlane v4, v1;
	_ =	sdelay $0x1  }
0x257: {  	v5 =	vadd.s32 v2, v5;
	_ =	sdelay $0x1  }
0x258: {  	v4 =	vperm.xlane v4, v3;
	_ =	sdelay $0x1  }
0x259: {  	v4 =	vadd.s32 v2, v4  }
0x25a: {  	[tilespmem:s19], [sflag:$0x3] =	stream.indirect_vreg.gather [hbm4b:s2+s3], $0x80, v5, vm0, $0xb8;
	[tilespmem:$0x1A400] =	vst v63  }
0x25b: {  	s6 =	simm.s32 $0xAC00  }
0x25c: {  	[tilespmem:s6], [sflag:$0x3] =	stream.indirect_vreg.gather [hbm4b:s9+s3], $0x80, v5, vm0, $0xb8;
	[tilespmem:$0x1A400] =	vst v63  }
0x25d: {  	s10 =	simm.s32 $0xB400  }
0x25e: {  	[tilespmem:s10], [sflag:$0x3] =	stream.indirect_vreg.gather [hbm4b:s2+s3], $0x80, v4, vm0, $0xb8;
	[tilespmem:$0x1A400] =	vst v63  }
0x25f: {  	s17 =	simm.s32 $0xBC00  }
0x260: {  	[tilespmem:s17], [sflag:$0x3] =	stream.indirect_vreg.gather [hbm4b:s9+s3], $0x80, v4, vm0, $0xb8;
	[tilespmem:$0x1A400] =	vst v63  }
0x261: {  	v4 =	vld [tilespmem:$0x110];
	_ =	sdelay $0x4  }
0x262: {  	v5 =	vshll.u32 v4, $0x2  }
0x263: {  	v4 =	vand.u32 $0x7, v4;
	v5 =	vand.u32 $0xFFFFFFE0, v5  }
0x264: {  	v4 =	vor.u32 v4, v5  }
0x265: {  	v5 =	vperm.xlane v4, v1;
	_ =	sdelay $0x1  }
0x266: {  	v5 =	vadd.s32 v2, v5;
	_ =	sdelay $0x1  }
0x267: {  	v4 =	vperm.xlane v4, v3;
	_ =	sdelay $0x1  }
0x268: {  	s14 =	simm.s32 $0xC400;
	v4 =	vadd.s32 v2, v4  }
0x269: {  	[tilespmem:s14], [sflag:$0x3] =	stream.indirect_vreg.gather [hbm4b:s2+s3], $0x80, v5, vm0, $0xb8;
	[tilespmem:$0x1A400] =	vst v63  }
0x26a: {  	s17 =	simm.s32 $0xCC00  }
0x26b: {  	[tilespmem:s17], [sflag:$0x3] =	stream.indirect_vreg.gather [hbm4b:s9+s3], $0x80, v5, vm0, $0xb8;
	[tilespmem:$0x1A400] =	vst v63  }
0x26c: {  	s21 =	simm.s32 $0xD400  }
0x26d: {  	[tilespmem:s21], [sflag:$0x3] =	stream.indirect_vreg.gather [hbm4b:s2+s3], $0x80, v4, vm0, $0xb8;
	[tilespmem:$0x1A400] =	vst v63  }
0x26e: {  	s18 =	simm.s32 $0xDC00;
	s21 =	simm.s32 $0x5  }
0x26f: {  	[tilespmem:s18], [sflag:$0x3] =	stream.indirect_vreg.gather [hbm4b:s9+s3], $0x80, v4, vm0, $0xb8;
	[tilespmem:$0x1A400] =	vst v63  }
0x270: {  	_ =	swait.ge [sflag:s21], $0x4000  }
0x271: {  	[sflag:s21] =	ssyncset.done $0x0  }
0x272: {  	s1 =	rddreg [dreg:$0xc];
	[sflag:s21] =	ssyncadd.s32 $0xFFFFC000  }
0x273: {  	[hbm4b:s1+s3] =	stream.linear.scatter [tilespmem:s28], [sflag:$0xB], $0x4000, $0x38;
	[tilespmem:$0x1A400] =	vst v63  }
0x274: {  	s1 =	simm.s32 $0xA  }
0x275: {  	_ =	swait.ge [sflag:s1], $0x4000  }
0x276: {  	[sflag:s1] =	ssyncset.done $0x0  }
0x277: {  	[sflag:s1] =	ssyncadd.s32 $0xFFFFC000  }
0x278: {  	v4 =	vld [tilespmem:$0x120];
	_ =	sdelay $0x4  }
0x279: {  	v5 =	vshll.u32 v4, $0x2  }
0x27a: {  	v4 =	vand.u32 $0x7, v4;
	v5 =	vand.u32 $0xFFFFFFE0, v5  }
0x27b: {  	v4 =	vor.u32 v4, v5  }
0x27c: {  	v5 =	vperm.xlane v4, v1;
	_ =	sdelay $0x1  }
0x27d: {  	v5 =	vadd.s32 v2, v5;
	_ =	sdelay $0x1  }
0x27e: {  	v4 =	vperm.xlane v4, v3;
	_ =	sdelay $0x1  }
0x27f: {  	v4 =	vadd.s32 v2, v4  }
0x280: {  	[tilespmem:s26], [sflag:$0x4] =	stream.indirect_vreg.gather [hbm4b:s2+s3], $0x80, v5, vm0, $0xb8;
	[tilespmem:$0x1A400] =	vst v63  }
0x281: {  	s4 =	simm.s32 $0xEC00  }
0x282: {  	[tilespmem:s4], [sflag:$0x4] =	stream.indirect_vreg.gather [hbm4b:s9+s3], $0x80, v5, vm0, $0xb8;
	[tilespmem:$0x1A400] =	vst v63  }
0x283: {  	s6 =	simm.s32 $0xF400  }
0x284: {  	[tilespmem:s6], [sflag:$0x4] =	stream.indirect_vreg.gather [hbm4b:s2+s3], $0x80, v4, vm0, $0xb8;
	[tilespmem:$0x1A400] =	vst v63  }
0x285: {  	s10 =	simm.s32 $0xFC00  }
0x286: {  	[tilespmem:s10], [sflag:$0x4] =	stream.indirect_vreg.gather [hbm4b:s9+s3], $0x80, v4, vm0, $0xb8;
	[tilespmem:$0x1A400] =	vst v63  }
0x287: {  	v4 =	vld [tilespmem:$0x130];
	_ =	sdelay $0x4  }
0x288: {  	v5 =	vshll.u32 v4, $0x2  }
0x289: {  	v4 =	vand.u32 $0x7, v4;
	v5 =	vand.u32 $0xFFFFFFE0, v5  }
0x28a: {  	v4 =	vor.u32 v4, v5  }
0x28b: {  	v5 =	vperm.xlane v4, v1;
	_ =	sdelay $0x1  }
0x28c: {  	v5 =	vadd.s32 v2, v5;
	_ =	sdelay $0x1  }
0x28d: {  	v4 =	vperm.xlane v4, v3;
	_ =	sdelay $0x1  }
0x28e: {  	s14 =	simm.s32 $0x10400;
	v4 =	vadd.s32 v2, v4  }
0x28f: {  	[tilespmem:s14], [sflag:$0x4] =	stream.indirect_vreg.gather [hbm4b:s2+s3], $0x80, v5, vm0, $0xb8;
	[tilespmem:$0x1A400] =	vst v63  }
0x290: {  	s17 =	simm.s32 $0x10C00  }
0x291: {  	[tilespmem:s17], [sflag:$0x4] =	stream.indirect_vreg.gather [hbm4b:s9+s3], $0x80, v5, vm0, $0xb8;
	[tilespmem:$0x1A400] =	vst v63  }
0x292: {  	s18 =	simm.s32 $0x11400  }
0x293: {  	[tilespmem:s18], [sflag:$0x4] =	stream.indirect_vreg.gather [hbm4b:s2+s3], $0x80, v4, vm0, $0xb8;
	[tilespmem:$0x1A400] =	vst v63  }
0x294: {  	s0 =	simm.s32 $0x6;
	s4 =	simm.s32 $0x11C00  }
0x295: {  	[tilespmem:s4], [sflag:$0x4] =	stream.indirect_vreg.gather [hbm4b:s9+s3], $0x80, v4, vm0, $0xb8;
	[tilespmem:$0x1A400] =	vst v63  }
0x296: {  	_ =	swait.ge [sflag:s0], $0x4000  }
0x297: {  	[sflag:s0] =	ssyncset.done $0x0  }
0x298: {  	s4 =	simm.s32 $0xB;
	s6 =	rddreg [dreg:$0xd];
	[sflag:s0] =	ssyncadd.s32 $0xFFFFC000  }
0x299: {  	[hbm4b:s6+s3] =	stream.linear.scatter [tilespmem:s29], [sflag:$0xC], $0x4000, $0x38;
	[tilespmem:$0x1A400] =	vst v63  }
0x29a: {  	_ =	swait.ge [sflag:s4], $0x4000  }
0x29b: {  	[sflag:s4] =	ssyncset.done $0x0  }
0x29c: {  	[sflag:s4] =	ssyncadd.s32 $0xFFFFC000  }
0x29d: {  	v4 =	vld [tilespmem:$0x140];
	_ =	sdelay $0x4  }
0x29e: {  	v5 =	vshll.u32 v4, $0x2  }
0x29f: {  	v4 =	vand.u32 $0x7, v4;
	v5 =	vand.u32 $0xFFFFFFE0, v5  }
0x2a0: {  	v4 =	vor.u32 v4, v5  }
0x2a1: {  	v5 =	vperm.xlane v4, v1;
	_ =	sdelay $0x1  }
0x2a2: {  	v5 =	vadd.s32 v2, v5;
	_ =	sdelay $0x1  }
0x2a3: {  	v4 =	vperm.xlane v4, v3;
	_ =	sdelay $0x1  }
0x2a4: {  	v4 =	vadd.s32 v2, v4  }
0x2a5: {  	[tilespmem:s28], [sflag:$0x5] =	stream.indirect_vreg.gather [hbm4b:s2+s3], $0x80, v5, vm0, $0xb8;
	[tilespmem:$0x1A400] =	vst v63  }
0x2a6: {  	s14 =	simm.s32 $0x12C00  }
0x2a7: {  	[tilespmem:s14], [sflag:$0x5] =	stream.indirect_vreg.gather [hbm4b:s9+s3], $0x80, v5, vm0, $0xb8;
	[tilespmem:$0x1A400] =	vst v63  }
0x2a8: {  	s17 =	simm.s32 $0x13400  }
0x2a9: {  	[tilespmem:s17], [sflag:$0x5] =	stream.indirect_vreg.gather [hbm4b:s2+s3], $0x80, v4, vm0, $0xb8;
	[tilespmem:$0x1A400] =	vst v63  }
0x2aa: {  	s18 =	simm.s32 $0x13C00  }
0x2ab: {  	[tilespmem:s18], [sflag:$0x5] =	stream.indirect_vreg.gather [hbm4b:s9+s3], $0x80, v4, vm0, $0xb8;
	[tilespmem:$0x1A400] =	vst v63  }
0x2ac: {  	v4 =	vld [tilespmem:$0x150];
	_ =	sdelay $0x4  }
0x2ad: {  	v5 =	vshll.u32 v4, $0x2  }
0x2ae: {  	v4 =	vand.u32 $0x7, v4;
	v5 =	vand.u32 $0xFFFFFFE0, v5  }
0x2af: {  	v4 =	vor.u32 v4, v5  }
0x2b0: {  	v5 =	vperm.xlane v4, v1;
	_ =	sdelay $0x1  }
0x2b1: {  	v5 =	vadd.s32 v2, v5;
	_ =	sdelay $0x1  }
0x2b2: {  	v4 =	vperm.xlane v4, v3;
	_ =	sdelay $0x1  }
0x2b3: {  	s10 =	simm.s32 $0x14400;
	v4 =	vadd.s32 v2, v4  }
0x2b4: {  	[tilespmem:s10], [sflag:$0x5] =	stream.indirect_vreg.gather [hbm4b:s2+s3], $0x80, v5, vm0, $0xb8;
	[tilespmem:$0x1A400] =	vst v63  }
0x2b5: {  	s14 =	simm.s32 $0x14C00  }
0x2b6: {  	[tilespmem:s14], [sflag:$0x5] =	stream.indirect_vreg.gather [hbm4b:s9+s3], $0x80, v5, vm0, $0xb8;
	[tilespmem:$0x1A400] =	vst v63  }
0x2b7: {  	s17 =	simm.s32 $0x15400  }
0x2b8: {  	[tilespmem:s17], [sflag:$0x5] =	stream.indirect_vreg.gather [hbm4b:s2+s3], $0x80, v4, vm0, $0xb8;
	[tilespmem:$0x1A400] =	vst v63  }
0x2b9: {  	s18 =	simm.s32 $0x15C00  }
0x2ba: {  	[tilespmem:s18], [sflag:$0x5] =	stream.indirect_vreg.gather [hbm4b:s9+s3], $0x80, v4, vm0, $0xb8;
	[tilespmem:$0x1A400] =	vst v63  }
0x2bb: {  	_ =	swait.ge [sflag:s31], $0x4000  }
0x2bc: {  	[sflag:s31] =	ssyncset.done $0x0  }
0x2bd: {  	s6 =	rddreg [dreg:$0xe];
	[sflag:s31] =	ssyncadd.s32 $0xFFFFC000  }
0x2be: {  	[hbm4b:s6+s3] =	stream.linear.scatter [tilespmem:s11], [sflag:$0x7], $0x4000, $0x38;
	[tilespmem:$0x1A400] =	vst v63  }
0x2bf: {  	s6 =	simm.s32 $0xC  }
0x2c0: {  	_ =	swait.ge [sflag:s6], $0x4000  }
0x2c1: {  	[sflag:s6] =	ssyncset.done $0x0  }
0x2c2: {  	[sflag:s6] =	ssyncadd.s32 $0xFFFFC000  }
0x2c3: {  	v4 =	vld [tilespmem:$0x160];
	_ =	sdelay $0x4  }
0x2c4: {  	v5 =	vshll.u32 v4, $0x2  }
0x2c5: {  	v4 =	vand.u32 $0x7, v4;
	v5 =	vand.u32 $0xFFFFFFE0, v5  }
0x2c6: {  	v4 =	vor.u32 v4, v5  }
0x2c7: {  	v5 =	vperm.xlane v4, v1;
	_ =	sdelay $0x1  }
0x2c8: {  	v5 =	vadd.s32 v2, v5;
	_ =	sdelay $0x1  }
0x2c9: {  	v4 =	vperm.xlane v4, v3;
	_ =	sdelay $0x1  }
0x2ca: {  	v4 =	vadd.s32 v2, v4  }
0x2cb: {  	[tilespmem:s29], [sflag:$0x6] =	stream.indirect_vreg.gather [hbm4b:s2+s3], $0x80, v5, vm0, $0xb8;
	[tilespmem:$0x1A400] =	vst v63  }
0x2cc: {  	s14 =	simm.s32 $0x16C00  }
0x2cd: {  	[tilespmem:s14], [sflag:$0x6] =	stream.indirect_vreg.gather [hbm4b:s9+s3], $0x80, v5, vm0, $0xb8;
	[tilespmem:$0x1A400] =	vst v63  }
0x2ce: {  	s17 =	simm.s32 $0x17400  }
0x2cf: {  	[tilespmem:s17], [sflag:$0x6] =	stream.indirect_vreg.gather [hbm4b:s2+s3], $0x80, v4, vm0, $0xb8;
	[tilespmem:$0x1A400] =	vst v63  }
0x2d0: {  	s18 =	simm.s32 $0x17C00  }
0x2d1: {  	[tilespmem:s18], [sflag:$0x6] =	stream.indirect_vreg.gather [hbm4b:s9+s3], $0x80, v4, vm0, $0xb8;
	[tilespmem:$0x1A400] =	vst v63  }
0x2d2: {  	v4 =	vld [tilespmem:$0x170];
	_ =	sdelay $0x4  }
0x2d3: {  	v5 =	vshll.u32 v4, $0x2  }
0x2d4: {  	v4 =	vand.u32 $0x7, v4;
	v5 =	vand.u32 $0xFFFFFFE0, v5  }
0x2d5: {  	v4 =	vor.u32 v4, v5  }
0x2d6: {  	v5 =	vperm.xlane v4, v1;
	_ =	sdelay $0x1  }
0x2d7: {  	v5 =	vadd.s32 v2, v5;
	_ =	sdelay $0x1  }
0x2d8: {  	v4 =	vperm.xlane v4, v3;
	_ =	sdelay $0x1  }
0x2d9: {  	s18 =	simm.s32 $0x18400;
	v4 =	vadd.s32 v2, v4  }
0x2da: {  	[tilespmem:s18], [sflag:$0x6] =	stream.indirect_vreg.gather [hbm4b:s2+s3], $0x80, v5, vm0, $0xb8;
	[tilespmem:$0x1A400] =	vst v63  }
0x2db: {  	s10 =	simm.s32 $0x18C00  }
0x2dc: {  	[tilespmem:s10], [sflag:$0x6] =	stream.indirect_vreg.gather [hbm4b:s9+s3], $0x80, v5, vm0, $0xb8;
	[tilespmem:$0x1A400] =	vst v63  }
0x2dd: {  	s10 =	simm.s32 $0x19400  }
0x2de: {  	[tilespmem:s10], [sflag:$0x6] =	stream.indirect_vreg.gather [hbm4b:s2+s3], $0x80, v4, vm0, $0xb8;
	[tilespmem:$0x1A400] =	vst v63  }
0x2df: {  	s10 =	simm.s32 $0x19C00  }
0x2e0: {  	[tilespmem:s10], [sflag:$0x6] =	stream.indirect_vreg.gather [hbm4b:s9+s3], $0x80, v4, vm0, $0xb8;
	[tilespmem:$0x1A400] =	vst v63  }
0x2e1: {  	_ =	swait.ge [sflag:s7], $0x4000  }
0x2e2: {  	[sflag:s7] =	ssyncset.done $0x0  }
0x2e3: {  	s10 =	rddreg [dreg:$0xf];
	[sflag:s7] =	ssyncadd.s32 $0xFFFFC000  }
0x2e4: {  	[hbm4b:s10+s3] =	stream.linear.scatter [tilespmem:s8], [sflag:$0x8], $0x4000, $0x38;
	[tilespmem:$0x1A400] =	vst v63  }
0x2e5: {  	_ =	swait.ge [sflag:s5], $0x4000  }
0x2e6: {  	[sflag:s5] =	ssyncset.done $0x0  }
0x2e7: {  	[sflag:s5] =	ssyncadd.s32 $0xFFFFC000  }
0x2e8: {  	v4 =	vld [tilespmem:$0x180];
	_ =	sdelay $0x4  }
0x2e9: {  	v5 =	vshll.u32 v4, $0x2  }
0x2ea: {  	v4 =	vand.u32 $0x7, v4;
	v5 =	vand.u32 $0xFFFFFFE0, v5  }
0x2eb: {  	v4 =	vor.u32 v4, v5  }
0x2ec: {  	v5 =	vperm.xlane v4, v1;
	_ =	sdelay $0x1  }
0x2ed: {  	v5 =	vadd.s32 v2, v5;
	_ =	sdelay $0x1  }
0x2ee: {  	v4 =	vperm.xlane v4, v3;
	_ =	sdelay $0x1  }
0x2ef: {  	v4 =	vadd.s32 v2, v4  }
0x2f0: {  	[tilespmem:s11], [sflag:$0x1] =	stream.indirect_vreg.gather [hbm4b:s2+s3], $0x80, v5, vm0, $0xb8;
	[tilespmem:$0x1A400] =	vst v63  }
0x2f1: {  	s10 =	simm.s32 $0x2C00  }
0x2f2: {  	[tilespmem:s10], [sflag:$0x1] =	stream.indirect_vreg.gather [hbm4b:s9+s3], $0x80, v5, vm0, $0xb8;
	[tilespmem:$0x1A400] =	vst v63  }
0x2f3: {  	s10 =	simm.s32 $0x3400  }
0x2f4: {  	[tilespmem:s10], [sflag:$0x1] =	stream.indirect_vreg.gather [hbm4b:s2+s3], $0x80, v4, vm0, $0xb8;
	[tilespmem:$0x1A400] =	vst v63  }
0x2f5: {  	s10 =	simm.s32 $0x3C00  }
0x2f6: {  	[tilespmem:s10], [sflag:$0x1] =	stream.indirect_vreg.gather [hbm4b:s9+s3], $0x80, v4, vm0, $0xb8;
	[tilespmem:$0x1A400] =	vst v63  }
0x2f7: {  	v4 =	vld [tilespmem:$0x190];
	_ =	sdelay $0x4  }
0x2f8: {  	v5 =	vshll.u32 v4, $0x2  }
0x2f9: {  	v4 =	vand.u32 $0x7, v4;
	v5 =	vand.u32 $0xFFFFFFE0, v5  }
0x2fa: {  	v4 =	vor.u32 v4, v5  }
0x2fb: {  	v5 =	vperm.xlane v4, v1;
	_ =	sdelay $0x1  }
0x2fc: {  	v5 =	vadd.s32 v2, v5;
	_ =	sdelay $0x1  }
0x2fd: {  	v4 =	vperm.xlane v4, v3;
	_ =	sdelay $0x1  }
0x2fe: {  	s10 =	simm.s32 $0x4400;
	v4 =	vadd.s32 v2, v4  }
0x2ff: {  	[tilespmem:s10], [sflag:$0x1] =	stream.indirect_vreg.gather [hbm4b:s2+s3], $0x80, v5, vm0, $0xb8;
	[tilespmem:$0x1A400] =	vst v63  }
0x300: {  	s10 =	simm.s32 $0x4C00  }
0x301: {  	[tilespmem:s10], [sflag:$0x1] =	stream.indirect_vreg.gather [hbm4b:s9+s3], $0x80, v5, vm0, $0xb8;
	[tilespmem:$0x1A400] =	vst v63  }
0x302: {  	s25 =	simm.s32 $0x5400  }
0x303: {  	[tilespmem:s25], [sflag:$0x1] =	stream.indirect_vreg.gather [hbm4b:s2+s3], $0x80, v4, vm0, $0xb8;
	[tilespmem:$0x1A400] =	vst v63  }
0x304: {  	s25 =	simm.s32 $0x5C00  }
0x305: {  	[tilespmem:s25], [sflag:$0x1] =	stream.indirect_vreg.gather [hbm4b:s9+s3], $0x80, v4, vm0, $0xb8;
	[tilespmem:$0x1A400] =	vst v63  }
0x306: {  	_ =	swait.ge [sflag:s24], $0x4000  }
0x307: {  	[sflag:s24] =	ssyncset.done $0x0  }
0x308: {  	s10 =	rddreg [dreg:$0x10];
	[sflag:s24] =	ssyncadd.s32 $0xFFFFC000  }
0x309: {  	[hbm4b:s10+s3] =	stream.linear.scatter [tilespmem:s19], [sflag:$0x9], $0x4000, $0x38;
	[tilespmem:$0x1A400] =	vst v63  }
0x30a: {  	_ =	swait.ge [sflag:s23], $0x4000  }
0x30b: {  	[sflag:s23] =	ssyncset.done $0x0  }
0x30c: {  	[sflag:s23] =	ssyncadd.s32 $0xFFFFC000  }
0x30d: {  	v4 =	vld [tilespmem:$0x1A0];
	_ =	sdelay $0x4  }
0x30e: {  	v5 =	vshll.u32 v4, $0x2  }
0x30f: {  	v4 =	vand.u32 $0x7, v4;
	v5 =	vand.u32 $0xFFFFFFE0, v5  }
0x310: {  	v4 =	vor.u32 v4, v5  }
0x311: {  	v5 =	vperm.xlane v4, v1;
	_ =	sdelay $0x1  }
0x312: {  	v5 =	vadd.s32 v2, v5;
	_ =	sdelay $0x1  }
0x313: {  	v4 =	vperm.xlane v4, v3;
	_ =	sdelay $0x1  }
0x314: {  	v4 =	vadd.s32 v2, v4  }
0x315: {  	[tilespmem:s8], [sflag:$0x2] =	stream.indirect_vreg.gather [hbm4b:s2+s3], $0x80, v5, vm0, $0xb8;
	[tilespmem:$0x1A400] =	vst v63  }
0x316: {  	s15 =	simm.s32 $0x6C00  }
0x317: {  	[tilespmem:s15], [sflag:$0x2] =	stream.indirect_vreg.gather [hbm4b:s9+s3], $0x80, v5, vm0, $0xb8;
	[tilespmem:$0x1A400] =	vst v63  }
0x318: {  	s16 =	simm.s32 $0x7400  }
0x319: {  	[tilespmem:s16], [sflag:$0x2] =	stream.indirect_vreg.gather [hbm4b:s2+s3], $0x80, v4, vm0, $0xb8;
	[tilespmem:$0x1A400] =	vst v63  }
0x31a: {  	s20 =	simm.s32 $0x7C00  }
0x31b: {  	[tilespmem:s20], [sflag:$0x2] =	stream.indirect_vreg.gather [hbm4b:s9+s3], $0x80, v4, vm0, $0xb8;
	[tilespmem:$0x1A400] =	vst v63  }
0x31c: {  	v4 =	vld [tilespmem:$0x1B0];
	_ =	sdelay $0x4  }
0x31d: {  	v5 =	vshll.u32 v4, $0x2  }
0x31e: {  	v4 =	vand.u32 $0x7, v4;
	v5 =	vand.u32 $0xFFFFFFE0, v5  }
0x31f: {  	v4 =	vor.u32 v4, v5  }
0x320: {  	v5 =	vperm.xlane v4, v1;
	_ =	sdelay $0x1  }
0x321: {  	v5 =	vadd.s32 v2, v5;
	_ =	sdelay $0x1  }
0x322: {  	v4 =	vperm.xlane v4, v3;
	_ =	sdelay $0x1  }
0x323: {  	s13 =	simm.s32 $0x8400;
	v4 =	vadd.s32 v2, v4  }
0x324: {  	[tilespmem:s13], [sflag:$0x2] =	stream.indirect_vreg.gather [hbm4b:s2+s3], $0x80, v5, vm0, $0xb8;
	[tilespmem:$0x1A400] =	vst v63  }
0x325: {  	s13 =	simm.s32 $0x8C00  }
0x326: {  	[tilespmem:s13], [sflag:$0x2] =	stream.indirect_vreg.gather [hbm4b:s9+s3], $0x80, v5, vm0, $0xb8;
	[tilespmem:$0x1A400] =	vst v63  }
0x327: {  	s13 =	simm.s32 $0x9400  }
0x328: {  	[tilespmem:s13], [sflag:$0x2] =	stream.indirect_vreg.gather [hbm4b:s2+s3], $0x80, v4, vm0, $0xb8;
	[tilespmem:$0x1A400] =	vst v63  }
0x329: {  	s13 =	simm.s32 $0x9C00  }
0x32a: {  	[tilespmem:s13], [sflag:$0x2] =	stream.indirect_vreg.gather [hbm4b:s9+s3], $0x80, v4, vm0, $0xb8;
	[tilespmem:$0x1A400] =	vst v63  }
0x32b: {  	_ =	swait.ge [sflag:s22], $0x4000  }
0x32c: {  	[sflag:s22] =	ssyncset.done $0x0  }
0x32d: {  	s10 =	rddreg [dreg:$0x11];
	[sflag:s22] =	ssyncadd.s32 $0xFFFFC000  }
0x32e: {  	[hbm4b:s10+s3] =	stream.linear.scatter [tilespmem:s26], [sflag:$0xA], $0x4000, $0x38;
	[tilespmem:$0x1A400] =	vst v63  }
0x32f: {  	_ =	swait.ge [sflag:s30], $0x4000  }
0x330: {  	[sflag:s30] =	ssyncset.done $0x0  }
0x331: {  	[sflag:s30] =	ssyncadd.s32 $0xFFFFC000  }
0x332: {  	v4 =	vld [tilespmem:$0x1C0];
	_ =	sdelay $0x4  }
0x333: {  	v5 =	vshll.u32 v4, $0x2  }
0x334: {  	v4 =	vand.u32 $0x7, v4;
	v5 =	vand.u32 $0xFFFFFFE0, v5  }
0x335: {  	v4 =	vor.u32 v4, v5  }
0x336: {  	v5 =	vperm.xlane v4, v1;
	_ =	sdelay $0x1  }
0x337: {  	v5 =	vadd.s32 v2, v5;
	_ =	sdelay $0x1  }
0x338: {  	v4 =	vperm.xlane v4, v3;
	_ =	sdelay $0x1  }
0x339: {  	v4 =	vadd.s32 v2, v4  }
0x33a: {  	[tilespmem:s19], [sflag:$0x3] =	stream.indirect_vreg.gather [hbm4b:s2+s3], $0x80, v5, vm0, $0xb8;
	[tilespmem:$0x1A400] =	vst v63  }
0x33b: {  	s10 =	simm.s32 $0xAC00  }
0x33c: {  	[tilespmem:s10], [sflag:$0x3] =	stream.indirect_vreg.gather [hbm4b:s9+s3], $0x80, v5, vm0, $0xb8;
	[tilespmem:$0x1A400] =	vst v63  }
0x33d: {  	s10 =	simm.s32 $0xB400  }
0x33e: {  	[tilespmem:s10], [sflag:$0x3] =	stream.indirect_vreg.gather [hbm4b:s2+s3], $0x80, v4, vm0, $0xb8;
	[tilespmem:$0x1A400] =	vst v63  }
0x33f: {  	s10 =	simm.s32 $0xBC00  }
0x340: {  	[tilespmem:s10], [sflag:$0x3] =	stream.indirect_vreg.gather [hbm4b:s9+s3], $0x80, v4, vm0, $0xb8;
	[tilespmem:$0x1A400] =	vst v63  }
0x341: {  	v4 =	vld [tilespmem:$0x1D0];
	_ =	sdelay $0x4  }
0x342: {  	v5 =	vshll.u32 v4, $0x2  }
0x343: {  	v4 =	vand.u32 $0x7, v4;
	v5 =	vand.u32 $0xFFFFFFE0, v5  }
0x344: {  	v4 =	vor.u32 v4, v5  }
0x345: {  	v5 =	vperm.xlane v4, v1;
	_ =	sdelay $0x1  }
0x346: {  	v5 =	vadd.s32 v2, v5;
	_ =	sdelay $0x1  }
0x347: {  	v4 =	vperm.xlane v4, v3;
	_ =	sdelay $0x1  }
0x348: {  	s10 =	simm.s32 $0xC400;
	v4 =	vadd.s32 v2, v4  }
0x349: {  	[tilespmem:s10], [sflag:$0x3] =	stream.indirect_vreg.gather [hbm4b:s2+s3], $0x80, v5, vm0, $0xb8;
	[tilespmem:$0x1A400] =	vst v63  }
0x34a: {  	s10 =	simm.s32 $0xCC00  }
0x34b: {  	[tilespmem:s10], [sflag:$0x3] =	stream.indirect_vreg.gather [hbm4b:s9+s3], $0x80, v5, vm0, $0xb8;
	[tilespmem:$0x1A400] =	vst v63  }
0x34c: {  	s10 =	simm.s32 $0xD400  }
0x34d: {  	[tilespmem:s10], [sflag:$0x3] =	stream.indirect_vreg.gather [hbm4b:s2+s3], $0x80, v4, vm0, $0xb8;
	[tilespmem:$0x1A400] =	vst v63  }
0x34e: {  	s10 =	simm.s32 $0xDC00  }
0x34f: {  	[tilespmem:s10], [sflag:$0x3] =	stream.indirect_vreg.gather [hbm4b:s9+s3], $0x80, v4, vm0, $0xb8;
	[tilespmem:$0x1A400] =	vst v63  }
0x350: {  	_ =	swait.ge [sflag:s21], $0x4000  }
0x351: {  	[sflag:s21] =	ssyncset.done $0x0  }
0x352: {  	s10 =	rddreg [dreg:$0x1a];
	[sflag:s21] =	ssyncadd.s32 $0xFFFFC000  }
0x353: {  	[hbm4b:s10+s3] =	stream.linear.scatter [tilespmem:s28], [sflag:$0xB], $0x4000, $0x38;
	[tilespmem:$0x1A400] =	vst v63  }
0x354: {  	_ =	swait.ge [sflag:s1], $0x4000  }
0x355: {  	[sflag:s1] =	ssyncset.done $0x0  }
0x356: {  	[sflag:s1] =	ssyncadd.s32 $0xFFFFC000  }
0x357: {  	v4 =	vld [tilespmem:$0x1E0];
	_ =	sdelay $0x4  }
0x358: {  	v5 =	vshll.u32 v4, $0x2  }
0x359: {  	v4 =	vand.u32 $0x7, v4;
	v5 =	vand.u32 $0xFFFFFFE0, v5  }
0x35a: {  	v4 =	vor.u32 v4, v5  }
0x35b: {  	v5 =	vperm.xlane v4, v1;
	_ =	sdelay $0x1  }
0x35c: {  	v5 =	vadd.s32 v2, v5;
	_ =	sdelay $0x1  }
0x35d: {  	v4 =	vperm.xlane v4, v3;
	_ =	sdelay $0x1  }
0x35e: {  	v4 =	vadd.s32 v2, v4  }
0x35f: {  	[tilespmem:s26], [sflag:$0x4] =	stream.indirect_vreg.gather [hbm4b:s2+s3], $0x80, v5, vm0, $0xb8;
	[tilespmem:$0x1A400] =	vst v63  }
0x360: {  	s10 =	simm.s32 $0xEC00  }
0x361: {  	[tilespmem:s10], [sflag:$0x4] =	stream.indirect_vreg.gather [hbm4b:s9+s3], $0x80, v5, vm0, $0xb8;
	[tilespmem:$0x1A400] =	vst v63  }
0x362: {  	s10 =	simm.s32 $0xF400  }
0x363: {  	[tilespmem:s10], [sflag:$0x4] =	stream.indirect_vreg.gather [hbm4b:s2+s3], $0x80, v4, vm0, $0xb8;
	[tilespmem:$0x1A400] =	vst v63  }
0x364: {  	s10 =	simm.s32 $0xFC00  }
0x365: {  	[tilespmem:s10], [sflag:$0x4] =	stream.indirect_vreg.gather [hbm4b:s9+s3], $0x80, v4, vm0, $0xb8;
	[tilespmem:$0x1A400] =	vst v63  }
0x366: {  	v4 =	vld [tilespmem:$0x1F0];
	_ =	sdelay $0x4  }
0x367: {  	v5 =	vshll.u32 v4, $0x2  }
0x368: {  	v4 =	vand.u32 $0x7, v4;
	v5 =	vand.u32 $0xFFFFFFE0, v5  }
0x369: {  	v4 =	vor.u32 v4, v5  }
0x36a: {  	v5 =	vperm.xlane v4, v1;
	_ =	sdelay $0x1  }
0x36b: {  	v5 =	vadd.s32 v2, v5;
	_ =	sdelay $0x1  }
0x36c: {  	v4 =	vperm.xlane v4, v3;
	_ =	sdelay $0x1  }
0x36d: {  	s10 =	simm.s32 $0x10400;
	v4 =	vadd.s32 v2, v4  }
0x36e: {  	[tilespmem:s10], [sflag:$0x4] =	stream.indirect_vreg.gather [hbm4b:s2+s3], $0x80, v5, vm0, $0xb8;
	[tilespmem:$0x1A400] =	vst v63  }
0x36f: {  	s10 =	simm.s32 $0x10C00  }
0x370: {  	[tilespmem:s10], [sflag:$0x4] =	stream.indirect_vreg.gather [hbm4b:s9+s3], $0x80, v5, vm0, $0xb8;
	[tilespmem:$0x1A400] =	vst v63  }
0x371: {  	s10 =	simm.s32 $0x11400  }
0x372: {  	[tilespmem:s10], [sflag:$0x4] =	stream.indirect_vreg.gather [hbm4b:s2+s3], $0x80, v4, vm0, $0xb8;
	[tilespmem:$0x1A400] =	vst v63  }
0x373: {  	s10 =	simm.s32 $0x11C00  }
0x374: {  	[tilespmem:s10], [sflag:$0x4] =	stream.indirect_vreg.gather [hbm4b:s9+s3], $0x80, v4, vm0, $0xb8;
	[tilespmem:$0x1A400] =	vst v63  }
0x375: {  	_ =	swait.ge [sflag:s0], $0x4000  }
0x376: {  	[sflag:s0] =	ssyncset.done $0x0  }
0x377: {  	s10 =	rddreg [dreg:$0x1b];
	[sflag:s0] =	ssyncadd.s32 $0xFFFFC000  }
0x378: {  	[hbm4b:s10+s3] =	stream.linear.scatter [tilespmem:s29], [sflag:$0xC], $0x4000, $0x38;
	[tilespmem:$0x1A400] =	vst v63  }
0x379: {  	_ =	swait.ge [sflag:s4], $0x4000  }
0x37a: {  	[sflag:s4] =	ssyncset.done $0x0  }
0x37b: {  	[sflag:s4] =	ssyncadd.s32 $0xFFFFC000  }
0x37c: {  	v4 =	vld [tilespmem:$0x200];
	_ =	sdelay $0x4  }
0x37d: {  	v5 =	vshll.u32 v4, $0x2  }
0x37e: {  	v4 =	vand.u32 $0x7, v4;
	v5 =	vand.u32 $0xFFFFFFE0, v5  }
0x37f: {  	v4 =	vor.u32 v4, v5  }
0x380: {  	v5 =	vperm.xlane v4, v1;
	_ =	sdelay $0x1  }
0x381: {  	v5 =	vadd.s32 v2, v5;
	_ =	sdelay $0x1  }
0x382: {  	v4 =	vperm.xlane v4, v3;
	_ =	sdelay $0x1  }
0x383: {  	v4 =	vadd.s32 v2, v4  }
0x384: {  	[tilespmem:s28], [sflag:$0x5] =	stream.indirect_vreg.gather [hbm4b:s2+s3], $0x80, v5, vm0, $0xb8;
	[tilespmem:$0x1A400] =	vst v63  }
0x385: {  	s10 =	simm.s32 $0x12C00  }
0x386: {  	[tilespmem:s10], [sflag:$0x5] =	stream.indirect_vreg.gather [hbm4b:s9+s3], $0x80, v5, vm0, $0xb8;
	[tilespmem:$0x1A400] =	vst v63  }
0x387: {  	s10 =	simm.s32 $0x13400  }
0x388: {  	[tilespmem:s10], [sflag:$0x5] =	stream.indirect_vreg.gather [hbm4b:s2+s3], $0x80, v4, vm0, $0xb8;
	[tilespmem:$0x1A400] =	vst v63  }
0x389: {  	s10 =	simm.s32 $0x13C00  }
0x38a: {  	[tilespmem:s10], [sflag:$0x5] =	stream.indirect_vreg.gather [hbm4b:s9+s3], $0x80, v4, vm0, $0xb8;
	[tilespmem:$0x1A400] =	vst v63  }
0x38b: {  	v4 =	vld [tilespmem:$0x210];
	_ =	sdelay $0x4  }
0x38c: {  	v5 =	vshll.u32 v4, $0x2  }
0x38d: {  	v4 =	vand.u32 $0x7, v4;
	v5 =	vand.u32 $0xFFFFFFE0, v5  }
0x38e: {  	v4 =	vor.u32 v4, v5  }
0x38f: {  	v5 =	vperm.xlane v4, v1;
	_ =	sdelay $0x1  }
0x390: {  	v5 =	vadd.s32 v2, v5;
	_ =	sdelay $0x1  }
0x391: {  	v4 =	vperm.xlane v4, v3;
	_ =	sdelay $0x1  }
0x392: {  	s10 =	simm.s32 $0x14400;
	v4 =	vadd.s32 v2, v4  }
0x393: {  	[tilespmem:s10], [sflag:$0x5] =	stream.indirect_vreg.gather [hbm4b:s2+s3], $0x80, v5, vm0, $0xb8;
	[tilespmem:$0x1A400] =	vst v63  }
0x394: {  	s10 =	simm.s32 $0x14C00  }
0x395: {  	[tilespmem:s10], [sflag:$0x5] =	stream.indirect_vreg.gather [hbm4b:s9+s3], $0x80, v5, vm0, $0xb8;
	[tilespmem:$0x1A400] =	vst v63  }
0x396: {  	s10 =	simm.s32 $0x15400  }
0x397: {  	[tilespmem:s10], [sflag:$0x5] =	stream.indirect_vreg.gather [hbm4b:s2+s3], $0x80, v4, vm0, $0xb8;
	[tilespmem:$0x1A400] =	vst v63  }
0x398: {  	s10 =	simm.s32 $0x15C00  }
0x399: {  	[tilespmem:s10], [sflag:$0x5] =	stream.indirect_vreg.gather [hbm4b:s9+s3], $0x80, v4, vm0, $0xb8;
	[tilespmem:$0x1A400] =	vst v63  }
0x39a: {  	_ =	swait.ge [sflag:s31], $0x4000  }
0x39b: {  	[sflag:s31] =	ssyncset.done $0x0  }
0x39c: {  	s10 =	rddreg [dreg:$0x1c];
	[sflag:s31] =	ssyncadd.s32 $0xFFFFC000  }
0x39d: {  	[hbm4b:s10+s3] =	stream.linear.scatter [tilespmem:s11], [sflag:$0x7], $0x4000, $0x38;
	[tilespmem:$0x1A400] =	vst v63  }
0x39e: {  	_ =	swait.ge [sflag:s6], $0x4000  }
0x39f: {  	[sflag:s6] =	ssyncset.done $0x0  }
0x3a0: {  	[sflag:s6] =	ssyncadd.s32 $0xFFFFC000  }
0x3a1: {  	v4 =	vld [tilespmem:$0x220];
	_ =	sdelay $0x4  }
0x3a2: {  	v5 =	vshll.u32 v4, $0x2  }
0x3a3: {  	v4 =	vand.u32 $0x7, v4;
	v5 =	vand.u32 $0xFFFFFFE0, v5  }
0x3a4: {  	v4 =	vor.u32 v4, v5  }
0x3a5: {  	v5 =	vperm.xlane v4, v1;
	_ =	sdelay $0x1  }
0x3a6: {  	v5 =	vadd.s32 v2, v5;
	_ =	sdelay $0x1  }
0x3a7: {  	v4 =	vperm.xlane v4, v3;
	_ =	sdelay $0x1  }
0x3a8: {  	v4 =	vadd.s32 v2, v4  }
0x3a9: {  	[tilespmem:s29], [sflag:$0x6] =	stream.indirect_vreg.gather [hbm4b:s2+s3], $0x80, v5, vm0, $0xb8;
	[tilespmem:$0x1A400] =	vst v63  }
0x3aa: {  	s14 =	simm.s32 $0x16C00  }
0x3ab: {  	[tilespmem:s14], [sflag:$0x6] =	stream.indirect_vreg.gather [hbm4b:s9+s3], $0x80, v5, vm0, $0xb8;
	[tilespmem:$0x1A400] =	vst v63  }
0x3ac: {  	s17 =	simm.s32 $0x17400  }
0x3ad: {  	[tilespmem:s17], [sflag:$0x6] =	stream.indirect_vreg.gather [hbm4b:s2+s3], $0x80, v4, vm0, $0xb8;
	[tilespmem:$0x1A400] =	vst v63  }
0x3ae: {  	s10 =	simm.s32 $0x17C00  }
0x3af: {  	[tilespmem:s10], [sflag:$0x6] =	stream.indirect_vreg.gather [hbm4b:s9+s3], $0x80, v4, vm0, $0xb8;
	[tilespmem:$0x1A400] =	vst v63  }
0x3b0: {  	v4 =	vld [tilespmem:$0x230];
	_ =	sdelay $0x4  }
0x3b1: {  	v5 =	vshll.u32 v4, $0x2  }
0x3b2: {  	v4 =	vand.u32 $0x7, v4;
	v5 =	vand.u32 $0xFFFFFFE0, v5  }
0x3b3: {  	v4 =	vor.u32 v4, v5  }
0x3b4: {  	v5 =	vperm.xlane v4, v1;
	_ =	sdelay $0x1  }
0x3b5: {  	v5 =	vadd.s32 v2, v5;
	_ =	sdelay $0x1  }
0x3b6: {  	v4 =	vperm.xlane v4, v3;
	_ =	sdelay $0x1  }
0x3b7: {  	s18 =	simm.s32 $0x18400;
	v4 =	vadd.s32 v2, v4  }
0x3b8: {  	[tilespmem:s18], [sflag:$0x6] =	stream.indirect_vreg.gather [hbm4b:s2+s3], $0x80, v5, vm0, $0xb8;
	[tilespmem:$0x1A400] =	vst v63  }
0x3b9: {  	s10 =	simm.s32 $0x18C00  }
0x3ba: {  	[tilespmem:s10], [sflag:$0x6] =	stream.indirect_vreg.gather [hbm4b:s9+s3], $0x80, v5, vm0, $0xb8;
	[tilespmem:$0x1A400] =	vst v63  }
0x3bb: {  	s10 =	simm.s32 $0x19400  }
0x3bc: {  	[tilespmem:s10], [sflag:$0x6] =	stream.indirect_vreg.gather [hbm4b:s2+s3], $0x80, v4, vm0, $0xb8;
	[tilespmem:$0x1A400] =	vst v63  }
0x3bd: {  	s10 =	simm.s32 $0x19C00  }
0x3be: {  	[tilespmem:s10], [sflag:$0x6] =	stream.indirect_vreg.gather [hbm4b:s9+s3], $0x80, v4, vm0, $0xb8;
	[tilespmem:$0x1A400] =	vst v63  }
0x3bf: {  	_ =	swait.ge [sflag:s7], $0x4000  }
0x3c0: {  	[sflag:s7] =	ssyncset.done $0x0  }
0x3c1: {  	s10 =	rddreg [dreg:$0x1d];
	[sflag:s7] =	ssyncadd.s32 $0xFFFFC000  }
0x3c2: {  	[hbm4b:s10+s3] =	stream.linear.scatter [tilespmem:s8], [sflag:$0x8], $0x4000, $0x38;
	[tilespmem:$0x1A400] =	vst v63  }
0x3c3: {  	_ =	swait.ge [sflag:s5], $0x4000  }
0x3c4: {  	[sflag:s5] =	ssyncset.done $0x0  }
0x3c5: {  	[sflag:s5] =	ssyncadd.s32 $0xFFFFC000  }
0x3c6: {  	v4 =	vld [tilespmem:$0x240];
	_ =	sdelay $0x4  }
0x3c7: {  	v5 =	vshll.u32 v4, $0x2  }
0x3c8: {  	v4 =	vand.u32 $0x7, v4;
	v5 =	vand.u32 $0xFFFFFFE0, v5  }
0x3c9: {  	v4 =	vor.u32 v4, v5  }
0x3ca: {  	v5 =	vperm.xlane v4, v1;
	_ =	sdelay $0x1  }
0x3cb: {  	v5 =	vadd.s32 v2, v5;
	_ =	sdelay $0x1  }
0x3cc: {  	v4 =	vperm.xlane v4, v3;
	_ =	sdelay $0x1  }
0x3cd: {  	v4 =	vadd.s32 v2, v4  }
0x3ce: {  	[tilespmem:s11], [sflag:$0x1] =	stream.indirect_vreg.gather [hbm4b:s2+s3], $0x80, v5, vm0, $0xb8;
	[tilespmem:$0x1A400] =	vst v63  }
0x3cf: {  	s10 =	simm.s32 $0x2C00  }
0x3d0: {  	[tilespmem:s10], [sflag:$0x1] =	stream.indirect_vreg.gather [hbm4b:s9+s3], $0x80, v5, vm0, $0xb8;
	[tilespmem:$0x1A400] =	vst v63  }
0x3d1: {  	s10 =	simm.s32 $0x3400  }
0x3d2: {  	[tilespmem:s10], [sflag:$0x1] =	stream.indirect_vreg.gather [hbm4b:s2+s3], $0x80, v4, vm0, $0xb8;
	[tilespmem:$0x1A400] =	vst v63  }
0x3d3: {  	s10 =	simm.s32 $0x3C00  }
0x3d4: {  	[tilespmem:s10], [sflag:$0x1] =	stream.indirect_vreg.gather [hbm4b:s9+s3], $0x80, v4, vm0, $0xb8;
	[tilespmem:$0x1A400] =	vst v63  }
0x3d5: {  	v4 =	vld [tilespmem:$0x250];
	_ =	sdelay $0x4  }
0x3d6: {  	v5 =	vshll.u32 v4, $0x2  }
0x3d7: {  	v4 =	vand.u32 $0x7, v4;
	v5 =	vand.u32 $0xFFFFFFE0, v5  }
0x3d8: {  	v4 =	vor.u32 v4, v5  }
0x3d9: {  	v5 =	vperm.xlane v4, v1;
	_ =	sdelay $0x1  }
0x3da: {  	v5 =	vadd.s32 v2, v5;
	_ =	sdelay $0x1  }
0x3db: {  	v4 =	vperm.xlane v4, v3;
	_ =	sdelay $0x1  }
0x3dc: {  	s10 =	simm.s32 $0x4400;
	v4 =	vadd.s32 v2, v4  }
0x3dd: {  	[tilespmem:s10], [sflag:$0x1] =	stream.indirect_vreg.gather [hbm4b:s2+s3], $0x80, v5, vm0, $0xb8;
	[tilespmem:$0x1A400] =	vst v63  }
0x3de: {  	s10 =	simm.s32 $0x4C00  }
0x3df: {  	[tilespmem:s10], [sflag:$0x1] =	stream.indirect_vreg.gather [hbm4b:s9+s3], $0x80, v5, vm0, $0xb8;
	[tilespmem:$0x1A400] =	vst v63  }
0x3e0: {  	s10 =	simm.s32 $0x5400  }
0x3e1: {  	[tilespmem:s10], [sflag:$0x1] =	stream.indirect_vreg.gather [hbm4b:s2+s3], $0x80, v4, vm0, $0xb8;
	[tilespmem:$0x1A400] =	vst v63  }
0x3e2: {  	s25 =	simm.s32 $0x5C00  }
0x3e3: {  	[tilespmem:s25], [sflag:$0x1] =	stream.indirect_vreg.gather [hbm4b:s9+s3], $0x80, v4, vm0, $0xb8;
	[tilespmem:$0x1A400] =	vst v63  }
0x3e4: {  	_ =	swait.ge [sflag:s24], $0x4000  }
0x3e5: {  	[sflag:s24] =	ssyncset.done $0x0  }
0x3e6: {  	s25 =	rddreg [dreg:$0x1e];
	[sflag:s24] =	ssyncadd.s32 $0xFFFFC000  }
0x3e7: {  	[hbm4b:s25+s3] =	stream.linear.scatter [tilespmem:s19], [sflag:$0x9], $0x4000, $0x38;
	[tilespmem:$0x1A400] =	vst v63  }
0x3e8: {  	_ =	swait.ge [sflag:s23], $0x4000  }
0x3e9: {  	[sflag:s23] =	ssyncset.done $0x0  }
0x3ea: {  	[sflag:s23] =	ssyncadd.s32 $0xFFFFC000  }
0x3eb: {  	v4 =	vld [tilespmem:$0x260];
	_ =	sdelay $0x4  }
0x3ec: {  	v5 =	vshll.u32 v4, $0x2  }
0x3ed: {  	v4 =	vand.u32 $0x7, v4;
	v5 =	vand.u32 $0xFFFFFFE0, v5  }
0x3ee: {  	v4 =	vor.u32 v4, v5  }
0x3ef: {  	v5 =	vperm.xlane v4, v1;
	_ =	sdelay $0x1  }
0x3f0: {  	v5 =	vadd.s32 v2, v5;
	_ =	sdelay $0x1  }
0x3f1: {  	v4 =	vperm.xlane v4, v3;
	_ =	sdelay $0x1  }
0x3f2: {  	v4 =	vadd.s32 v2, v4  }
0x3f3: {  	[tilespmem:s8], [sflag:$0x2] =	stream.indirect_vreg.gather [hbm4b:s2+s3], $0x80, v5, vm0, $0xb8;
	[tilespmem:$0x1A400] =	vst v63  }
0x3f4: {  	s15 =	simm.s32 $0x6C00  }
0x3f5: {  	[tilespmem:s15], [sflag:$0x2] =	stream.indirect_vreg.gather [hbm4b:s9+s3], $0x80, v5, vm0, $0xb8;
	[tilespmem:$0x1A400] =	vst v63  }
0x3f6: {  	s16 =	simm.s32 $0x7400  }
0x3f7: {  	[tilespmem:s16], [sflag:$0x2] =	stream.indirect_vreg.gather [hbm4b:s2+s3], $0x80, v4, vm0, $0xb8;
	[tilespmem:$0x1A400] =	vst v63  }
0x3f8: {  	s25 =	simm.s32 $0x7C00  }
0x3f9: {  	[tilespmem:s25], [sflag:$0x2] =	stream.indirect_vreg.gather [hbm4b:s9+s3], $0x80, v4, vm0, $0xb8;
	[tilespmem:$0x1A400] =	vst v63  }
0x3fa: {  	v4 =	vld [tilespmem:$0x270];
	_ =	sdelay $0x4  }
0x3fb: {  	v5 =	vshll.u32 v4, $0x2  }
0x3fc: {  	v4 =	vand.u32 $0x7, v4;
	v5 =	vand.u32 $0xFFFFFFE0, v5  }
0x3fd: {  	v4 =	vor.u32 v4, v5  }
0x3fe: {  	v5 =	vperm.xlane v4, v1;
	_ =	sdelay $0x1  }
0x3ff: {  	v5 =	vadd.s32 v2, v5;
	_ =	sdelay $0x1  }
0x400: {  	v4 =	vperm.xlane v4, v3;
	_ =	sdelay $0x1  }
0x401: {  	s20 =	simm.s32 $0x8400;
	v4 =	vadd.s32 v2, v4  }
0x402: {  	[tilespmem:s20], [sflag:$0x2] =	stream.indirect_vreg.gather [hbm4b:s2+s3], $0x80, v5, vm0, $0xb8;
	[tilespmem:$0x1A400] =	vst v63  }
0x403: {  	s15 =	simm.s32 $0x8C00  }
0x404: {  	[tilespmem:s15], [sflag:$0x2] =	stream.indirect_vreg.gather [hbm4b:s9+s3], $0x80, v5, vm0, $0xb8;
	[tilespmem:$0x1A400] =	vst v63  }
0x405: {  	s16 =	simm.s32 $0x9400  }
0x406: {  	[tilespmem:s16], [sflag:$0x2] =	stream.indirect_vreg.gather [hbm4b:s2+s3], $0x80, v4, vm0, $0xb8;
	[tilespmem:$0x1A400] =	vst v63  }
0x407: {  	s13 =	simm.s32 $0x9C00  }
0x408: {  	[tilespmem:s13], [sflag:$0x2] =	stream.indirect_vreg.gather [hbm4b:s9+s3], $0x80, v4, vm0, $0xb8;
	[tilespmem:$0x1A400] =	vst v63  }
0x409: {  	_ =	swait.ge [sflag:s22], $0x4000  }
0x40a: {  	[sflag:s22] =	ssyncset.done $0x0  }
0x40b: {  	s20 =	rddreg [dreg:$0x1f];
	[sflag:s22] =	ssyncadd.s32 $0xFFFFC000  }
0x40c: {  	[hbm4b:s20+s3] =	stream.linear.scatter [tilespmem:s26], [sflag:$0xA], $0x4000, $0x38;
	[tilespmem:$0x1A400] =	vst v63  }
0x40d: {  	_ =	swait.ge [sflag:s30], $0x4000  }
0x40e: {  	[sflag:s30] =	ssyncset.done $0x0  }
0x40f: {  	[sflag:s30] =	ssyncadd.s32 $0xFFFFC000  }
0x410: {  	v4 =	vld [tilespmem:$0x280];
	_ =	sdelay $0x4  }
0x411: {  	v5 =	vshll.u32 v4, $0x2  }
0x412: {  	v4 =	vand.u32 $0x7, v4;
	v5 =	vand.u32 $0xFFFFFFE0, v5  }
0x413: {  	v4 =	vor.u32 v4, v5  }
0x414: {  	v5 =	vperm.xlane v4, v1;
	_ =	sdelay $0x1  }
0x415: {  	v5 =	vadd.s32 v2, v5;
	_ =	sdelay $0x1  }
0x416: {  	v4 =	vperm.xlane v4, v3;
	_ =	sdelay $0x1  }
0x417: {  	v4 =	vadd.s32 v2, v4  }
0x418: {  	[tilespmem:s19], [sflag:$0x3] =	stream.indirect_vreg.gather [hbm4b:s2+s3], $0x80, v5, vm0, $0xb8;
	[tilespmem:$0x1A400] =	vst v63  }
0x419: {  	s13 =	simm.s32 $0xAC00  }
0x41a: {  	[tilespmem:s13], [sflag:$0x3] =	stream.indirect_vreg.gather [hbm4b:s9+s3], $0x80, v5, vm0, $0xb8;
	[tilespmem:$0x1A400] =	vst v63  }
0x41b: {  	s15 =	simm.s32 $0xB400  }
0x41c: {  	[tilespmem:s15], [sflag:$0x3] =	stream.indirect_vreg.gather [hbm4b:s2+s3], $0x80, v4, vm0, $0xb8;
	[tilespmem:$0x1A400] =	vst v63  }
0x41d: {  	s16 =	simm.s32 $0xBC00  }
0x41e: {  	[tilespmem:s16], [sflag:$0x3] =	stream.indirect_vreg.gather [hbm4b:s9+s3], $0x80, v4, vm0, $0xb8;
	[tilespmem:$0x1A400] =	vst v63  }
0x41f: {  	v4 =	vld [tilespmem:$0x290];
	_ =	sdelay $0x4  }
0x420: {  	v5 =	vshll.u32 v4, $0x2  }
0x421: {  	v4 =	vand.u32 $0x7, v4;
	v5 =	vand.u32 $0xFFFFFFE0, v5  }
0x422: {  	v4 =	vor.u32 v4, v5  }
0x423: {  	v5 =	vperm.xlane v4, v1;
	_ =	sdelay $0x1  }
0x424: {  	v5 =	vadd.s32 v2, v5;
	_ =	sdelay $0x1  }
0x425: {  	v4 =	vperm.xlane v4, v3;
	_ =	sdelay $0x1  }
0x426: {  	s20 =	simm.s32 $0xC400;
	v4 =	vadd.s32 v2, v4  }
0x427: {  	[tilespmem:s20], [sflag:$0x3] =	stream.indirect_vreg.gather [hbm4b:s2+s3], $0x80, v5, vm0, $0xb8;
	[tilespmem:$0x1A400] =	vst v63  }
0x428: {  	s13 =	simm.s32 $0xCC00  }
0x429: {  	[tilespmem:s13], [sflag:$0x3] =	stream.indirect_vreg.gather [hbm4b:s9+s3], $0x80, v5, vm0, $0xb8;
	[tilespmem:$0x1A400] =	vst v63  }
0x42a: {  	s15 =	simm.s32 $0xD400  }
0x42b: {  	[tilespmem:s15], [sflag:$0x3] =	stream.indirect_vreg.gather [hbm4b:s2+s3], $0x80, v4, vm0, $0xb8;
	[tilespmem:$0x1A400] =	vst v63  }
0x42c: {  	s16 =	simm.s32 $0xDC00  }
0x42d: {  	[tilespmem:s16], [sflag:$0x3] =	stream.indirect_vreg.gather [hbm4b:s9+s3], $0x80, v4, vm0, $0xb8;
	[tilespmem:$0x1A400] =	vst v63  }
0x42e: {  	_ =	swait.ge [sflag:s21], $0x4000  }
0x42f: {  	s20 =	sld [smem:$0x7EE]  }
0x430: {  	[sflag:s21] =	ssyncset.done $0x0  }
0x431: {  	[sflag:s21] =	ssyncadd.s32 $0xFFFFC000  }
0x432: {  	[hbm4b:s20+s3] =	stream.linear.scatter [tilespmem:s28], [sflag:$0xB], $0x4000, $0x38;
	[tilespmem:$0x1A400] =	vst v63  }
0x433: {  	_ =	swait.ge [sflag:s1], $0x4000  }
0x434: {  	[sflag:s1] =	ssyncset.done $0x0  }
0x435: {  	[sflag:s1] =	ssyncadd.s32 $0xFFFFC000  }
0x436: {  	v4 =	vld [tilespmem:$0x2A0];
	_ =	sdelay $0x4  }
0x437: {  	v5 =	vshll.u32 v4, $0x2  }
0x438: {  	v4 =	vand.u32 $0x7, v4;
	v5 =	vand.u32 $0xFFFFFFE0, v5  }
0x439: {  	v4 =	vor.u32 v4, v5  }
0x43a: {  	v5 =	vperm.xlane v4, v1;
	_ =	sdelay $0x1  }
0x43b: {  	v5 =	vadd.s32 v2, v5;
	_ =	sdelay $0x1  }
0x43c: {  	v4 =	vperm.xlane v4, v3;
	_ =	sdelay $0x1  }
0x43d: {  	v4 =	vadd.s32 v2, v4  }
0x43e: {  	[tilespmem:s26], [sflag:$0x4] =	stream.indirect_vreg.gather [hbm4b:s2+s3], $0x80, v5, vm0, $0xb8;
	[tilespmem:$0x1A400] =	vst v63  }
0x43f: {  	s15 =	simm.s32 $0xEC00  }
0x440: {  	[tilespmem:s15], [sflag:$0x4] =	stream.indirect_vreg.gather [hbm4b:s9+s3], $0x80, v5, vm0, $0xb8;
	[tilespmem:$0x1A400] =	vst v63  }
0x441: {  	s16 =	simm.s32 $0xF400  }
0x442: {  	[tilespmem:s16], [sflag:$0x4] =	stream.indirect_vreg.gather [hbm4b:s2+s3], $0x80, v4, vm0, $0xb8;
	[tilespmem:$0x1A400] =	vst v63  }
0x443: {  	s20 =	simm.s32 $0xFC00  }
0x444: {  	[tilespmem:s20], [sflag:$0x4] =	stream.indirect_vreg.gather [hbm4b:s9+s3], $0x80, v4, vm0, $0xb8;
	[tilespmem:$0x1A400] =	vst v63  }
0x445: {  	v4 =	vld [tilespmem:$0x2B0];
	_ =	sdelay $0x4  }
0x446: {  	v5 =	vshll.u32 v4, $0x2  }
0x447: {  	v4 =	vand.u32 $0x7, v4;
	v5 =	vand.u32 $0xFFFFFFE0, v5  }
0x448: {  	v4 =	vor.u32 v4, v5  }
0x449: {  	v5 =	vperm.xlane v4, v1;
	_ =	sdelay $0x1  }
0x44a: {  	v5 =	vadd.s32 v2, v5;
	_ =	sdelay $0x1  }
0x44b: {  	v4 =	vperm.xlane v4, v3;
	_ =	sdelay $0x1  }
0x44c: {  	s15 =	simm.s32 $0x10400;
	v4 =	vadd.s32 v2, v4  }
0x44d: {  	[tilespmem:s15], [sflag:$0x4] =	stream.indirect_vreg.gather [hbm4b:s2+s3], $0x80, v5, vm0, $0xb8;
	[tilespmem:$0x1A400] =	vst v63  }
0x44e: {  	s16 =	simm.s32 $0x10C00  }
0x44f: {  	[tilespmem:s16], [sflag:$0x4] =	stream.indirect_vreg.gather [hbm4b:s9+s3], $0x80, v5, vm0, $0xb8;
	[tilespmem:$0x1A400] =	vst v63  }
0x450: {  	s20 =	simm.s32 $0x11400  }
0x451: {  	[tilespmem:s20], [sflag:$0x4] =	stream.indirect_vreg.gather [hbm4b:s2+s3], $0x80, v4, vm0, $0xb8;
	[tilespmem:$0x1A400] =	vst v63  }
0x452: {  	s15 =	simm.s32 $0x11C00  }
0x453: {  	[tilespmem:s15], [sflag:$0x4] =	stream.indirect_vreg.gather [hbm4b:s9+s3], $0x80, v4, vm0, $0xb8;
	[tilespmem:$0x1A400] =	vst v63  }
0x454: {  	_ =	swait.ge [sflag:s0], $0x4000  }
0x455: {  	s16 =	sld [smem:$0x7EF]  }
0x456: {  	[sflag:s0] =	ssyncset.done $0x0  }
0x457: {  	[sflag:s0] =	ssyncadd.s32 $0xFFFFC000  }
0x458: {  	[hbm4b:s16+s3] =	stream.linear.scatter [tilespmem:s29], [sflag:$0xC], $0x4000, $0x38;
	[tilespmem:$0x1A400] =	vst v63  }
0x459: {  	_ =	swait.ge [sflag:s4], $0x4000  }
0x45a: {  	[sflag:s4] =	ssyncset.done $0x0  }
0x45b: {  	[sflag:s4] =	ssyncadd.s32 $0xFFFFC000  }
0x45c: {  	v4 =	vld [tilespmem:$0x2C0];
	_ =	sdelay $0x4  }
0x45d: {  	v5 =	vshll.u32 v4, $0x2  }
0x45e: {  	v4 =	vand.u32 $0x7, v4;
	v5 =	vand.u32 $0xFFFFFFE0, v5  }
0x45f: {  	v4 =	vor.u32 v4, v5  }
0x460: {  	v5 =	vperm.xlane v4, v1;
	_ =	sdelay $0x1  }
0x461: {  	v5 =	vadd.s32 v2, v5;
	_ =	sdelay $0x1  }
0x462: {  	v4 =	vperm.xlane v4, v3;
	_ =	sdelay $0x1  }
0x463: {  	v4 =	vadd.s32 v2, v4  }
0x464: {  	[tilespmem:s28], [sflag:$0x5] =	stream.indirect_vreg.gather [hbm4b:s2+s3], $0x80, v5, vm0, $0xb8;
	[tilespmem:$0x1A400] =	vst v63  }
0x465: {  	s20 =	simm.s32 $0x12C00  }
0x466: {  	[tilespmem:s20], [sflag:$0x5] =	stream.indirect_vreg.gather [hbm4b:s9+s3], $0x80, v5, vm0, $0xb8;
	[tilespmem:$0x1A400] =	vst v63  }
0x467: {  	s16 =	simm.s32 $0x13400  }
0x468: {  	[tilespmem:s16], [sflag:$0x5] =	stream.indirect_vreg.gather [hbm4b:s2+s3], $0x80, v4, vm0, $0xb8;
	[tilespmem:$0x1A400] =	vst v63  }
0x469: {  	s20 =	simm.s32 $0x13C00  }
0x46a: {  	[tilespmem:s20], [sflag:$0x5] =	stream.indirect_vreg.gather [hbm4b:s9+s3], $0x80, v4, vm0, $0xb8;
	[tilespmem:$0x1A400] =	vst v63  }
0x46b: {  	v4 =	vld [tilespmem:$0x2D0];
	_ =	sdelay $0x4  }
0x46c: {  	v5 =	vshll.u32 v4, $0x2  }
0x46d: {  	v4 =	vand.u32 $0x7, v4;
	v5 =	vand.u32 $0xFFFFFFE0, v5  }
0x46e: {  	v4 =	vor.u32 v4, v5  }
0x46f: {  	v5 =	vperm.xlane v4, v1;
	_ =	sdelay $0x1  }
0x470: {  	v5 =	vadd.s32 v2, v5;
	_ =	sdelay $0x1  }
0x471: {  	v4 =	vperm.xlane v4, v3;
	_ =	sdelay $0x1  }
0x472: {  	s16 =	simm.s32 $0x14400;
	v4 =	vadd.s32 v2, v4  }
0x473: {  	[tilespmem:s16], [sflag:$0x5] =	stream.indirect_vreg.gather [hbm4b:s2+s3], $0x80, v5, vm0, $0xb8;
	[tilespmem:$0x1A400] =	vst v63  }
0x474: {  	s20 =	simm.s32 $0x14C00  }
0x475: {  	[tilespmem:s20], [sflag:$0x5] =	stream.indirect_vreg.gather [hbm4b:s9+s3], $0x80, v5, vm0, $0xb8;
	[tilespmem:$0x1A400] =	vst v63  }
0x476: {  	s16 =	simm.s32 $0x15400  }
0x477: {  	[tilespmem:s16], [sflag:$0x5] =	stream.indirect_vreg.gather [hbm4b:s2+s3], $0x80, v4, vm0, $0xb8;
	[tilespmem:$0x1A400] =	vst v63  }
0x478: {  	s20 =	simm.s32 $0x15C00  }
0x479: {  	[tilespmem:s20], [sflag:$0x5] =	stream.indirect_vreg.gather [hbm4b:s9+s3], $0x80, v4, vm0, $0xb8;
	[tilespmem:$0x1A400] =	vst v63  }
0x47a: {  	_ =	swait.ge [sflag:s31], $0x4000  }
0x47b: {  	s16 =	sld [smem:$0x7F0]  }
0x47c: {  	[sflag:s31] =	ssyncset.done $0x0  }
0x47d: {  	[sflag:s31] =	ssyncadd.s32 $0xFFFFC000  }
0x47e: {  	[hbm4b:s16+s3] =	stream.linear.scatter [tilespmem:s11], [sflag:$0x7], $0x4000, $0x38;
	[tilespmem:$0x1A400] =	vst v63  }
0x47f: {  	_ =	swait.ge [sflag:s6], $0x4000  }
0x480: {  	[sflag:s6] =	ssyncset.done $0x0  }
0x481: {  	[sflag:s6] =	ssyncadd.s32 $0xFFFFC000  }
0x482: {  	v4 =	vld [tilespmem:$0x2E0];
	_ =	sdelay $0x4  }
0x483: {  	v5 =	vshll.u32 v4, $0x2  }
0x484: {  	v4 =	vand.u32 $0x7, v4;
	v5 =	vand.u32 $0xFFFFFFE0, v5  }
0x485: {  	v4 =	vor.u32 v4, v5  }
0x486: {  	v5 =	vperm.xlane v4, v1;
	_ =	sdelay $0x1  }
0x487: {  	v5 =	vadd.s32 v2, v5;
	_ =	sdelay $0x1  }
0x488: {  	v4 =	vperm.xlane v4, v3;
	_ =	sdelay $0x1  }
0x489: {  	v4 =	vadd.s32 v2, v4  }
0x48a: {  	[tilespmem:s29], [sflag:$0x6] =	stream.indirect_vreg.gather [hbm4b:s2+s3], $0x80, v5, vm0, $0xb8;
	[tilespmem:$0x1A400] =	vst v63  }
0x48b: {  	s14 =	simm.s32 $0x16C00  }
0x48c: {  	[tilespmem:s14], [sflag:$0x6] =	stream.indirect_vreg.gather [hbm4b:s9+s3], $0x80, v5, vm0, $0xb8;
	[tilespmem:$0x1A400] =	vst v63  }
0x48d: {  	s17 =	simm.s32 $0x17400  }
0x48e: {  	[tilespmem:s17], [sflag:$0x6] =	stream.indirect_vreg.gather [hbm4b:s2+s3], $0x80, v4, vm0, $0xb8;
	[tilespmem:$0x1A400] =	vst v63  }
0x48f: {  	s17 =	simm.s32 $0x17C00  }
0x490: {  	[tilespmem:s17], [sflag:$0x6] =	stream.indirect_vreg.gather [hbm4b:s9+s3], $0x80, v4, vm0, $0xb8;
	[tilespmem:$0x1A400] =	vst v63  }
0x491: {  	v4 =	vld [tilespmem:$0x2F0];
	_ =	sdelay $0x4  }
0x492: {  	v5 =	vshll.u32 v4, $0x2  }
0x493: {  	v4 =	vand.u32 $0x7, v4;
	v5 =	vand.u32 $0xFFFFFFE0, v5  }
0x494: {  	v4 =	vor.u32 v4, v5  }
0x495: {  	v5 =	vperm.xlane v4, v1;
	_ =	sdelay $0x1  }
0x496: {  	v5 =	vadd.s32 v2, v5;
	_ =	sdelay $0x1  }
0x497: {  	v4 =	vperm.xlane v4, v3;
	_ =	sdelay $0x1  }
0x498: {  	s18 =	simm.s32 $0x18400;
	v4 =	vadd.s32 v2, v4  }
0x499: {  	[tilespmem:s18], [sflag:$0x6] =	stream.indirect_vreg.gather [hbm4b:s2+s3], $0x80, v5, vm0, $0xb8;
	[tilespmem:$0x1A400] =	vst v63  }
0x49a: {  	s18 =	simm.s32 $0x18C00  }
0x49b: {  	[tilespmem:s18], [sflag:$0x6] =	stream.indirect_vreg.gather [hbm4b:s9+s3], $0x80, v5, vm0, $0xb8;
	[tilespmem:$0x1A400] =	vst v63  }
0x49c: {  	s20 =	simm.s32 $0x19400  }
0x49d: {  	[tilespmem:s20], [sflag:$0x6] =	stream.indirect_vreg.gather [hbm4b:s2+s3], $0x80, v4, vm0, $0xb8;
	[tilespmem:$0x1A400] =	vst v63  }
0x49e: {  	s10 =	simm.s32 $0x19C00  }
0x49f: {  	[tilespmem:s10], [sflag:$0x6] =	stream.indirect_vreg.gather [hbm4b:s9+s3], $0x80, v4, vm0, $0xb8;
	[tilespmem:$0x1A400] =	vst v63  }
0x4a0: {  	_ =	swait.ge [sflag:s7], $0x4000  }
0x4a1: {  	s10 =	sld [smem:$0x7F1]  }
0x4a2: {  	[sflag:s7] =	ssyncset.done $0x0  }
0x4a3: {  	[sflag:s7] =	ssyncadd.s32 $0xFFFFC000  }
0x4a4: {  	[hbm4b:s10+s3] =	stream.linear.scatter [tilespmem:s8], [sflag:$0x8], $0x4000, $0x38;
	[tilespmem:$0x1A400] =	vst v63  }
0x4a5: {  	_ =	swait.ge [sflag:s5], $0x4000  }
0x4a6: {  	[sflag:s5] =	ssyncset.done $0x0  }
0x4a7: {  	[sflag:s5] =	ssyncadd.s32 $0xFFFFC000  }
0x4a8: {  	v4 =	vld [tilespmem:$0x300];
	_ =	sdelay $0x4  }
0x4a9: {  	v5 =	vshll.u32 v4, $0x2  }
0x4aa: {  	v4 =	vand.u32 $0x7, v4;
	v5 =	vand.u32 $0xFFFFFFE0, v5  }
0x4ab: {  	v4 =	vor.u32 v4, v5  }
0x4ac: {  	v5 =	vperm.xlane v4, v1;
	_ =	sdelay $0x1  }
0x4ad: {  	v5 =	vadd.s32 v2, v5;
	_ =	sdelay $0x1  }
0x4ae: {  	v4 =	vperm.xlane v4, v3;
	_ =	sdelay $0x1  }
0x4af: {  	v4 =	vadd.s32 v2, v4  }
0x4b0: {  	[tilespmem:s11], [sflag:$0x1] =	stream.indirect_vreg.gather [hbm4b:s2+s3], $0x80, v5, vm0, $0xb8;
	[tilespmem:$0x1A400] =	vst v63  }
0x4b1: {  	s10 =	simm.s32 $0x2C00  }
0x4b2: {  	[tilespmem:s10], [sflag:$0x1] =	stream.indirect_vreg.gather [hbm4b:s9+s3], $0x80, v5, vm0, $0xb8;
	[tilespmem:$0x1A400] =	vst v63  }
0x4b3: {  	s10 =	simm.s32 $0x3400  }
0x4b4: {  	[tilespmem:s10], [sflag:$0x1] =	stream.indirect_vreg.gather [hbm4b:s2+s3], $0x80, v4, vm0, $0xb8;
	[tilespmem:$0x1A400] =	vst v63  }
0x4b5: {  	s10 =	simm.s32 $0x3C00  }
0x4b6: {  	[tilespmem:s10], [sflag:$0x1] =	stream.indirect_vreg.gather [hbm4b:s9+s3], $0x80, v4, vm0, $0xb8;
	[tilespmem:$0x1A400] =	vst v63  }
0x4b7: {  	v4 =	vld [tilespmem:$0x310];
	_ =	sdelay $0x4  }
0x4b8: {  	v5 =	vshll.u32 v4, $0x2  }
0x4b9: {  	v4 =	vand.u32 $0x7, v4;
	v5 =	vand.u32 $0xFFFFFFE0, v5  }
0x4ba: {  	v4 =	vor.u32 v4, v5  }
0x4bb: {  	v5 =	vperm.xlane v4, v1;
	_ =	sdelay $0x1  }
0x4bc: {  	v5 =	vadd.s32 v2, v5;
	_ =	sdelay $0x1  }
0x4bd: {  	v4 =	vperm.xlane v4, v3;
	_ =	sdelay $0x1  }
0x4be: {  	s10 =	simm.s32 $0x4400;
	v4 =	vadd.s32 v2, v4  }
0x4bf: {  	[tilespmem:s10], [sflag:$0x1] =	stream.indirect_vreg.gather [hbm4b:s2+s3], $0x80, v5, vm0, $0xb8;
	[tilespmem:$0x1A400] =	vst v63  }
0x4c0: {  	s10 =	simm.s32 $0x4C00  }
0x4c1: {  	[tilespmem:s10], [sflag:$0x1] =	stream.indirect_vreg.gather [hbm4b:s9+s3], $0x80, v5, vm0, $0xb8;
	[tilespmem:$0x1A400] =	vst v63  }
0x4c2: {  	s10 =	simm.s32 $0x5400  }
0x4c3: {  	[tilespmem:s10], [sflag:$0x1] =	stream.indirect_vreg.gather [hbm4b:s2+s3], $0x80, v4, vm0, $0xb8;
	[tilespmem:$0x1A400] =	vst v63  }
0x4c4: {  	s10 =	simm.s32 $0x5C00  }
0x4c5: {  	[tilespmem:s10], [sflag:$0x1] =	stream.indirect_vreg.gather [hbm4b:s9+s3], $0x80, v4, vm0, $0xb8;
	[tilespmem:$0x1A400] =	vst v63  }
0x4c6: {  	_ =	swait.ge [sflag:s24], $0x4000  }
0x4c7: {  	s10 =	sld [smem:$0x7F2]  }
0x4c8: {  	[sflag:s24] =	ssyncset.done $0x0  }
0x4c9: {  	[sflag:s24] =	ssyncadd.s32 $0xFFFFC000  }
0x4ca: {  	[hbm4b:s10+s3] =	stream.linear.scatter [tilespmem:s19], [sflag:$0x9], $0x4000, $0x38;
	[tilespmem:$0x1A400] =	vst v63  }
0x4cb: {  	_ =	swait.ge [sflag:s23], $0x4000  }
0x4cc: {  	[sflag:s23] =	ssyncset.done $0x0  }
0x4cd: {  	[sflag:s23] =	ssyncadd.s32 $0xFFFFC000  }
0x4ce: {  	v4 =	vld [tilespmem:$0x320];
	_ =	sdelay $0x4  }
0x4cf: {  	v5 =	vshll.u32 v4, $0x2  }
0x4d0: {  	v4 =	vand.u32 $0x7, v4;
	v5 =	vand.u32 $0xFFFFFFE0, v5  }
0x4d1: {  	v4 =	vor.u32 v4, v5  }
0x4d2: {  	v5 =	vperm.xlane v4, v1;
	_ =	sdelay $0x1  }
0x4d3: {  	v5 =	vadd.s32 v2, v5;
	_ =	sdelay $0x1  }
0x4d4: {  	v4 =	vperm.xlane v4, v3;
	_ =	sdelay $0x1  }
0x4d5: {  	v4 =	vadd.s32 v2, v4  }
0x4d6: {  	[tilespmem:s8], [sflag:$0x2] =	stream.indirect_vreg.gather [hbm4b:s2+s3], $0x80, v5, vm0, $0xb8;
	[tilespmem:$0x1A400] =	vst v63  }
0x4d7: {  	s10 =	simm.s32 $0x6C00  }
0x4d8: {  	[tilespmem:s10], [sflag:$0x2] =	stream.indirect_vreg.gather [hbm4b:s9+s3], $0x80, v5, vm0, $0xb8;
	[tilespmem:$0x1A400] =	vst v63  }
0x4d9: {  	s10 =	simm.s32 $0x7400  }
0x4da: {  	[tilespmem:s10], [sflag:$0x2] =	stream.indirect_vreg.gather [hbm4b:s2+s3], $0x80, v4, vm0, $0xb8;
	[tilespmem:$0x1A400] =	vst v63  }
0x4db: {  	s10 =	simm.s32 $0x7C00  }
0x4dc: {  	[tilespmem:s10], [sflag:$0x2] =	stream.indirect_vreg.gather [hbm4b:s9+s3], $0x80, v4, vm0, $0xb8;
	[tilespmem:$0x1A400] =	vst v63  }
0x4dd: {  	v4 =	vld [tilespmem:$0x330];
	_ =	sdelay $0x4  }
0x4de: {  	v5 =	vshll.u32 v4, $0x2  }
0x4df: {  	v4 =	vand.u32 $0x7, v4;
	v5 =	vand.u32 $0xFFFFFFE0, v5  }
0x4e0: {  	v4 =	vor.u32 v4, v5  }
0x4e1: {  	v5 =	vperm.xlane v4, v1;
	_ =	sdelay $0x1  }
0x4e2: {  	v5 =	vadd.s32 v2, v5;
	_ =	sdelay $0x1  }
0x4e3: {  	v4 =	vperm.xlane v4, v3;
	_ =	sdelay $0x1  }
0x4e4: {  	s10 =	simm.s32 $0x8400;
	v4 =	vadd.s32 v2, v4  }
0x4e5: {  	[tilespmem:s10], [sflag:$0x2] =	stream.indirect_vreg.gather [hbm4b:s2+s3], $0x80, v5, vm0, $0xb8;
	[tilespmem:$0x1A400] =	vst v63  }
0x4e6: {  	s10 =	simm.s32 $0x8C00  }
0x4e7: {  	[tilespmem:s10], [sflag:$0x2] =	stream.indirect_vreg.gather [hbm4b:s9+s3], $0x80, v5, vm0, $0xb8;
	[tilespmem:$0x1A400] =	vst v63  }
0x4e8: {  	s10 =	simm.s32 $0x9400  }
0x4e9: {  	[tilespmem:s10], [sflag:$0x2] =	stream.indirect_vreg.gather [hbm4b:s2+s3], $0x80, v4, vm0, $0xb8;
	[tilespmem:$0x1A400] =	vst v63  }
0x4ea: {  	s25 =	simm.s32 $0x9C00  }
0x4eb: {  	[tilespmem:s25], [sflag:$0x2] =	stream.indirect_vreg.gather [hbm4b:s9+s3], $0x80, v4, vm0, $0xb8;
	[tilespmem:$0x1A400] =	vst v63  }
0x4ec: {  	_ =	swait.ge [sflag:s22], $0x4000  }
0x4ed: {  	s10 =	sld [smem:$0x7F3]  }
0x4ee: {  	[sflag:s22] =	ssyncset.done $0x0  }
0x4ef: {  	[sflag:s22] =	ssyncadd.s32 $0xFFFFC000  }
0x4f0: {  	[hbm4b:s10+s3] =	stream.linear.scatter [tilespmem:s26], [sflag:$0xA], $0x4000, $0x38;
	[tilespmem:$0x1A400] =	vst v63  }
0x4f1: {  	_ =	swait.ge [sflag:s30], $0x4000  }
0x4f2: {  	[sflag:s30] =	ssyncset.done $0x0  }
0x4f3: {  	[sflag:s30] =	ssyncadd.s32 $0xFFFFC000  }
0x4f4: {  	v4 =	vld [tilespmem:$0x340];
	_ =	sdelay $0x4  }
0x4f5: {  	v5 =	vshll.u32 v4, $0x2  }
0x4f6: {  	v4 =	vand.u32 $0x7, v4;
	v5 =	vand.u32 $0xFFFFFFE0, v5  }
0x4f7: {  	v4 =	vor.u32 v4, v5  }
0x4f8: {  	v5 =	vperm.xlane v4, v1;
	_ =	sdelay $0x1  }
0x4f9: {  	v5 =	vadd.s32 v2, v5;
	_ =	sdelay $0x1  }
0x4fa: {  	v4 =	vperm.xlane v4, v3;
	_ =	sdelay $0x1  }
0x4fb: {  	v4 =	vadd.s32 v2, v4  }
0x4fc: {  	[tilespmem:s19], [sflag:$0x3] =	stream.indirect_vreg.gather [hbm4b:s2+s3], $0x80, v5, vm0, $0xb8;
	[tilespmem:$0x1A400] =	vst v63  }
0x4fd: {  	s10 =	simm.s32 $0xAC00  }
0x4fe: {  	[tilespmem:s10], [sflag:$0x3] =	stream.indirect_vreg.gather [hbm4b:s9+s3], $0x80, v5, vm0, $0xb8;
	[tilespmem:$0x1A400] =	vst v63  }
0x4ff: {  	s10 =	simm.s32 $0xB400  }
0x500: {  	[tilespmem:s10], [sflag:$0x3] =	stream.indirect_vreg.gather [hbm4b:s2+s3], $0x80, v4, vm0, $0xb8;
	[tilespmem:$0x1A400] =	vst v63  }
0x501: {  	s10 =	simm.s32 $0xBC00  }
0x502: {  	[tilespmem:s10], [sflag:$0x3] =	stream.indirect_vreg.gather [hbm4b:s9+s3], $0x80, v4, vm0, $0xb8;
	[tilespmem:$0x1A400] =	vst v63  }
0x503: {  	v4 =	vld [tilespmem:$0x350];
	_ =	sdelay $0x4  }
0x504: {  	v5 =	vshll.u32 v4, $0x2  }
0x505: {  	v4 =	vand.u32 $0x7, v4;
	v5 =	vand.u32 $0xFFFFFFE0, v5  }
0x506: {  	v4 =	vor.u32 v4, v5  }
0x507: {  	v5 =	vperm.xlane v4, v1;
	_ =	sdelay $0x1  }
0x508: {  	v5 =	vadd.s32 v2, v5;
	_ =	sdelay $0x1  }
0x509: {  	v4 =	vperm.xlane v4, v3;
	_ =	sdelay $0x1  }
0x50a: {  	s10 =	simm.s32 $0xC400;
	v4 =	vadd.s32 v2, v4  }
0x50b: {  	[tilespmem:s10], [sflag:$0x3] =	stream.indirect_vreg.gather [hbm4b:s2+s3], $0x80, v5, vm0, $0xb8;
	[tilespmem:$0x1A400] =	vst v63  }
0x50c: {  	s10 =	simm.s32 $0xCC00  }
0x50d: {  	[tilespmem:s10], [sflag:$0x3] =	stream.indirect_vreg.gather [hbm4b:s9+s3], $0x80, v5, vm0, $0xb8;
	[tilespmem:$0x1A400] =	vst v63  }
0x50e: {  	s10 =	simm.s32 $0xD400  }
0x50f: {  	[tilespmem:s10], [sflag:$0x3] =	stream.indirect_vreg.gather [hbm4b:s2+s3], $0x80, v4, vm0, $0xb8;
	[tilespmem:$0x1A400] =	vst v63  }
0x510: {  	s13 =	simm.s32 $0xDC00  }
0x511: {  	[tilespmem:s13], [sflag:$0x3] =	stream.indirect_vreg.gather [hbm4b:s9+s3], $0x80, v4, vm0, $0xb8;
	[tilespmem:$0x1A400] =	vst v63  }
0x512: {  	_ =	swait.ge [sflag:s21], $0x4000  }
0x513: {  	s13 =	sld [smem:$0x7F4]  }
0x514: {  	[sflag:s21] =	ssyncset.done $0x0  }
0x515: {  	[sflag:s21] =	ssyncadd.s32 $0xFFFFC000  }
0x516: {  	[hbm4b:s13+s3] =	stream.linear.scatter [tilespmem:s28], [sflag:$0xB], $0x4000, $0x38;
	[tilespmem:$0x1A400] =	vst v63  }
0x517: {  	_ =	swait.ge [sflag:s1], $0x4000  }
0x518: {  	[sflag:s1] =	ssyncset.done $0x0  }
0x519: {  	[sflag:s1] =	ssyncadd.s32 $0xFFFFC000  }
0x51a: {  	v4 =	vld [tilespmem:$0x360];
	_ =	sdelay $0x4  }
0x51b: {  	v5 =	vshll.u32 v4, $0x2  }
0x51c: {  	v4 =	vand.u32 $0x7, v4;
	v5 =	vand.u32 $0xFFFFFFE0, v5  }
0x51d: {  	v4 =	vor.u32 v4, v5  }
0x51e: {  	v5 =	vperm.xlane v4, v1;
	_ =	sdelay $0x1  }
0x51f: {  	v5 =	vadd.s32 v2, v5;
	_ =	sdelay $0x1  }
0x520: {  	v4 =	vperm.xlane v4, v3;
	_ =	sdelay $0x1  }
0x521: {  	v4 =	vadd.s32 v2, v4  }
0x522: {  	[tilespmem:s26], [sflag:$0x4] =	stream.indirect_vreg.gather [hbm4b:s2+s3], $0x80, v5, vm0, $0xb8;
	[tilespmem:$0x1A400] =	vst v63  }
0x523: {  	s13 =	simm.s32 $0xEC00  }
0x524: {  	[tilespmem:s13], [sflag:$0x4] =	stream.indirect_vreg.gather [hbm4b:s9+s3], $0x80, v5, vm0, $0xb8;
	[tilespmem:$0x1A400] =	vst v63  }
0x525: {  	s13 =	simm.s32 $0xF400  }
0x526: {  	[tilespmem:s13], [sflag:$0x4] =	stream.indirect_vreg.gather [hbm4b:s2+s3], $0x80, v4, vm0, $0xb8;
	[tilespmem:$0x1A400] =	vst v63  }
0x527: {  	s13 =	simm.s32 $0xFC00  }
0x528: {  	[tilespmem:s13], [sflag:$0x4] =	stream.indirect_vreg.gather [hbm4b:s9+s3], $0x80, v4, vm0, $0xb8;
	[tilespmem:$0x1A400] =	vst v63  }
0x529: {  	v4 =	vld [tilespmem:$0x370];
	_ =	sdelay $0x4  }
0x52a: {  	v5 =	vshll.u32 v4, $0x2  }
0x52b: {  	v4 =	vand.u32 $0x7, v4;
	v5 =	vand.u32 $0xFFFFFFE0, v5  }
0x52c: {  	v4 =	vor.u32 v4, v5  }
0x52d: {  	v5 =	vperm.xlane v4, v1;
	_ =	sdelay $0x1  }
0x52e: {  	v5 =	vadd.s32 v2, v5;
	_ =	sdelay $0x1  }
0x52f: {  	v4 =	vperm.xlane v4, v3;
	_ =	sdelay $0x1  }
0x530: {  	s13 =	simm.s32 $0x10400;
	v4 =	vadd.s32 v2, v4  }
0x531: {  	[tilespmem:s13], [sflag:$0x4] =	stream.indirect_vreg.gather [hbm4b:s2+s3], $0x80, v5, vm0, $0xb8;
	[tilespmem:$0x1A400] =	vst v63  }
0x532: {  	s13 =	simm.s32 $0x10C00  }
0x533: {  	[tilespmem:s13], [sflag:$0x4] =	stream.indirect_vreg.gather [hbm4b:s9+s3], $0x80, v5, vm0, $0xb8;
	[tilespmem:$0x1A400] =	vst v63  }
0x534: {  	s13 =	simm.s32 $0x11400  }
0x535: {  	[tilespmem:s13], [sflag:$0x4] =	stream.indirect_vreg.gather [hbm4b:s2+s3], $0x80, v4, vm0, $0xb8;
	[tilespmem:$0x1A400] =	vst v63  }
0x536: {  	s15 =	simm.s32 $0x11C00  }
0x537: {  	[tilespmem:s15], [sflag:$0x4] =	stream.indirect_vreg.gather [hbm4b:s9+s3], $0x80, v4, vm0, $0xb8;
	[tilespmem:$0x1A400] =	vst v63  }
0x538: {  	_ =	swait.ge [sflag:s0], $0x4000  }
0x539: {  	s15 =	sld [smem:$0x7F5]  }
0x53a: {  	[sflag:s0] =	ssyncset.done $0x0  }
0x53b: {  	[sflag:s0] =	ssyncadd.s32 $0xFFFFC000  }
0x53c: {  	[hbm4b:s15+s3] =	stream.linear.scatter [tilespmem:s29], [sflag:$0xC], $0x4000, $0x38;
	[tilespmem:$0x1A400] =	vst v63  }
0x53d: {  	_ =	swait.ge [sflag:s4], $0x4000  }
0x53e: {  	[sflag:s4] =	ssyncset.done $0x0  }
0x53f: {  	[sflag:s4] =	ssyncadd.s32 $0xFFFFC000  }
0x540: {  	v4 =	vld [tilespmem:$0x380];
	_ =	sdelay $0x4  }
0x541: {  	v5 =	vshll.u32 v4, $0x2  }
0x542: {  	v4 =	vand.u32 $0x7, v4;
	v5 =	vand.u32 $0xFFFFFFE0, v5  }
0x543: {  	v4 =	vor.u32 v4, v5  }
0x544: {  	v5 =	vperm.xlane v4, v1;
	_ =	sdelay $0x1  }
0x545: {  	v5 =	vadd.s32 v2, v5;
	_ =	sdelay $0x1  }
0x546: {  	v4 =	vperm.xlane v4, v3;
	_ =	sdelay $0x1  }
0x547: {  	v4 =	vadd.s32 v2, v4  }
0x548: {  	[tilespmem:s28], [sflag:$0x5] =	stream.indirect_vreg.gather [hbm4b:s2+s3], $0x80, v5, vm0, $0xb8;
	[tilespmem:$0x1A400] =	vst v63  }
0x549: {  	s13 =	simm.s32 $0x12C00  }
0x54a: {  	[tilespmem:s13], [sflag:$0x5] =	stream.indirect_vreg.gather [hbm4b:s9+s3], $0x80, v5, vm0, $0xb8;
	[tilespmem:$0x1A400] =	vst v63  }
0x54b: {  	s15 =	simm.s32 $0x13400  }
0x54c: {  	[tilespmem:s15], [sflag:$0x5] =	stream.indirect_vreg.gather [hbm4b:s2+s3], $0x80, v4, vm0, $0xb8;
	[tilespmem:$0x1A400] =	vst v63  }
0x54d: {  	s13 =	simm.s32 $0x13C00  }
0x54e: {  	[tilespmem:s13], [sflag:$0x5] =	stream.indirect_vreg.gather [hbm4b:s9+s3], $0x80, v4, vm0, $0xb8;
	[tilespmem:$0x1A400] =	vst v63  }
0x54f: {  	v4 =	vld [tilespmem:$0x390];
	_ =	sdelay $0x4  }
0x550: {  	v5 =	vshll.u32 v4, $0x2  }
0x551: {  	v4 =	vand.u32 $0x7, v4;
	v5 =	vand.u32 $0xFFFFFFE0, v5  }
0x552: {  	v4 =	vor.u32 v4, v5  }
0x553: {  	v5 =	vperm.xlane v4, v1;
	_ =	sdelay $0x1  }
0x554: {  	v5 =	vadd.s32 v2, v5;
	_ =	sdelay $0x1  }
0x555: {  	v4 =	vperm.xlane v4, v3;
	_ =	sdelay $0x1  }
0x556: {  	s15 =	simm.s32 $0x14400;
	v4 =	vadd.s32 v2, v4  }
0x557: {  	[tilespmem:s15], [sflag:$0x5] =	stream.indirect_vreg.gather [hbm4b:s2+s3], $0x80, v5, vm0, $0xb8;
	[tilespmem:$0x1A400] =	vst v63  }
0x558: {  	s13 =	simm.s32 $0x14C00  }
0x559: {  	[tilespmem:s13], [sflag:$0x5] =	stream.indirect_vreg.gather [hbm4b:s9+s3], $0x80, v5, vm0, $0xb8;
	[tilespmem:$0x1A400] =	vst v63  }
0x55a: {  	s15 =	simm.s32 $0x15400  }
0x55b: {  	[tilespmem:s15], [sflag:$0x5] =	stream.indirect_vreg.gather [hbm4b:s2+s3], $0x80, v4, vm0, $0xb8;
	[tilespmem:$0x1A400] =	vst v63  }
0x55c: {  	s13 =	simm.s32 $0x15C00  }
0x55d: {  	[tilespmem:s13], [sflag:$0x5] =	stream.indirect_vreg.gather [hbm4b:s9+s3], $0x80, v4, vm0, $0xb8;
	[tilespmem:$0x1A400] =	vst v63  }
0x55e: {  	_ =	swait.ge [sflag:s31], $0x4000  }
0x55f: {  	s15 =	sld [smem:$0x7F6]  }
0x560: {  	[sflag:s31] =	ssyncset.done $0x0  }
0x561: {  	[sflag:s31] =	ssyncadd.s32 $0xFFFFC000  }
0x562: {  	[hbm4b:s15+s3] =	stream.linear.scatter [tilespmem:s11], [sflag:$0x7], $0x4000, $0x38;
	[tilespmem:$0x1A400] =	vst v63  }
0x563: {  	_ =	swait.ge [sflag:s6], $0x4000  }
0x564: {  	[sflag:s6] =	ssyncset.done $0x0  }
0x565: {  	[sflag:s6] =	ssyncadd.s32 $0xFFFFC000  }
0x566: {  	v4 =	vld [tilespmem:$0x3A0];
	_ =	sdelay $0x4  }
0x567: {  	v5 =	vshll.u32 v4, $0x2  }
0x568: {  	v4 =	vand.u32 $0x7, v4;
	v5 =	vand.u32 $0xFFFFFFE0, v5  }
0x569: {  	v4 =	vor.u32 v4, v5  }
0x56a: {  	v5 =	vperm.xlane v4, v1;
	_ =	sdelay $0x1  }
0x56b: {  	v5 =	vadd.s32 v2, v5;
	_ =	sdelay $0x1  }
0x56c: {  	v4 =	vperm.xlane v4, v3;
	_ =	sdelay $0x1  }
0x56d: {  	v4 =	vadd.s32 v2, v4  }
0x56e: {  	[tilespmem:s29], [sflag:$0x6] =	stream.indirect_vreg.gather [hbm4b:s2+s3], $0x80, v5, vm0, $0xb8;
	[tilespmem:$0x1A400] =	vst v63  }
0x56f: {  	s14 =	simm.s32 $0x16C00  }
0x570: {  	[tilespmem:s14], [sflag:$0x6] =	stream.indirect_vreg.gather [hbm4b:s9+s3], $0x80, v5, vm0, $0xb8;
	[tilespmem:$0x1A400] =	vst v63  }
0x571: {  	s16 =	simm.s32 $0x17400  }
0x572: {  	[tilespmem:s16], [sflag:$0x6] =	stream.indirect_vreg.gather [hbm4b:s2+s3], $0x80, v4, vm0, $0xb8;
	[tilespmem:$0x1A400] =	vst v63  }
0x573: {  	s16 =	simm.s32 $0x17C00  }
0x574: {  	[tilespmem:s16], [sflag:$0x6] =	stream.indirect_vreg.gather [hbm4b:s9+s3], $0x80, v4, vm0, $0xb8;
	[tilespmem:$0x1A400] =	vst v63  }
0x575: {  	v4 =	vld [tilespmem:$0x3B0];
	_ =	sdelay $0x4  }
0x576: {  	v5 =	vshll.u32 v4, $0x2  }
0x577: {  	v4 =	vand.u32 $0x7, v4;
	v5 =	vand.u32 $0xFFFFFFE0, v5  }
0x578: {  	v4 =	vor.u32 v4, v5  }
0x579: {  	v5 =	vperm.xlane v4, v1;
	_ =	sdelay $0x1  }
0x57a: {  	v5 =	vadd.s32 v2, v5;
	_ =	sdelay $0x1  }
0x57b: {  	v4 =	vperm.xlane v4, v3;
	_ =	sdelay $0x1  }
0x57c: {  	s17 =	simm.s32 $0x18400;
	v4 =	vadd.s32 v2, v4  }
0x57d: {  	[tilespmem:s17], [sflag:$0x6] =	stream.indirect_vreg.gather [hbm4b:s2+s3], $0x80, v5, vm0, $0xb8;
	[tilespmem:$0x1A400] =	vst v63  }
0x57e: {  	s18 =	simm.s32 $0x18C00  }
0x57f: {  	[tilespmem:s18], [sflag:$0x6] =	stream.indirect_vreg.gather [hbm4b:s9+s3], $0x80, v5, vm0, $0xb8;
	[tilespmem:$0x1A400] =	vst v63  }
0x580: {  	s20 =	simm.s32 $0x19400  }
0x581: {  	[tilespmem:s20], [sflag:$0x6] =	stream.indirect_vreg.gather [hbm4b:s2+s3], $0x80, v4, vm0, $0xb8;
	[tilespmem:$0x1A400] =	vst v63  }
0x582: {  	s17 =	simm.s32 $0x19C00  }
0x583: {  	[tilespmem:s17], [sflag:$0x6] =	stream.indirect_vreg.gather [hbm4b:s9+s3], $0x80, v4, vm0, $0xb8;
	[tilespmem:$0x1A400] =	vst v63  }
0x584: {  	_ =	swait.ge [sflag:s7], $0x4000  }
0x585: {  	s18 =	sld [smem:$0x7F7]  }
0x586: {  	[sflag:s7] =	ssyncset.done $0x0  }
0x587: {  	[sflag:s7] =	ssyncadd.s32 $0xFFFFC000  }
0x588: {  	[hbm4b:s18+s3] =	stream.linear.scatter [tilespmem:s8], [sflag:$0x8], $0x4000, $0x38;
	[tilespmem:$0x1A400] =	vst v63  }
0x589: {  	_ =	swait.ge [sflag:s5], $0x4000  }
0x58a: {  	[sflag:s5] =	ssyncset.done $0x0  }
0x58b: {  	[sflag:s5] =	ssyncadd.s32 $0xFFFFC000  }
0x58c: {  	v4 =	vld [tilespmem:$0x3C0];
	_ =	sdelay $0x4  }
0x58d: {  	v5 =	vshll.u32 v4, $0x2  }
0x58e: {  	v4 =	vand.u32 $0x7, v4;
	v5 =	vand.u32 $0xFFFFFFE0, v5  }
0x58f: {  	v4 =	vor.u32 v4, v5  }
0x590: {  	v5 =	vperm.xlane v4, v1;
	_ =	sdelay $0x1  }
0x591: {  	v5 =	vadd.s32 v2, v5;
	_ =	sdelay $0x1  }
0x592: {  	v4 =	vperm.xlane v4, v3;
	_ =	sdelay $0x1  }
0x593: {  	v4 =	vadd.s32 v2, v4  }
0x594: {  	[tilespmem:s11], [sflag:$0x1] =	stream.indirect_vreg.gather [hbm4b:s2+s3], $0x80, v5, vm0, $0xb8;
	[tilespmem:$0x1A400] =	vst v63  }
0x595: {  	s20 =	simm.s32 $0x2C00  }
0x596: {  	[tilespmem:s20], [sflag:$0x1] =	stream.indirect_vreg.gather [hbm4b:s9+s3], $0x80, v5, vm0, $0xb8;
	[tilespmem:$0x1A400] =	vst v63  }
0x597: {  	s13 =	simm.s32 $0x3400  }
0x598: {  	[tilespmem:s13], [sflag:$0x1] =	stream.indirect_vreg.gather [hbm4b:s2+s3], $0x80, v4, vm0, $0xb8;
	[tilespmem:$0x1A400] =	vst v63  }
0x599: {  	s14 =	simm.s32 $0x3C00  }
0x59a: {  	[tilespmem:s14], [sflag:$0x1] =	stream.indirect_vreg.gather [hbm4b:s9+s3], $0x80, v4, vm0, $0xb8;
	[tilespmem:$0x1A400] =	vst v63  }
0x59b: {  	v4 =	vld [tilespmem:$0x3D0];
	_ =	sdelay $0x4  }
0x59c: {  	v5 =	vshll.u32 v4, $0x2  }
0x59d: {  	v4 =	vand.u32 $0x7, v4;
	v5 =	vand.u32 $0xFFFFFFE0, v5  }
0x59e: {  	v4 =	vor.u32 v4, v5  }
0x59f: {  	v5 =	vperm.xlane v4, v1;
	_ =	sdelay $0x1  }
0x5a0: {  	v5 =	vadd.s32 v2, v5;
	_ =	sdelay $0x1  }
0x5a1: {  	v4 =	vperm.xlane v4, v3;
	_ =	sdelay $0x1  }
0x5a2: {  	s15 =	simm.s32 $0x4400;
	v4 =	vadd.s32 v2, v4  }
0x5a3: {  	[tilespmem:s15], [sflag:$0x1] =	stream.indirect_vreg.gather [hbm4b:s2+s3], $0x80, v5, vm0, $0xb8;
	[tilespmem:$0x1A400] =	vst v63  }
0x5a4: {  	s16 =	simm.s32 $0x4C00  }
0x5a5: {  	[tilespmem:s16], [sflag:$0x1] =	stream.indirect_vreg.gather [hbm4b:s9+s3], $0x80, v5, vm0, $0xb8;
	[tilespmem:$0x1A400] =	vst v63  }
0x5a6: {  	s17 =	simm.s32 $0x5400  }
0x5a7: {  	[tilespmem:s17], [sflag:$0x1] =	stream.indirect_vreg.gather [hbm4b:s2+s3], $0x80, v4, vm0, $0xb8;
	[tilespmem:$0x1A400] =	vst v63  }
0x5a8: {  	s18 =	simm.s32 $0x5C00  }
0x5a9: {  	[tilespmem:s18], [sflag:$0x1] =	stream.indirect_vreg.gather [hbm4b:s9+s3], $0x80, v4, vm0, $0xb8;
	[tilespmem:$0x1A400] =	vst v63  }
0x5aa: {  	_ =	swait.ge [sflag:s24], $0x4000  }
0x5ab: {  	s20 =	sld [smem:$0x7F8]  }
0x5ac: {  	[sflag:s24] =	ssyncset.done $0x0  }
0x5ad: {  	[sflag:s24] =	ssyncadd.s32 $0xFFFFC000  }
0x5ae: {  	[hbm4b:s20+s3] =	stream.linear.scatter [tilespmem:s19], [sflag:$0x9], $0x4000, $0x38;
	[tilespmem:$0x1A400] =	vst v63  }
0x5af: {  	_ =	swait.ge [sflag:s23], $0x4000  }
0x5b0: {  	[sflag:s23] =	ssyncset.done $0x0  }
0x5b1: {  	[sflag:s23] =	ssyncadd.s32 $0xFFFFC000  }
0x5b2: {  	v4 =	vld [tilespmem:$0x3E0];
	_ =	sdelay $0x4  }
0x5b3: {  	v5 =	vshll.u32 v4, $0x2  }
0x5b4: {  	v4 =	vand.u32 $0x7, v4;
	v5 =	vand.u32 $0xFFFFFFE0, v5  }
0x5b5: {  	v4 =	vor.u32 v4, v5  }
0x5b6: {  	v5 =	vperm.xlane v4, v1;
	_ =	sdelay $0x1  }
0x5b7: {  	v5 =	vadd.s32 v2, v5;
	_ =	sdelay $0x1  }
0x5b8: {  	v4 =	vperm.xlane v4, v3;
	_ =	sdelay $0x1  }
0x5b9: {  	v4 =	vadd.s32 v2, v4  }
0x5ba: {  	[tilespmem:s8], [sflag:$0x2] =	stream.indirect_vreg.gather [hbm4b:s2+s3], $0x80, v5, vm0, $0xb8;
	[tilespmem:$0x1A400] =	vst v63  }
0x5bb: {  	s24 =	simm.s32 $0x6C00  }
0x5bc: {  	[tilespmem:s24], [sflag:$0x2] =	stream.indirect_vreg.gather [hbm4b:s9+s3], $0x80, v5, vm0, $0xb8;
	[tilespmem:$0x1A400] =	vst v63  }
0x5bd: {  	s13 =	simm.s32 $0x7400  }
0x5be: {  	[tilespmem:s13], [sflag:$0x2] =	stream.indirect_vreg.gather [hbm4b:s2+s3], $0x80, v4, vm0, $0xb8;
	[tilespmem:$0x1A400] =	vst v63  }
0x5bf: {  	s14 =	simm.s32 $0x7C00  }
0x5c0: {  	[tilespmem:s14], [sflag:$0x2] =	stream.indirect_vreg.gather [hbm4b:s9+s3], $0x80, v4, vm0, $0xb8;
	[tilespmem:$0x1A400] =	vst v63  }
0x5c1: {  	v4 =	vld [tilespmem:$0x3F0];
	_ =	sdelay $0x4  }
0x5c2: {  	v5 =	vshll.u32 v4, $0x2  }
0x5c3: {  	v4 =	vand.u32 $0x7, v4;
	v5 =	vand.u32 $0xFFFFFFE0, v5  }
0x5c4: {  	v4 =	vor.u32 v4, v5  }
0x5c5: {  	v5 =	vperm.xlane v4, v1;
	_ =	sdelay $0x1  }
0x5c6: {  	v5 =	vadd.s32 v2, v5;
	_ =	sdelay $0x1  }
0x5c7: {  	v4 =	vperm.xlane v4, v3;
	_ =	sdelay $0x1  }
0x5c8: {  	s15 =	simm.s32 $0x8400;
	v4 =	vadd.s32 v2, v4  }
0x5c9: {  	[tilespmem:s15], [sflag:$0x2] =	stream.indirect_vreg.gather [hbm4b:s2+s3], $0x80, v5, vm0, $0xb8;
	[tilespmem:$0x1A400] =	vst v63  }
0x5ca: {  	s16 =	simm.s32 $0x8C00  }
0x5cb: {  	[tilespmem:s16], [sflag:$0x2] =	stream.indirect_vreg.gather [hbm4b:s9+s3], $0x80, v5, vm0, $0xb8;
	[tilespmem:$0x1A400] =	vst v63  }
0x5cc: {  	s17 =	simm.s32 $0x9400  }
0x5cd: {  	[tilespmem:s17], [sflag:$0x2] =	stream.indirect_vreg.gather [hbm4b:s2+s3], $0x80, v4, vm0, $0xb8;
	[tilespmem:$0x1A400] =	vst v63  }
0x5ce: {  	s25 =	simm.s32 $0x9C00  }
0x5cf: {  	[tilespmem:s25], [sflag:$0x2] =	stream.indirect_vreg.gather [hbm4b:s9+s3], $0x80, v4, vm0, $0xb8;
	[tilespmem:$0x1A400] =	vst v63  }
0x5d0: {  	_ =	swait.ge [sflag:s22], $0x4000  }
0x5d1: {  	s18 =	sld [smem:$0x7F9]  }
0x5d2: {  	[sflag:s22] =	ssyncset.done $0x0  }
0x5d3: {  	[sflag:s22] =	ssyncadd.s32 $0xFFFFC000  }
0x5d4: {  	[hbm4b:s18+s3] =	stream.linear.scatter [tilespmem:s26], [sflag:$0xA], $0x4000, $0x38;
	[tilespmem:$0x1A400] =	vst v63  }
0x5d5: {  	_ =	swait.ge [sflag:s21], $0x4000  }
0x5d6: {  	s20 =	sld [smem:$0x7FA]  }
0x5d7: {  	[sflag:s21] =	ssyncset.done $0x0  }
0x5d8: {  	[sflag:s21] =	ssyncadd.s32 $0xFFFFC000  }
0x5d9: {  	[hbm4b:s20+s3] =	stream.linear.scatter [tilespmem:s28], [sflag:$0xB], $0x4000, $0x38;
	[tilespmem:$0x1A400] =	vst v63  }
0x5da: {  	_ =	swait.ge [sflag:s0], $0x4000  }
0x5db: {  	s21 =	sld [smem:$0x7FB]  }
0x5dc: {  	[sflag:s0] =	ssyncset.done $0x0  }
0x5dd: {  	[sflag:s0] =	ssyncadd.s32 $0xFFFFC000  }
0x5de: {  	[hbm4b:s21+s3] =	stream.linear.scatter [tilespmem:s29], [sflag:$0xC], $0x4000, $0x38;
	[tilespmem:$0x1A400] =	vst v63  }
0x5df: {  	_ =	swait.ge [sflag:s31], $0x4000  }
0x5e0: {  	s22 =	sld [smem:$0x7FC]  }
0x5e1: {  	[sflag:s31] =	ssyncset.done $0x0  }
0x5e2: {  	[sflag:s31] =	ssyncadd.s32 $0xFFFFC000  }
0x5e3: {  	[hbm4b:s22+s3] =	stream.linear.scatter [tilespmem:s11], [sflag:$0x7], $0x4000, $0x38;
	[tilespmem:$0x1A400] =	vst v63  }
0x5e4: {  	_ =	swait.ge [sflag:s7], $0x4000  }
0x5e5: {  	s24 =	sld [smem:$0x7FD]  }
0x5e6: {  	[sflag:s7] =	ssyncset.done $0x0  }
0x5e7: {  	[sflag:s7] =	ssyncadd.s32 $0xFFFFC000  }
0x5e8: {  	[hbm4b:s24+s3] =	stream.linear.scatter [tilespmem:s8], [sflag:$0x8], $0x4000, $0x38;
	[tilespmem:$0x1A400] =	vst v63  }
0x5e9: {  	_ =	swait.ge [sflag:s30], $0x4000  }
0x5ea: {  	[sflag:s30] =	ssyncset.done $0x0  }
0x5eb: {  	[sflag:s30] =	ssyncadd.s32 $0xFFFFC000  }
0x5ec: {  	_ =	swait.ge [sflag:s1], $0x4000  }
0x5ed: {  	[sflag:s1] =	ssyncset.done $0x0  }
0x5ee: {  	[sflag:s1] =	ssyncadd.s32 $0xFFFFC000  }
0x5ef: {  	_ =	swait.ge [sflag:s4], $0x4000  }
0x5f0: {  	[sflag:s4] =	ssyncset.done $0x0  }
0x5f1: {  	[sflag:s4] =	ssyncadd.s32 $0xFFFFC000  }
0x5f2: {  	_ =	swait.ge [sflag:s6], $0x4000  }
0x5f3: {  	[sflag:s6] =	ssyncset.done $0x0  }
0x5f4: {  	[sflag:s6] =	ssyncadd.s32 $0xFFFFC000  }
0x5f5: {  	_ =	swait.ge [sflag:s5], $0x4000  }
0x5f6: {  	[sflag:s5] =	ssyncset.done $0x0  }
0x5f7: {  	[sflag:s5] =	ssyncadd.s32 $0xFFFFC000  }
0x5f8: {  	_ =	swait.ge [sflag:s23], $0x4000  }
0x5f9: {  	s25 =	sld [smem:$0x7ED];
	_ =	sdelay $0x2  }
0x5fa: {  	s30 =	rddreg [dreg:$0x12];
	s8 =	sadd.s32 $0x1, s25  }
0x5fb: {  	p0 =	sne.s32 s8, s30  }
.Ltmp17:
0x5fc: {  	_ = 	snop;
	(pc) =	sbr.rel @p0 .LBB2_1-.Ltmp17, $3  }
0x5fd: {  	_ =	sdelay $0x1  }
0x5fe: {  	[sflag:s23] =	ssyncset.done $0x0  }
0x5ff: {  	s18 =	simm.s32 $0x400;
	[sflag:s23] =	ssyncadd.s32 $0xFFFFC000  }
0x600: {  	_ =	sfence.sel $0x180000  }
0x601: {  	[bflag:$0x0] =	sbarrier.arrive $0xFFFF  }
0x602: {  	_ =	strace $0x90000047  }
0x603: {  	s0 =	stileid.u32;
	[bflag:$0x2] =	sbarrier.arrive $0xFFFF  }
0x604: {  	p0 =	sne.s32 s0, $0x0;
	s0 =	rddreg [dreg:$0x4]  }
0x605: {  	s0 =	sadd.s32 @!p0 $0x100000, s0  }
0x606: {  	[sflag:s0] =	ssyncadd.tile.s32 @!p0 $0x1;
	_ =	shalt  }
.Lfunc_end2:
_tile_overlayer_lowered:
.L_overlay_start_2:
0x607: {  	(tag) =	ssettag $0x2  }
0x608: {  	s0 =	rddreg [dreg:$0x0];
	s2 =	stileid.u32  }
0x609: {  	s1 =	rddreg [dreg:$0x1];
	p0 =	sne.s32 s2, $0x0  }
0x60a: {  	s3 =	rddreg [dreg:$0x2];
	[bflag:$0x3] =	sbarrier.arrive $0xFFFF;
	s2 =	simm.s32 @!p0 $0x1C15  }
0x60b: {  	[timem:s3], [sflag:s2] =	dma.local @!p0 [hbm:s0], s1  }
0x60c: {  	s0 =	simm.s32 @!p0 $0x15  }
0x60d: {  	_ =	swait.ge @!p0 [sflag:s0], s1  }
0x60e: {  	s1 =	ssub.s32 @!p0 $0x0, s1;
	[sflag:s0] =	ssyncset.done @!p0 $0x0  }
0x60f: {  	[sflag:s0] =	ssyncadd.s32 @!p0 s1  }
0x610: {  	[bflag:$0x3] =	sbarrier.arrive $0xFFFF  }
0x611: {  	_ =	shalt  }

</sc_bundles>
